<compile_context>
chip_gen: v7x
topology: tpu7x:2x2x1
jax: 0.10.2.dev20260603
libtpu: 0.0.44.dev20260713+nightly
codegen_flags: <defaults>
</compile_context>

<pallas_src>
import functools

import jax
import jax.numpy as jnp
from jax import lax
from jax.experimental import pallas as pl
from jax.experimental.pallas import tpu as pltpu
from jax.experimental.pallas import tpu_sc as plsc

NUM_CLASSES = 1000000
DIM = 64
BATCH = 1024
SEQ = 200
BL = BATCH * SEQ

NUM_WORKERS = 32
ROWS_PER_WORKER = BL // NUM_WORKERS
CHUNK = 128
NUM_CHUNKS = ROWS_PER_WORKER // CHUNK
NUM_PAIRS = NUM_CHUNKS // 2

_INV2PI = 0.15915494309189535
_MAGIC = 1.5 * 2.0**23
_C1 = 6.28125
_C2 = 6.283185307179586 - 6.28125

_S0, _S1, _S2, _S3 = (9.9945015e-01, -1.6583844e-01, 7.9985755e-03,
                      -1.4774044e-04)
_D0, _D1, _D2, _D3, _D4 = (9.9997109e-01, -4.9983761e-01, 4.1522305e-02,
                           -1.3441069e-03, 1.9065215e-05)


def _sincos(p):
    k = (p * _INV2PI + _MAGIC) - _MAGIC
    r = (p - k * _C1) - k * _C2
    t = r * r
    t2 = t * t
    s = ((_S0 + _S1 * t) + t2 * (_S2 + _S3 * t)) * r
    c_ = (_D0 + _D1 * t) + t2 * ((_D2 + _D3 * t) + t2 * _D4)
    return s, c_


def _body(words_hbm, tab_hbm, out_hbm,
          idx0, idx1, buf0, buf1, ob0, ob1,
          gsem0, gsem1, wsem0, wsem1):
    nc = 2
    wid = lax.axis_index("s") * nc + lax.axis_index("c")
    chunk0 = wid * NUM_CHUNKS

    def compute(buf, ob, l):
        posv = jnp.full((16,), (l + 1).astype(jnp.float32), jnp.float32)

        @plsc.parallel_loop(0, CHUNK, unroll=16)
        def row_body(r):
            for j in range(DIM // 16):
                a = buf[r, pl.ds(16 * j, 16)]
                f = buf[r, pl.ds(DIM + 16 * j, 16)]
                s, c = _sincos(f * posv)
                ob[r, pl.ds(16 * j, 16)] = a * c
                ob[r, pl.ds(DIM + 16 * j, 16)] = a * s

    def start_gather(g, idx, buf, gsem):
        pltpu.sync_copy(words_hbm.at[pl.ds(g * CHUNK, CHUNK)], idx)
        pltpu.make_async_copy(tab_hbm.at[idx], buf, gsem).start()

    def wait_gather(idx, buf, gsem):
        pltpu.make_async_copy(tab_hbm.at[idx], buf, gsem).wait()

    def out_block(g):
        q0 = g * CHUNK
        l = q0 // BATCH
        b0 = q0 % BATCH
        return out_hbm.at[pl.ds(b0, CHUNK), l], l

    start_gather(chunk0, idx0, buf0, gsem0)

    def pair_body(i, carry):
        g0 = chunk0 + 2 * i
        g1 = g0 + 1
        dst0, l0 = out_block(g0)
        dst1, l1 = out_block(g1)

        start_gather(g1, idx1, buf1, gsem1)

        wait_gather(idx0, buf0, gsem0)

        @pl.when(i > 0)
        def _():
            pltpu.make_async_copy(ob0, dst0, wsem0).wait()

        compute(buf0, ob0, l0)
        pltpu.make_async_copy(ob0, dst0, wsem0).start()

        @pl.when(i < NUM_PAIRS - 1)
        def _():
            start_gather(g0 + 2, idx0, buf0, gsem0)

        wait_gather(idx1, buf1, gsem1)

        @pl.when(i > 0)
        def _():
            pltpu.make_async_copy(ob1, dst1, wsem1).wait()

        compute(buf1, ob1, l1)
        pltpu.make_async_copy(ob1, dst1, wsem1).start()
        return carry

    lax.fori_loop(0, NUM_PAIRS, pair_body, 0)

    dstl0, _ = out_block(chunk0 + NUM_CHUNKS - 2)
    dstl1, _ = out_block(chunk0 + NUM_CHUNKS - 1)
    pltpu.make_async_copy(ob0, dstl0, wsem0).wait()
    pltpu.make_async_copy(ob1, dstl1, wsem1).wait()


@jax.jit
def _run(words_flat, tab):
    mesh = plsc.VectorSubcoreMesh(core_axis_name="c", subcore_axis_name="s")
    call = functools.partial(
        pl.kernel,
        mesh=mesh,
        compiler_params=pltpu.CompilerParams(use_tc_tiling_on_sc=False),
        out_type=jax.ShapeDtypeStruct((BATCH, SEQ, 2 * DIM), jnp.float32),
        scratch_types=[
            pltpu.VMEM((CHUNK,), jnp.int32),
            pltpu.VMEM((CHUNK,), jnp.int32),
            pltpu.VMEM((CHUNK, 2 * DIM), jnp.float32),
            pltpu.VMEM((CHUNK, 2 * DIM), jnp.float32),
            pltpu.VMEM((CHUNK, 2 * DIM), jnp.float32),
            pltpu.VMEM((CHUNK, 2 * DIM), jnp.float32),
            pltpu.SemaphoreType.DMA,
            pltpu.SemaphoreType.DMA,
            pltpu.SemaphoreType.DMA,
            pltpu.SemaphoreType.DMA,
        ],
    )(_body)
    return call(words_flat, tab)


def kernel(words, amp_table, freq_table):
    words_flat = words.T.reshape(BL).astype(jnp.int32)
    tab = jnp.concatenate([amp_table.T, freq_table.T], axis=0).T
    return _run(words_flat, tab)

# --- scband reference (transcript-rebuilt; emitter-appended) ---
"""Pipeline reference for scband-complex-embedding-37838661877829 (READ-ONLY COPY).

The authoritative reference and input builder live on the scoring server;
editing this copy changes nothing except your own understanding.
"""

import jax, jax.numpy as jnp
import numpy as np

NUM_CLASSES = 1000000
DIM = 64
BATCH = 1024
SEQ = 200

def setup_inputs(seed: int = 0) -> dict:
    key = jax.random.key(seed)
    k1, k2, k3 = jax.random.split(key, 3)
    words = jax.random.randint(k1, (BATCH, SEQ), 0, NUM_CLASSES)
    amp_table = jax.random.normal(k2, (NUM_CLASSES, DIM), dtype=jnp.float32)
    freq_table = jax.random.normal(k3, (NUM_CLASSES, DIM), dtype=jnp.float32)
    return {"words": words, "amp_table": amp_table, "freq_table": freq_table}

def reference(words, amp_table, freq_table):
    # rank-2 path of ComplexEmbedding.embed(words, start_from=0); dropout in eval mode (identity)
    B, L = words.shape
    positions = jnp.arange(1, L + 1, dtype=jnp.float32)  # start_from=0 -> 1..L
    positions = jnp.broadcast_to(positions[None, :], (B, L))
    amplitudes = jnp.take(amp_table, words, axis=0)   # [B, L, D] gather
    frequencies = jnp.take(freq_table, words, axis=0)  # [B, L, D] gather
    phases = frequencies * positions[:, :, None]
    real = amplitudes * jnp.cos(phases)
    imag = amplitudes * jnp.sin(phases)
    return jnp.concatenate([real, imag], axis=-1)  # [B, L, 2*D]

if __name__ == "__main__":
    import jax
    _d = setup_inputs()
    print(jax.jit(kernel)(*tuple(_d.values())))

</pallas_src>

<mosaic_0001>
#map = affine_map<(d0, d1) -> (0)>
#map1 = affine_map<(d0, d1) -> (0, 0)>
#map2 = affine_map<(d0, d1) -> (0, 0, 0)>
module attributes {stable_mosaic.version = 14 : i64} {
  func.func @_body(%arg0: i32, %arg1: i32, %arg2: memref<204800xi32, #tpu.memory_space<hbm>>, %arg3: memref<1000000x128xf32, #tpu.memory_space<hbm>>, %arg4: memref<1024x200x128xf32, #tpu.memory_space<hbm>>, %arg5: memref<128xi32, #tpu.memory_space<vmem>>, %arg6: memref<128xi32, #tpu.memory_space<vmem>>, %arg7: memref<128x128xf32, #tpu.memory_space<vmem>>, %arg8: memref<128x128xf32, #tpu.memory_space<vmem>>, %arg9: memref<128x128xf32, #tpu.memory_space<vmem>>, %arg10: memref<128x128xf32, #tpu.memory_space<vmem>>, %arg11: memref<!tpu.dma_semaphore, #tpu.memory_space<semaphore_mem>>, %arg12: memref<!tpu.dma_semaphore, #tpu.memory_space<semaphore_mem>>, %arg13: memref<!tpu.dma_semaphore, #tpu.memory_space<semaphore_mem>>, %arg14: memref<!tpu.dma_semaphore, #tpu.memory_space<semaphore_mem>>) attributes {dimension_semantics = [#tpu.dimension_semantics<core_parallel>, #tpu.dimension_semantics<subcore_parallel>], iteration_bounds = array<i64: 2, 16>, scalar_prefetch = 0 : i64, scratch_operands = 10 : i64, tpu.core_type = #tpu.core_type<sc_vector_subcore>, window_params = [{transform_indices = #map}, {transform_indices = #map1}, {transform_indices = #map2}]} {
    %mul3A = arith.constant 2 : i32
    %mul3A_0 = arith.muli %arg1, %mul3A : i32
    %add3A = arith.addi %mul3A_0, %arg0 : i32
    %mul3A_1 = arith.constant 50 : i32
    %mul3A_2 = arith.muli %add3A, %mul3A_1 : i32
    %mul3A_3 = arith.constant 128 : i32
    %mul3A_4 = arith.muli %mul3A_2, %mul3A_3 : i32
    "tpu.region"() ({
      %run_scoped3A = tpu.sem_alloc : memref<!tpu.dma_semaphore, #tpu.memory_space<semaphore_mem>>
      %dma_start3A_105 = tpu.memref_slice %arg2[%mul3A_4] : memref<204800xi32, #tpu.memory_space<hbm>> -> memref<128xi32, #tpu.memory_space<hbm>>
      %dma_start3A_106 = tpu.memref_slice %arg2[%mul3A_4] : memref<204800xi32, #tpu.memory_space<hbm>> -> memref<128xi32, #tpu.memory_space<hbm>>
      tpu.enqueue_dma source(%dma_start3A_106 : memref<128xi32, #tpu.memory_space<hbm>>) target(%arg5 : memref<128xi32, #tpu.memory_space<vmem>>) target_semaphore(%run_scoped3A : memref<!tpu.dma_semaphore, #tpu.memory_space<semaphore_mem>>)
      %dma_wait3A_107 = tpu.memref_slice %arg2[%mul3A_4] : memref<204800xi32, #tpu.memory_space<hbm>> -> memref<128xi32, #tpu.memory_space<hbm>>
      %dma_wait3A_108 = tpu.memref_slice %arg2[%mul3A_4] : memref<204800xi32, #tpu.memory_space<hbm>> -> memref<128xi32, #tpu.memory_space<hbm>>
      tpu.wait_dma2 semaphore(%run_scoped3A : memref<!tpu.dma_semaphore, #tpu.memory_space<semaphore_mem>>) src(%dma_wait3A_108 : memref<128xi32, #tpu.memory_space<hbm>>) dst(%arg5 : memref<128xi32, #tpu.memory_space<vmem>>)
      tpu.yield
    }) : () -> ()
    %dma_start3A = arith.constant 0 : i32
    %dma_start3A_5 = arith.constant 0 : i32
    %dma_start3A_6 = tpu.memref_slice %arg3[%dma_start3A, %dma_start3A_5] : memref<1000000x128xf32, #tpu.memory_space<hbm>> -> memref<1000000x128xf32, #tpu.memory_space<hbm>>
    tpu.enqueue_indirect_dma source(%dma_start3A_6 : memref<1000000x128xf32, #tpu.memory_space<hbm>>) target(%arg7 : memref<128x128xf32, #tpu.memory_space<vmem>>) offsets(%arg5 : memref<128xi32, #tpu.memory_space<vmem>>) semaphore(%arg11 : memref<!tpu.dma_semaphore, #tpu.memory_space<semaphore_mem>>)
    %scan3A = arith.constant 0 : i32
    %scan3A_7 = arith.constant 0 : i32
    %scan3A_8 = arith.constant 25 : i32
    %scan3A_9 = arith.addi %scan3A_7, %scan3A_8 : i32
    %scan3A_10 = arith.constant 1 : i32
    scf.for %scan3A_105 = %scan3A_7 to %scan3A_9 step %scan3A_10  : i32 {
      %mul3A_106 = arith.constant 2 : i32
      %mul3A_107 = arith.muli %mul3A_106, %scan3A_105 : i32
      %add3A_108 = arith.addi %mul3A_2, %mul3A_107 : i32
      %add3A_109 = arith.constant 1 : i32
      %add3A_110 = arith.addi %add3A_108, %add3A_109 : i32
      %mul3A_111 = arith.constant 128 : i32
      %mul3A_112 = arith.muli %add3A_108, %mul3A_111 : i32
      %jit3A_113 = arith.constant 1024 : i32
      %div3A_114 = arith.divsi %mul3A_112, %jit3A_113 : i32
      %sign3A_115 = arith.constant 0 : i32
      %sign3A_116 = arith.cmpi sgt, %mul3A_112, %sign3A_115 : i32
      %sign3A_117 = arith.extui %sign3A_116 : i1 to i32
      %sign3A_118 = arith.constant 0 : i32
      %sign3A_119 = arith.cmpi slt, %mul3A_112, %sign3A_118 : i32
      %sign3A_120 = arith.extui %sign3A_119 : i1 to i32
      %sign3A_121 = arith.subi %sign3A_117, %sign3A_120 : i32
      %sign3A_122 = arith.constant 0 : i32
      %sign3A_123 = arith.cmpi sgt, %jit3A_113, %sign3A_122 : i32
      %sign3A_124 = arith.extui %sign3A_123 : i1 to i32
      %sign3A_125 = arith.constant 0 : i32
      %sign3A_126 = arith.cmpi slt, %jit3A_113, %sign3A_125 : i32
      %sign3A_127 = arith.extui %sign3A_126 : i1 to i32
      %sign3A_128 = arith.subi %sign3A_124, %sign3A_127 : i32
      %ne3A_129 = arith.cmpi ne, %sign3A_121, %sign3A_128 : i32
      %rem3A_130 = arith.remsi %mul3A_112, %jit3A_113 : i32
      %ne3A_131 = arith.constant 0 : i32
      %ne3A_132 = arith.cmpi ne, %rem3A_130, %ne3A_131 : i32
      %and3A_133 = arith.andi %ne3A_129, %ne3A_132 : i1
      %sub3A_134 = arith.constant 1 : i32
      %sub3A_135 = arith.subi %div3A_114, %sub3A_134 : i32
      %select_n3A_136 = arith.select %and3A_133, %sub3A_135, %div3A_114 : i32
      %jit3A_137 = arith.constant 1024 : i32
      %eq3A_138 = arith.constant 0 : i32
      %eq3A_139 = arith.cmpi eq, %jit3A_137, %eq3A_138 : i32
      %jit3A_140 = arith.constant 1 : i32
      %select_n3A_141 = arith.select %eq3A_139, %jit3A_140, %jit3A_137 : i32
      %rem3A_142 = arith.remsi %mul3A_112, %select_n3A_141 : i32
      %ne3A_143 = arith.constant 0 : i32
      %ne3A_144 = arith.cmpi ne, %rem3A_142, %ne3A_143 : i32
      %lt3A_145 = arith.constant 0 : i32
      %lt3A_146 = arith.cmpi slt, %rem3A_142, %lt3A_145 : i32
      %lt3A_147 = arith.constant 0 : i32
      %lt3A_148 = arith.cmpi slt, %select_n3A_141, %lt3A_147 : i32
      %ne3A_149 = arith.xori %lt3A_146, %lt3A_148 : i1
      %and3A_150 = arith.andi %ne3A_149, %ne3A_144 : i1
      %add3A_151 = arith.addi %rem3A_142, %select_n3A_141 : i32
      %select_n3A_152 = arith.select %and3A_150, %add3A_151, %rem3A_142 : i32
      %mul3A_153 = arith.constant 128 : i32
      %mul3A_154 = arith.muli %add3A_110, %mul3A_153 : i32
      %jit3A_155 = arith.constant 1024 : i32
      %div3A_156 = arith.divsi %mul3A_154, %jit3A_155 : i32
      %sign3A_157 = arith.constant 0 : i32
      %sign3A_158 = arith.cmpi sgt, %mul3A_154, %sign3A_157 : i32
      %sign3A_159 = arith.extui %sign3A_158 : i1 to i32
      %sign3A_160 = arith.constant 0 : i32
      %sign3A_161 = arith.cmpi slt, %mul3A_154, %sign3A_160 : i32
      %sign3A_162 = arith.extui %sign3A_161 : i1 to i32
      %sign3A_163 = arith.subi %sign3A_159, %sign3A_162 : i32
      %sign3A_164 = arith.constant 0 : i32
      %sign3A_165 = arith.cmpi sgt, %jit3A_155, %sign3A_164 : i32
      %sign3A_166 = arith.extui %sign3A_165 : i1 to i32
      %sign3A_167 = arith.constant 0 : i32
      %sign3A_168 = arith.cmpi slt, %jit3A_155, %sign3A_167 : i32
      %sign3A_169 = arith.extui %sign3A_168 : i1 to i32
      %sign3A_170 = arith.subi %sign3A_166, %sign3A_169 : i32
      %ne3A_171 = arith.cmpi ne, %sign3A_163, %sign3A_170 : i32
      %rem3A_172 = arith.remsi %mul3A_154, %jit3A_155 : i32
      %ne3A_173 = arith.constant 0 : i32
      %ne3A_174 = arith.cmpi ne, %rem3A_172, %ne3A_173 : i32
      %and3A_175 = arith.andi %ne3A_171, %ne3A_174 : i1
      %sub3A_176 = arith.constant 1 : i32
      %sub3A_177 = arith.subi %div3A_156, %sub3A_176 : i32
      %select_n3A_178 = arith.select %and3A_175, %sub3A_177, %div3A_156 : i32
      %jit3A_179 = arith.constant 1024 : i32
      %eq3A_180 = arith.constant 0 : i32
      %eq3A_181 = arith.cmpi eq, %jit3A_179, %eq3A_180 : i32
      %jit3A_182 = arith.constant 1 : i32
      %select_n3A_183 = arith.select %eq3A_181, %jit3A_182, %jit3A_179 : i32
      %rem3A_184 = arith.remsi %mul3A_154, %select_n3A_183 : i32
      %ne3A_185 = arith.constant 0 : i32
      %ne3A_186 = arith.cmpi ne, %rem3A_184, %ne3A_185 : i32
      %lt3A_187 = arith.constant 0 : i32
      %lt3A_188 = arith.cmpi slt, %rem3A_184, %lt3A_187 : i32
      %lt3A_189 = arith.constant 0 : i32
      %lt3A_190 = arith.cmpi slt, %select_n3A_183, %lt3A_189 : i32
      %ne3A_191 = arith.xori %lt3A_188, %lt3A_190 : i1
      %and3A_192 = arith.andi %ne3A_191, %ne3A_186 : i1
      %add3A_193 = arith.addi %rem3A_184, %select_n3A_183 : i32
      %select_n3A_194 = arith.select %and3A_192, %add3A_193, %rem3A_184 : i32
      %mul3A_195 = arith.constant 128 : i32
      %mul3A_196 = arith.muli %add3A_110, %mul3A_195 : i32
      "tpu.region"() ({
        %run_scoped3A = tpu.sem_alloc : memref<!tpu.dma_semaphore, #tpu.memory_space<semaphore_mem>>
        %dma_start3A_242 = tpu.memref_slice %arg2[%mul3A_196] : memref<204800xi32, #tpu.memory_space<hbm>> -> memref<128xi32, #tpu.memory_space<hbm>>
        %dma_start3A_243 = tpu.memref_slice %arg2[%mul3A_196] : memref<204800xi32, #tpu.memory_space<hbm>> -> memref<128xi32, #tpu.memory_space<hbm>>
        tpu.enqueue_dma source(%dma_start3A_243 : memref<128xi32, #tpu.memory_space<hbm>>) target(%arg6 : memref<128xi32, #tpu.memory_space<vmem>>) target_semaphore(%run_scoped3A : memref<!tpu.dma_semaphore, #tpu.memory_space<semaphore_mem>>)
        %dma_wait3A_244 = tpu.memref_slice %arg2[%mul3A_196] : memref<204800xi32, #tpu.memory_space<hbm>> -> memref<128xi32, #tpu.memory_space<hbm>>
        %dma_wait3A_245 = tpu.memref_slice %arg2[%mul3A_196] : memref<204800xi32, #tpu.memory_space<hbm>> -> memref<128xi32, #tpu.memory_space<hbm>>
        tpu.wait_dma2 semaphore(%run_scoped3A : memref<!tpu.dma_semaphore, #tpu.memory_space<semaphore_mem>>) src(%dma_wait3A_245 : memref<128xi32, #tpu.memory_space<hbm>>) dst(%arg6 : memref<128xi32, #tpu.memory_space<vmem>>)
        tpu.yield
      }) : () -> ()
      %dma_start3A_197 = arith.constant 0 : i32
      %dma_start3A_198 = arith.constant 0 : i32
      %dma_start3A_199 = tpu.memref_slice %arg3[%dma_start3A_197, %dma_start3A_198] : memref<1000000x128xf32, #tpu.memory_space<hbm>> -> memref<1000000x128xf32, #tpu.memory_space<hbm>>
      tpu.enqueue_indirect_dma source(%dma_start3A_199 : memref<1000000x128xf32, #tpu.memory_space<hbm>>) target(%arg8 : memref<128x128xf32, #tpu.memory_space<vmem>>) offsets(%arg6 : memref<128xi32, #tpu.memory_space<vmem>>) semaphore(%arg12 : memref<!tpu.dma_semaphore, #tpu.memory_space<semaphore_mem>>)
      %dma_wait3A_200 = arith.constant 0 : i32
      %dma_wait3A_201 = arith.constant 0 : i32
      %dma_wait3A_202 = tpu.memref_slice %arg3[%dma_wait3A_200, %dma_wait3A_201] : memref<1000000x128xf32, #tpu.memory_space<hbm>> -> memref<1000000x128xf32, #tpu.memory_space<hbm>>
      tpu.wait_indirect_dma semaphore(%arg11 : memref<!tpu.dma_semaphore, #tpu.memory_space<semaphore_mem>>) src(%dma_wait3A_202 : memref<1000000x128xf32, #tpu.memory_space<hbm>>) dst(%arg7 : memref<128x128xf32, #tpu.memory_space<vmem>>)
      %gt3A = arith.constant 0 : i32
      %gt3A_203 = arith.cmpi sgt, %scan3A_105, %gt3A : i32
      %convert_element_type3A = arith.extui %gt3A_203 : i1 to i32
      %cond3A = arith.constant 0 : i32
      %cond3A_204 = arith.cmpi ne, %convert_element_type3A, %cond3A : i32
      scf.if %cond3A_204 {
        %dma_wait3A_242 = arith.constant 0 : i32
        %dma_wait3A_243 = tpu.memref_slice %arg4[%select_n3A_152, %select_n3A_136, %dma_wait3A_242] : memref<1024x200x128xf32, #tpu.memory_space<hbm>> -> memref<128x1x128xf32, #tpu.memory_space<hbm>>
        %dma_wait3A_244 = tpu.memref_squeeze %dma_wait3A_243 : memref<128x1x128xf32, #tpu.memory_space<hbm>> -> memref<128x128xf32, #tpu.memory_space<hbm>>
        %dma_wait3A_245 = arith.constant 0 : i32
        %dma_wait3A_246 = tpu.memref_slice %arg4[%select_n3A_152, %select_n3A_136, %dma_wait3A_245] : memref<1024x200x128xf32, #tpu.memory_space<hbm>> -> memref<128x1x128xf32, #tpu.memory_space<hbm>>
        %dma_wait3A_247 = tpu.memref_squeeze %dma_wait3A_246 : memref<128x1x128xf32, #tpu.memory_space<hbm>> -> memref<128x128xf32, #tpu.memory_space<hbm>>
        tpu.wait_dma2 semaphore(%arg13 : memref<!tpu.dma_semaphore, #tpu.memory_space<semaphore_mem>>) src(%arg9 : memref<128x128xf32, #tpu.memory_space<vmem>>) dst(%dma_wait3A_247 : memref<128x128xf32, #tpu.memory_space<hbm>>)
      } else {
      }
      %add3A_205 = arith.constant 1 : i32
      %add3A_206 = arith.addi %select_n3A_136, %add3A_205 : i32
      %convert_element_type3A_207 = arith.sitofp %add3A_206 : i32 to f32
      %broadcast_in_dim3A = vector.broadcast %convert_element_type3A_207 : f32 to vector<16xf32>
      %parallel_loop3A = arith.constant 0 : i32
      %parallel_loop3A_208 = arith.constant 128 : i32
      %parallel_loop3A_209 = arith.constant 1 : i32
      scf.for %parallel_loop3A_242 = %parallel_loop3A to %parallel_loop3A_208 step %parallel_loop3A_209  : i32 {
        %parallel_loop3A_243 = arith.index_cast %parallel_loop3A_242 : i32 to index
        %parallel_loop3A_244 = arith.constant 0 : index
        %parallel_loop3A_245 = tpu.vector_load %arg7[%parallel_loop3A_243, %parallel_loop3A_244] {strides = array<i32>} : memref<128x128xf32, #tpu.memory_space<vmem>>, vector<1x16xf32>,
        %parallel_loop3A_246 = vector.shape_cast %parallel_loop3A_245 : vector<1x16xf32> to vector<16xf32>
        %parallel_loop3A_247 = arith.index_cast %parallel_loop3A_242 : i32 to index
        %parallel_loop3A_248 = arith.constant 64 : index
        %parallel_loop3A_249 = tpu.vector_load %arg7[%parallel_loop3A_247, %parallel_loop3A_248] {strides = array<i32>} : memref<128x128xf32, #tpu.memory_space<vmem>>, vector<1x16xf32>,
        %parallel_loop3A_250 = vector.shape_cast %parallel_loop3A_249 : vector<1x16xf32> to vector<16xf32>
        %parallel_loop3A_251 = arith.mulf %parallel_loop3A_250, %broadcast_in_dim3A : vector<16xf32>
        %parallel_loop3A_252 = arith.constant 0.159154937 : f32
        %parallel_loop3A_253 = vector.broadcast %parallel_loop3A_252 : f32 to vector<16xf32>
        %parallel_loop3A_254 = arith.mulf %parallel_loop3A_251, %parallel_loop3A_253 : vector<16xf32>
        %parallel_loop3A_255 = arith.constant 0x4B400000 : f32
        %parallel_loop3A_256 = vector.broadcast %parallel_loop3A_255 : f32 to vector<16xf32>
        %parallel_loop3A_257 = arith.addf %parallel_loop3A_254, %parallel_loop3A_256 : vector<16xf32>
        %parallel_loop3A_258 = arith.constant 0x4B400000 : f32
        %parallel_loop3A_259 = vector.broadcast %parallel_loop3A_258 : f32 to vector<16xf32>
        %parallel_loop3A_260 = arith.subf %parallel_loop3A_257, %parallel_loop3A_259 : vector<16xf32>
        %parallel_loop3A_261 = arith.constant 6.281250e+00 : f32
        %parallel_loop3A_262 = vector.broadcast %parallel_loop3A_261 : f32 to vector<16xf32>
        %parallel_loop3A_263 = arith.mulf %parallel_loop3A_260, %parallel_loop3A_262 : vector<16xf32>
        %parallel_loop3A_264 = arith.subf %parallel_loop3A_251, %parallel_loop3A_263 : vector<16xf32>
        %parallel_loop3A_265 = arith.constant 0.00193530717 : f32
        %parallel_loop3A_266 = vector.broadcast %parallel_loop3A_265 : f32 to vector<16xf32>
        %parallel_loop3A_267 = arith.mulf %parallel_loop3A_260, %parallel_loop3A_266 : vector<16xf32>
        %parallel_loop3A_268 = arith.subf %parallel_loop3A_264, %parallel_loop3A_267 : vector<16xf32>
        %parallel_loop3A_269 = arith.mulf %parallel_loop3A_268, %parallel_loop3A_268 : vector<16xf32>
        %parallel_loop3A_270 = arith.mulf %parallel_loop3A_269, %parallel_loop3A_269 : vector<16xf32>
        %parallel_loop3A_271 = arith.constant -0.165838435 : f32
        %parallel_loop3A_272 = vector.broadcast %parallel_loop3A_271 : f32 to vector<16xf32>
        %parallel_loop3A_273 = arith.mulf %parallel_loop3A_272, %parallel_loop3A_269 : vector<16xf32>
        %parallel_loop3A_274 = arith.constant 0.999450147 : f32
        %parallel_loop3A_275 = vector.broadcast %parallel_loop3A_274 : f32 to vector<16xf32>
        %parallel_loop3A_276 = arith.addf %parallel_loop3A_275, %parallel_loop3A_273 : vector<16xf32>
        %parallel_loop3A_277 = arith.constant -1.47740444E-4 : f32
        %parallel_loop3A_278 = vector.broadcast %parallel_loop3A_277 : f32 to vector<16xf32>
        %parallel_loop3A_279 = arith.mulf %parallel_loop3A_278, %parallel_loop3A_269 : vector<16xf32>
        %parallel_loop3A_280 = arith.constant 0.00799857546 : f32
        %parallel_loop3A_281 = vector.broadcast %parallel_loop3A_280 : f32 to vector<16xf32>
        %parallel_loop3A_282 = arith.addf %parallel_loop3A_281, %parallel_loop3A_279 : vector<16xf32>
        %parallel_loop3A_283 = arith.mulf %parallel_loop3A_270, %parallel_loop3A_282 : vector<16xf32>
        %parallel_loop3A_284 = arith.addf %parallel_loop3A_276, %parallel_loop3A_283 : vector<16xf32>
        %parallel_loop3A_285 = arith.mulf %parallel_loop3A_284, %parallel_loop3A_268 : vector<16xf32>
        %parallel_loop3A_286 = arith.constant -0.499837607 : f32
        %parallel_loop3A_287 = vector.broadcast %parallel_loop3A_286 : f32 to vector<16xf32>
        %parallel_loop3A_288 = arith.mulf %parallel_loop3A_287, %parallel_loop3A_269 : vector<16xf32>
        %parallel_loop3A_289 = arith.constant 0.999971091 : f32
        %parallel_loop3A_290 = vector.broadcast %parallel_loop3A_289 : f32 to vector<16xf32>
        %parallel_loop3A_291 = arith.addf %parallel_loop3A_290, %parallel_loop3A_288 : vector<16xf32>
        %parallel_loop3A_292 = arith.constant -0.00134410686 : f32
        %parallel_loop3A_293 = vector.broadcast %parallel_loop3A_292 : f32 to vector<16xf32>
        %parallel_loop3A_294 = arith.mulf %parallel_loop3A_293, %parallel_loop3A_269 : vector<16xf32>
        %parallel_loop3A_295 = arith.constant 0.0415223055 : f32
        %parallel_loop3A_296 = vector.broadcast %parallel_loop3A_295 : f32 to vector<16xf32>
        %parallel_loop3A_297 = arith.addf %parallel_loop3A_296, %parallel_loop3A_294 : vector<16xf32>
        %parallel_loop3A_298 = arith.constant 1.90652154E-5 : f32
        %parallel_loop3A_299 = vector.broadcast %parallel_loop3A_298 : f32 to vector<16xf32>
        %parallel_loop3A_300 = arith.mulf %parallel_loop3A_270, %parallel_loop3A_299 : vector<16xf32>
        %parallel_loop3A_301 = arith.addf %parallel_loop3A_297, %parallel_loop3A_300 : vector<16xf32>
        %parallel_loop3A_302 = arith.mulf %parallel_loop3A_270, %parallel_loop3A_301 : vector<16xf32>
        %parallel_loop3A_303 = arith.addf %parallel_loop3A_291, %parallel_loop3A_302 : vector<16xf32>
        %parallel_loop3A_304 = arith.mulf %parallel_loop3A_246, %parallel_loop3A_303 : vector<16xf32>
        %parallel_loop3A_305 = arith.index_cast %parallel_loop3A_242 : i32 to index
        %parallel_loop3A_306 = arith.constant 0 : index
        %parallel_loop3A_307 = tpu.vector_load %arg9[%parallel_loop3A_305, %parallel_loop3A_306] {strides = array<i32>} : memref<128x128xf32, #tpu.memory_space<vmem>>, vector<1x16xf32>,
        %parallel_loop3A_308 = vector.shape_cast %parallel_loop3A_307 : vector<1x16xf32> to vector<16xf32>
        %parallel_loop3A_309 = vector.shape_cast %parallel_loop3A_304 : vector<16xf32> to vector<1x16xf32>
        tpu.vector_store %arg9[%parallel_loop3A_305, %parallel_loop3A_306], %parallel_loop3A_309 {strides = array<i32>} : memref<128x128xf32, #tpu.memory_space<vmem>>, vector<1x16xf32>,
        %parallel_loop3A_310 = arith.mulf %parallel_loop3A_246, %parallel_loop3A_285 : vector<16xf32>
        %parallel_loop3A_311 = arith.index_cast %parallel_loop3A_242 : i32 to index
        %parallel_loop3A_312 = arith.constant 64 : index
        %parallel_loop3A_313 = tpu.vector_load %arg9[%parallel_loop3A_311, %parallel_loop3A_312] {strides = array<i32>} : memref<128x128xf32, #tpu.memory_space<vmem>>, vector<1x16xf32>,
        %parallel_loop3A_314 = vector.shape_cast %parallel_loop3A_313 : vector<1x16xf32> to vector<16xf32>
        %parallel_loop3A_315 = vector.shape_cast %parallel_loop3A_310 : vector<16xf32> to vector<1x16xf32>
        tpu.vector_store %arg9[%parallel_loop3A_311, %parallel_loop3A_312], %parallel_loop3A_315 {strides = array<i32>} : memref<128x128xf32, #tpu.memory_space<vmem>>, vector<1x16xf32>,
        %parallel_loop3A_316 = arith.index_cast %parallel_loop3A_242 : i32 to index
        %parallel_loop3A_317 = arith.constant 16 : index
        %parallel_loop3A_318 = tpu.vector_load %arg7[%parallel_loop3A_316, %parallel_loop3A_317] {strides = array<i32>} : memref<128x128xf32, #tpu.memory_space<vmem>>, vector<1x16xf32>,
        %parallel_loop3A_319 = vector.shape_cast %parallel_loop3A_318 : vector<1x16xf32> to vector<16xf32>
        %parallel_loop3A_320 = arith.index_cast %parallel_loop3A_242 : i32 to index
        %parallel_loop3A_321 = arith.constant 80 : index
        %parallel_loop3A_322 = tpu.vector_load %arg7[%parallel_loop3A_320, %parallel_loop3A_321] {strides = array<i32>} : memref<128x128xf32, #tpu.memory_space<vmem>>, vector<1x16xf32>,
        %parallel_loop3A_323 = vector.shape_cast %parallel_loop3A_322 : vector<1x16xf32> to vector<16xf32>
        %parallel_loop3A_324 = arith.mulf %parallel_loop3A_323, %broadcast_in_dim3A : vector<16xf32>
        %parallel_loop3A_325 = arith.constant 0.159154937 : f32
        %parallel_loop3A_326 = vector.broadcast %parallel_loop3A_325 : f32 to vector<16xf32>
        %parallel_loop3A_327 = arith.mulf %parallel_loop3A_324, %parallel_loop3A_326 : vector<16xf32>
        %parallel_loop3A_328 = arith.constant 0x4B400000 : f32
        %parallel_loop3A_329 = vector.broadcast %parallel_loop3A_328 : f32 to vector<16xf32>
        %parallel_loop3A_330 = arith.addf %parallel_loop3A_327, %parallel_loop3A_329 : vector<16xf32>
        %parallel_loop3A_331 = arith.constant 0x4B400000 : f32
        %parallel_loop3A_332 = vector.broadcast %parallel_loop3A_331 : f32 to vector<16xf32>
        %parallel_loop3A_333 = arith.subf %parallel_loop3A_330, %parallel_loop3A_332 : vector<16xf32>
        %parallel_loop3A_334 = arith.constant 6.281250e+00 : f32
        %parallel_loop3A_335 = vector.broadcast %parallel_loop3A_334 : f32 to vector<16xf32>
        %parallel_loop3A_336 = arith.mulf %parallel_loop3A_333, %parallel_loop3A_335 : vector<16xf32>
        %parallel_loop3A_337 = arith.subf %parallel_loop3A_324, %parallel_loop3A_336 : vector<16xf32>
        %parallel_loop3A_338 = arith.constant 0.00193530717 : f32
        %parallel_loop3A_339 = vector.broadcast %parallel_loop3A_338 : f32 to vector<16xf32>
        %parallel_loop3A_340 = arith.mulf %parallel_loop3A_333, %parallel_loop3A_339 : vector<16xf32>
        %parallel_loop3A_341 = arith.subf %parallel_loop3A_337, %parallel_loop3A_340 : vector<16xf32>
        %parallel_loop3A_342 = arith.mulf %parallel_loop3A_341, %parallel_loop3A_341 : vector<16xf32>
        %parallel_loop3A_343 = arith.mulf %parallel_loop3A_342, %parallel_loop3A_342 : vector<16xf32>
        %parallel_loop3A_344 = arith.constant -0.165838435 : f32
        %parallel_loop3A_345 = vector.broadcast %parallel_loop3A_344 : f32 to vector<16xf32>
        %parallel_loop3A_346 = arith.mulf %parallel_loop3A_345, %parallel_loop3A_342 : vector<16xf32>
        %parallel_loop3A_347 = arith.constant 0.999450147 : f32
        %parallel_loop3A_348 = vector.broadcast %parallel_loop3A_347 : f32 to vector<16xf32>
        %parallel_loop3A_349 = arith.addf %parallel_loop3A_348, %parallel_loop3A_346 : vector<16xf32>
        %parallel_loop3A_350 = arith.constant -1.47740444E-4 : f32
        %parallel_loop3A_351 = vector.broadcast %parallel_loop3A_350 : f32 to vector<16xf32>
        %parallel_loop3A_352 = arith.mulf %parallel_loop3A_351, %parallel_loop3A_342 : vector<16xf32>
        %parallel_loop3A_353 = arith.constant 0.00799857546 : f32
        %parallel_loop3A_354 = vector.broadcast %parallel_loop3A_353 : f32 to vector<16xf32>
        %parallel_loop3A_355 = arith.addf %parallel_loop3A_354, %parallel_loop3A_352 : vector<16xf32>
        %parallel_loop3A_356 = arith.mulf %parallel_loop3A_343, %parallel_loop3A_355 : vector<16xf32>
        %parallel_loop3A_357 = arith.addf %parallel_loop3A_349, %parallel_loop3A_356 : vector<16xf32>
        %parallel_loop3A_358 = arith.mulf %parallel_loop3A_357, %parallel_loop3A_341 : vector<16xf32>
        %parallel_loop3A_359 = arith.constant -0.499837607 : f32
        %parallel_loop3A_360 = vector.broadcast %parallel_loop3A_359 : f32 to vector<16xf32>
        %parallel_loop3A_361 = arith.mulf %parallel_loop3A_360, %parallel_loop3A_342 : vector<16xf32>
        %parallel_loop3A_362 = arith.constant 0.999971091 : f32
        %parallel_loop3A_363 = vector.broadcast %parallel_loop3A_362 : f32 to vector<16xf32>
        %parallel_loop3A_364 = arith.addf %parallel_loop3A_363, %parallel_loop3A_361 : vector<16xf32>
        %parallel_loop3A_365 = arith.constant -0.00134410686 : f32
        %parallel_loop3A_366 = vector.broadcast %parallel_loop3A_365 : f32 to vector<16xf32>
        %parallel_loop3A_367 = arith.mulf %parallel_loop3A_366, %parallel_loop3A_342 : vector<16xf32>
        %parallel_loop3A_368 = arith.constant 0.0415223055 : f32
        %parallel_loop3A_369 = vector.broadcast %parallel_loop3A_368 : f32 to vector<16xf32>
        %parallel_loop3A_370 = arith.addf %parallel_loop3A_369, %parallel_loop3A_367 : vector<16xf32>
        %parallel_loop3A_371 = arith.constant 1.90652154E-5 : f32
        %parallel_loop3A_372 = vector.broadcast %parallel_loop3A_371 : f32 to vector<16xf32>
        %parallel_loop3A_373 = arith.mulf %parallel_loop3A_343, %parallel_loop3A_372 : vector<16xf32>
        %parallel_loop3A_374 = arith.addf %parallel_loop3A_370, %parallel_loop3A_373 : vector<16xf32>
        %parallel_loop3A_375 = arith.mulf %parallel_loop3A_343, %parallel_loop3A_374 : vector<16xf32>
        %parallel_loop3A_376 = arith.addf %parallel_loop3A_364, %parallel_loop3A_375 : vector<16xf32>
        %parallel_loop3A_377 = arith.mulf %parallel_loop3A_319, %parallel_loop3A_376 : vector<16xf32>
        %parallel_loop3A_378 = arith.index_cast %parallel_loop3A_242 : i32 to index
        %parallel_loop3A_379 = arith.constant 16 : index
        %parallel_loop3A_380 = tpu.vector_load %arg9[%parallel_loop3A_378, %parallel_loop3A_379] {strides = array<i32>} : memref<128x128xf32, #tpu.memory_space<vmem>>, vector<1x16xf32>,
        %parallel_loop3A_381 = vector.shape_cast %parallel_loop3A_380 : vector<1x16xf32> to vector<16xf32>
        %parallel_loop3A_382 = vector.shape_cast %parallel_loop3A_377 : vector<16xf32> to vector<1x16xf32>
        tpu.vector_store %arg9[%parallel_loop3A_378, %parallel_loop3A_379], %parallel_loop3A_382 {strides = array<i32>} : memref<128x128xf32, #tpu.memory_space<vmem>>, vector<1x16xf32>,
        %parallel_loop3A_383 = arith.mulf %parallel_loop3A_319, %parallel_loop3A_358 : vector<16xf32>
        %parallel_loop3A_384 = arith.index_cast %parallel_loop3A_242 : i32 to index
        %parallel_loop3A_385 = arith.constant 80 : index
        %parallel_loop3A_386 = tpu.vector_load %arg9[%parallel_loop3A_384, %parallel_loop3A_385] {strides = array<i32>} : memref<128x128xf32, #tpu.memory_space<vmem>>, vector<1x16xf32>,
        %parallel_loop3A_387 = vector.shape_cast %parallel_loop3A_386 : vector<1x16xf32> to vector<16xf32>
        %parallel_loop3A_388 = vector.shape_cast %parallel_loop3A_383 : vector<16xf32> to vector<1x16xf32>
        tpu.vector_store %arg9[%parallel_loop3A_384, %parallel_loop3A_385], %parallel_loop3A_388 {strides = array<i32>} : memref<128x128xf32, #tpu.memory_space<vmem>>, vector<1x16xf32>,
        %parallel_loop3A_389 = arith.index_cast %parallel_loop3A_242 : i32 to index
        %parallel_loop3A_390 = arith.constant 32 : index
        %parallel_loop3A_391 = tpu.vector_load %arg7[%parallel_loop3A_389, %parallel_loop3A_390] {strides = array<i32>} : memref<128x128xf32, #tpu.memory_space<vmem>>, vector<1x16xf32>,
        %parallel_loop3A_392 = vector.shape_cast %parallel_loop3A_391 : vector<1x16xf32> to vector<16xf32>
        %parallel_loop3A_393 = arith.index_cast %parallel_loop3A_242 : i32 to index
        %parallel_loop3A_394 = arith.constant 96 : index
        %parallel_loop3A_395 = tpu.vector_load %arg7[%parallel_loop3A_393, %parallel_loop3A_394] {strides = array<i32>} : memref<128x128xf32, #tpu.memory_space<vmem>>, vector<1x16xf32>,
        %parallel_loop3A_396 = vector.shape_cast %parallel_loop3A_395 : vector<1x16xf32> to vector<16xf32>
        %parallel_loop3A_397 = arith.mulf %parallel_loop3A_396, %broadcast_in_dim3A : vector<16xf32>
        %parallel_loop3A_398 = arith.constant 0.159154937 : f32
        %parallel_loop3A_399 = vector.broadcast %parallel_loop3A_398 : f32 to vector<16xf32>
        %parallel_loop3A_400 = arith.mulf %parallel_loop3A_397, %parallel_loop3A_399 : vector<16xf32>
        %parallel_loop3A_401 = arith.constant 0x4B400000 : f32
        %parallel_loop3A_402 = vector.broadcast %parallel_loop3A_401 : f32 to vector<16xf32>
        %parallel_loop3A_403 = arith.addf %parallel_loop3A_400, %parallel_loop3A_402 : vector<16xf32>
        %parallel_loop3A_404 = arith.constant 0x4B400000 : f32
        %parallel_loop3A_405 = vector.broadcast %parallel_loop3A_404 : f32 to vector<16xf32>
        %parallel_loop3A_406 = arith.subf %parallel_loop3A_403, %parallel_loop3A_405 : vector<16xf32>
        %parallel_loop3A_407 = arith.constant 6.281250e+00 : f32
        %parallel_loop3A_408 = vector.broadcast %parallel_loop3A_407 : f32 to vector<16xf32>
        %parallel_loop3A_409 = arith.mulf %parallel_loop3A_406, %parallel_loop3A_408 : vector<16xf32>
        %parallel_loop3A_410 = arith.subf %parallel_loop3A_397, %parallel_loop3A_409 : vector<16xf32>
        %parallel_loop3A_411 = arith.constant 0.00193530717 : f32
        %parallel_loop3A_412 = vector.broadcast %parallel_loop3A_411 : f32 to vector<16xf32>
        %parallel_loop3A_413 = arith.mulf %parallel_loop3A_406, %parallel_loop3A_412 : vector<16xf32>
        %parallel_loop3A_414 = arith.subf %parallel_loop3A_410, %parallel_loop3A_413 : vector<16xf32>
        %parallel_loop3A_415 = arith.mulf %parallel_loop3A_414, %parallel_loop3A_414 : vector<16xf32>
        %parallel_loop3A_416 = arith.mulf %parallel_loop3A_415, %parallel_loop3A_415 : vector<16xf32>
        %parallel_loop3A_417 = arith.constant -0.165838435 : f32
        %parallel_loop3A_418 = vector.broadcast %parallel_loop3A_417 : f32 to vector<16xf32>
        %parallel_loop3A_419 = arith.mulf %parallel_loop3A_418, %parallel_loop3A_415 : vector<16xf32>
        %parallel_loop3A_420 = arith.constant 0.999450147 : f32
        %parallel_loop3A_421 = vector.broadcast %parallel_loop3A_420 : f32 to vector<16xf32>
        %parallel_loop3A_422 = arith.addf %parallel_loop3A_421, %parallel_loop3A_419 : vector<16xf32>
        %parallel_loop3A_423 = arith.constant -1.47740444E-4 : f32
        %parallel_loop3A_424 = vector.broadcast %parallel_loop3A_423 : f32 to vector<16xf32>
        %parallel_loop3A_425 = arith.mulf %parallel_loop3A_424, %parallel_loop3A_415 : vector<16xf32>
        %parallel_loop3A_426 = arith.constant 0.00799857546 : f32
        %parallel_loop3A_427 = vector.broadcast %parallel_loop3A_426 : f32 to vector<16xf32>
        %parallel_loop3A_428 = arith.addf %parallel_loop3A_427, %parallel_loop3A_425 : vector<16xf32>
        %parallel_loop3A_429 = arith.mulf %parallel_loop3A_416, %parallel_loop3A_428 : vector<16xf32>
        %parallel_loop3A_430 = arith.addf %parallel_loop3A_422, %parallel_loop3A_429 : vector<16xf32>
        %parallel_loop3A_431 = arith.mulf %parallel_loop3A_430, %parallel_loop3A_414 : vector<16xf32>
        %parallel_loop3A_432 = arith.constant -0.499837607 : f32
        %parallel_loop3A_433 = vector.broadcast %parallel_loop3A_432 : f32 to vector<16xf32>
        %parallel_loop3A_434 = arith.mulf %parallel_loop3A_433, %parallel_loop3A_415 : vector<16xf32>
        %parallel_loop3A_435 = arith.constant 0.999971091 : f32
        %parallel_loop3A_436 = vector.broadcast %parallel_loop3A_435 : f32 to vector<16xf32>
        %parallel_loop3A_437 = arith.addf %parallel_loop3A_436, %parallel_loop3A_434 : vector<16xf32>
        %parallel_loop3A_438 = arith.constant -0.00134410686 : f32
        %parallel_loop3A_439 = vector.broadcast %parallel_loop3A_438 : f32 to vector<16xf32>
        %parallel_loop3A_440 = arith.mulf %parallel_loop3A_439, %parallel_loop3A_415 : vector<16xf32>
        %parallel_loop3A_441 = arith.constant 0.0415223055 : f32
        %parallel_loop3A_442 = vector.broadcast %parallel_loop3A_441 : f32 to vector<16xf32>
        %parallel_loop3A_443 = arith.addf %parallel_loop3A_442, %parallel_loop3A_440 : vector<16xf32>
        %parallel_loop3A_444 = arith.constant 1.90652154E-5 : f32
        %parallel_loop3A_445 = vector.broadcast %parallel_loop3A_444 : f32 to vector<16xf32>
        %parallel_loop3A_446 = arith.mulf %parallel_loop3A_416, %parallel_loop3A_445 : vector<16xf32>
        %parallel_loop3A_447 = arith.addf %parallel_loop3A_443, %parallel_loop3A_446 : vector<16xf32>
        %parallel_loop3A_448 = arith.mulf %parallel_loop3A_416, %parallel_loop3A_447 : vector<16xf32>
        %parallel_loop3A_449 = arith.addf %parallel_loop3A_437, %parallel_loop3A_448 : vector<16xf32>
        %parallel_loop3A_450 = arith.mulf %parallel_loop3A_392, %parallel_loop3A_449 : vector<16xf32>
        %parallel_loop3A_451 = arith.index_cast %parallel_loop3A_242 : i32 to index
        %parallel_loop3A_452 = arith.constant 32 : index
        %parallel_loop3A_453 = tpu.vector_load %arg9[%parallel_loop3A_451, %parallel_loop3A_452] {strides = array<i32>} : memref<128x128xf32, #tpu.memory_space<vmem>>, vector<1x16xf32>,
        %parallel_loop3A_454 = vector.shape_cast %parallel_loop3A_453 : vector<1x16xf32> to vector<16xf32>
        %parallel_loop3A_455 = vector.shape_cast %parallel_loop3A_450 : vector<16xf32> to vector<1x16xf32>
        tpu.vector_store %arg9[%parallel_loop3A_451, %parallel_loop3A_452], %parallel_loop3A_455 {strides = array<i32>} : memref<128x128xf32, #tpu.memory_space<vmem>>, vector<1x16xf32>,
        %parallel_loop3A_456 = arith.mulf %parallel_loop3A_392, %parallel_loop3A_431 : vector<16xf32>
        %parallel_loop3A_457 = arith.index_cast %parallel_loop3A_242 : i32 to index
        %parallel_loop3A_458 = arith.constant 96 : index
        %parallel_loop3A_459 = tpu.vector_load %arg9[%parallel_loop3A_457, %parallel_loop3A_458] {strides = array<i32>} : memref<128x128xf32, #tpu.memory_space<vmem>>, vector<1x16xf32>,
        %parallel_loop3A_460 = vector.shape_cast %parallel_loop3A_459 : vector<1x16xf32> to vector<16xf32>
        %parallel_loop3A_461 = vector.shape_cast %parallel_loop3A_456 : vector<16xf32> to vector<1x16xf32>
        tpu.vector_store %arg9[%parallel_loop3A_457, %parallel_loop3A_458], %parallel_loop3A_461 {strides = array<i32>} : memref<128x128xf32, #tpu.memory_space<vmem>>, vector<1x16xf32>,
        %parallel_loop3A_462 = arith.index_cast %parallel_loop3A_242 : i32 to index
        %parallel_loop3A_463 = arith.constant 48 : index
        %parallel_loop3A_464 = tpu.vector_load %arg7[%parallel_loop3A_462, %parallel_loop3A_463] {strides = array<i32>} : memref<128x128xf32, #tpu.memory_space<vmem>>, vector<1x16xf32>,
        %parallel_loop3A_465 = vector.shape_cast %parallel_loop3A_464 : vector<1x16xf32> to vector<16xf32>
        %parallel_loop3A_466 = arith.index_cast %parallel_loop3A_242 : i32 to index
        %parallel_loop3A_467 = arith.constant 112 : index
        %parallel_loop3A_468 = tpu.vector_load %arg7[%parallel_loop3A_466, %parallel_loop3A_467] {strides = array<i32>} : memref<128x128xf32, #tpu.memory_space<vmem>>, vector<1x16xf32>,
        %parallel_loop3A_469 = vector.shape_cast %parallel_loop3A_468 : vector<1x16xf32> to vector<16xf32>
        %parallel_loop3A_470 = arith.mulf %parallel_loop3A_469, %broadcast_in_dim3A : vector<16xf32>
        %parallel_loop3A_471 = arith.constant 0.159154937 : f32
        %parallel_loop3A_472 = vector.broadcast %parallel_loop3A_471 : f32 to vector<16xf32>
        %parallel_loop3A_473 = arith.mulf %parallel_loop3A_470, %parallel_loop3A_472 : vector<16xf32>
        %parallel_loop3A_474 = arith.constant 0x4B400000 : f32
        %parallel_loop3A_475 = vector.broadcast %parallel_loop3A_474 : f32 to vector<16xf32>
        %parallel_loop3A_476 = arith.addf %parallel_loop3A_473, %parallel_loop3A_475 : vector<16xf32>
        %parallel_loop3A_477 = arith.constant 0x4B400000 : f32
        %parallel_loop3A_478 = vector.broadcast %parallel_loop3A_477 : f32 to vector<16xf32>
        %parallel_loop3A_479 = arith.subf %parallel_loop3A_476, %parallel_loop3A_478 : vector<16xf32>
        %parallel_loop3A_480 = arith.constant 6.281250e+00 : f32
        %parallel_loop3A_481 = vector.broadcast %parallel_loop3A_480 : f32 to vector<16xf32>
        %parallel_loop3A_482 = arith.mulf %parallel_loop3A_479, %parallel_loop3A_481 : vector<16xf32>
        %parallel_loop3A_483 = arith.subf %parallel_loop3A_470, %parallel_loop3A_482 : vector<16xf32>
        %parallel_loop3A_484 = arith.constant 0.00193530717 : f32
        %parallel_loop3A_485 = vector.broadcast %parallel_loop3A_484 : f32 to vector<16xf32>
        %parallel_loop3A_486 = arith.mulf %parallel_loop3A_479, %parallel_loop3A_485 : vector<16xf32>
        %parallel_loop3A_487 = arith.subf %parallel_loop3A_483, %parallel_loop3A_486 : vector<16xf32>
        %parallel_loop3A_488 = arith.mulf %parallel_loop3A_487, %parallel_loop3A_487 : vector<16xf32>
        %parallel_loop3A_489 = arith.mulf %parallel_loop3A_488, %parallel_loop3A_488 : vector<16xf32>
        %parallel_loop3A_490 = arith.constant -0.165838435 : f32
        %parallel_loop3A_491 = vector.broadcast %parallel_loop3A_490 : f32 to vector<16xf32>
        %parallel_loop3A_492 = arith.mulf %parallel_loop3A_491, %parallel_loop3A_488 : vector<16xf32>
        %parallel_loop3A_493 = arith.constant 0.999450147 : f32
        %parallel_loop3A_494 = vector.broadcast %parallel_loop3A_493 : f32 to vector<16xf32>
        %parallel_loop3A_495 = arith.addf %parallel_loop3A_494, %parallel_loop3A_492 : vector<16xf32>
        %parallel_loop3A_496 = arith.constant -1.47740444E-4 : f32
        %parallel_loop3A_497 = vector.broadcast %parallel_loop3A_496 : f32 to vector<16xf32>
        %parallel_loop3A_498 = arith.mulf %parallel_loop3A_497, %parallel_loop3A_488 : vector<16xf32>
        %parallel_loop3A_499 = arith.constant 0.00799857546 : f32
        %parallel_loop3A_500 = vector.broadcast %parallel_loop3A_499 : f32 to vector<16xf32>
        %parallel_loop3A_501 = arith.addf %parallel_loop3A_500, %parallel_loop3A_498 : vector<16xf32>
        %parallel_loop3A_502 = arith.mulf %parallel_loop3A_489, %parallel_loop3A_501 : vector<16xf32>
        %parallel_loop3A_503 = arith.addf %parallel_loop3A_495, %parallel_loop3A_502 : vector<16xf32>
        %parallel_loop3A_504 = arith.mulf %parallel_loop3A_503, %parallel_loop3A_487 : vector<16xf32>
        %parallel_loop3A_505 = arith.constant -0.499837607 : f32
        %parallel_loop3A_506 = vector.broadcast %parallel_loop3A_505 : f32 to vector<16xf32>
        %parallel_loop3A_507 = arith.mulf %parallel_loop3A_506, %parallel_loop3A_488 : vector<16xf32>
        %parallel_loop3A_508 = arith.constant 0.999971091 : f32
        %parallel_loop3A_509 = vector.broadcast %parallel_loop3A_508 : f32 to vector<16xf32>
        %parallel_loop3A_510 = arith.addf %parallel_loop3A_509, %parallel_loop3A_507 : vector<16xf32>
        %parallel_loop3A_511 = arith.constant -0.00134410686 : f32
        %parallel_loop3A_512 = vector.broadcast %parallel_loop3A_511 : f32 to vector<16xf32>
        %parallel_loop3A_513 = arith.mulf %parallel_loop3A_512, %parallel_loop3A_488 : vector<16xf32>
        %parallel_loop3A_514 = arith.constant 0.0415223055 : f32
        %parallel_loop3A_515 = vector.broadcast %parallel_loop3A_514 : f32 to vector<16xf32>
        %parallel_loop3A_516 = arith.addf %parallel_loop3A_515, %parallel_loop3A_513 : vector<16xf32>
        %parallel_loop3A_517 = arith.constant 1.90652154E-5 : f32
        %parallel_loop3A_518 = vector.broadcast %parallel_loop3A_517 : f32 to vector<16xf32>
        %parallel_loop3A_519 = arith.mulf %parallel_loop3A_489, %parallel_loop3A_518 : vector<16xf32>
        %parallel_loop3A_520 = arith.addf %parallel_loop3A_516, %parallel_loop3A_519 : vector<16xf32>
        %parallel_loop3A_521 = arith.mulf %parallel_loop3A_489, %parallel_loop3A_520 : vector<16xf32>
        %parallel_loop3A_522 = arith.addf %parallel_loop3A_510, %parallel_loop3A_521 : vector<16xf32>
        %parallel_loop3A_523 = arith.mulf %parallel_loop3A_465, %parallel_loop3A_522 : vector<16xf32>
        %parallel_loop3A_524 = arith.index_cast %parallel_loop3A_242 : i32 to index
        %parallel_loop3A_525 = arith.constant 48 : index
        %parallel_loop3A_526 = tpu.vector_load %arg9[%parallel_loop3A_524, %parallel_loop3A_525] {strides = array<i32>} : memref<128x128xf32, #tpu.memory_space<vmem>>, vector<1x16xf32>,
        %parallel_loop3A_527 = vector.shape_cast %parallel_loop3A_526 : vector<1x16xf32> to vector<16xf32>
        %parallel_loop3A_528 = vector.shape_cast %parallel_loop3A_523 : vector<16xf32> to vector<1x16xf32>
        tpu.vector_store %arg9[%parallel_loop3A_524, %parallel_loop3A_525], %parallel_loop3A_528 {strides = array<i32>} : memref<128x128xf32, #tpu.memory_space<vmem>>, vector<1x16xf32>,
        %parallel_loop3A_529 = arith.mulf %parallel_loop3A_465, %parallel_loop3A_504 : vector<16xf32>
        %parallel_loop3A_530 = arith.index_cast %parallel_loop3A_242 : i32 to index
        %parallel_loop3A_531 = arith.constant 112 : index
        %parallel_loop3A_532 = tpu.vector_load %arg9[%parallel_loop3A_530, %parallel_loop3A_531] {strides = array<i32>} : memref<128x128xf32, #tpu.memory_space<vmem>>, vector<1x16xf32>,
        %parallel_loop3A_533 = vector.shape_cast %parallel_loop3A_532 : vector<1x16xf32> to vector<16xf32>
        %parallel_loop3A_534 = vector.shape_cast %parallel_loop3A_529 : vector<16xf32> to vector<1x16xf32>
        tpu.vector_store %arg9[%parallel_loop3A_530, %parallel_loop3A_531], %parallel_loop3A_534 {strides = array<i32>} : memref<128x128xf32, #tpu.memory_space<vmem>>, vector<1x16xf32>,
      } {sc.loop_unroll_factor = 16 : i64, sc.parallel_access}
      %dma_start3A_210 = arith.constant 0 : i32
      %dma_start3A_211 = tpu.memref_slice %arg4[%select_n3A_152, %select_n3A_136, %dma_start3A_210] : memref<1024x200x128xf32, #tpu.memory_space<hbm>> -> memref<128x1x128xf32, #tpu.memory_space<hbm>>
      %dma_start3A_212 = tpu.memref_squeeze %dma_start3A_211 : memref<128x1x128xf32, #tpu.memory_space<hbm>> -> memref<128x128xf32, #tpu.memory_space<hbm>>
      %dma_start3A_213 = arith.constant 0 : i32
      %dma_start3A_214 = tpu.memref_slice %arg4[%select_n3A_152, %select_n3A_136, %dma_start3A_213] : memref<1024x200x128xf32, #tpu.memory_space<hbm>> -> memref<128x1x128xf32, #tpu.memory_space<hbm>>
      %dma_start3A_215 = tpu.memref_squeeze %dma_start3A_214 : memref<128x1x128xf32, #tpu.memory_space<hbm>> -> memref<128x128xf32, #tpu.memory_space<hbm>>
      tpu.enqueue_dma source(%arg9 : memref<128x128xf32, #tpu.memory_space<vmem>>) target(%dma_start3A_215 : memref<128x128xf32, #tpu.memory_space<hbm>>) target_semaphore(%arg13 : memref<!tpu.dma_semaphore, #tpu.memory_space<semaphore_mem>>)
      %lt3A_216 = arith.constant 24 : i32
      %lt3A_217 = arith.cmpi slt, %scan3A_105, %lt3A_216 : i32
      %convert_element_type3A_218 = arith.extui %lt3A_217 : i1 to i32
      %cond3A_219 = arith.constant 0 : i32
      %cond3A_220 = arith.cmpi ne, %convert_element_type3A_218, %cond3A_219 : i32
      scf.if %cond3A_220 {
        %add3A_242 = arith.constant 2 : i32
        %add3A_243 = arith.addi %add3A_108, %add3A_242 : i32
        %mul3A_244 = arith.constant 128 : i32
        %mul3A_245 = arith.muli %add3A_243, %mul3A_244 : i32
        "tpu.region"() ({
          %run_scoped3A = tpu.sem_alloc : memref<!tpu.dma_semaphore, #tpu.memory_space<semaphore_mem>>
          %dma_start3A_249 = tpu.memref_slice %arg2[%mul3A_245] : memref<204800xi32, #tpu.memory_space<hbm>> -> memref<128xi32, #tpu.memory_space<hbm>>
          %dma_start3A_250 = tpu.memref_slice %arg2[%mul3A_245] : memref<204800xi32, #tpu.memory_space<hbm>> -> memref<128xi32, #tpu.memory_space<hbm>>
          tpu.enqueue_dma source(%dma_start3A_250 : memref<128xi32, #tpu.memory_space<hbm>>) target(%arg5 : memref<128xi32, #tpu.memory_space<vmem>>) target_semaphore(%run_scoped3A : memref<!tpu.dma_semaphore, #tpu.memory_space<semaphore_mem>>)
          %dma_wait3A_251 = tpu.memref_slice %arg2[%mul3A_245] : memref<204800xi32, #tpu.memory_space<hbm>> -> memref<128xi32, #tpu.memory_space<hbm>>
          %dma_wait3A_252 = tpu.memref_slice %arg2[%mul3A_245] : memref<204800xi32, #tpu.memory_space<hbm>> -> memref<128xi32, #tpu.memory_space<hbm>>
          tpu.wait_dma2 semaphore(%run_scoped3A : memref<!tpu.dma_semaphore, #tpu.memory_space<semaphore_mem>>) src(%dma_wait3A_252 : memref<128xi32, #tpu.memory_space<hbm>>) dst(%arg5 : memref<128xi32, #tpu.memory_space<vmem>>)
          tpu.yield
        }) : () -> ()
        %dma_start3A_246 = arith.constant 0 : i32
        %dma_start3A_247 = arith.constant 0 : i32
        %dma_start3A_248 = tpu.memref_slice %arg3[%dma_start3A_246, %dma_start3A_247] : memref<1000000x128xf32, #tpu.memory_space<hbm>> -> memref<1000000x128xf32, #tpu.memory_space<hbm>>
        tpu.enqueue_indirect_dma source(%dma_start3A_248 : memref<1000000x128xf32, #tpu.memory_space<hbm>>) target(%arg7 : memref<128x128xf32, #tpu.memory_space<vmem>>) offsets(%arg5 : memref<128xi32, #tpu.memory_space<vmem>>) semaphore(%arg11 : memref<!tpu.dma_semaphore, #tpu.memory_space<semaphore_mem>>)
      } else {
      }
      %dma_wait3A_221 = arith.constant 0 : i32
      %dma_wait3A_222 = arith.constant 0 : i32
      %dma_wait3A_223 = tpu.memref_slice %arg3[%dma_wait3A_221, %dma_wait3A_222] : memref<1000000x128xf32, #tpu.memory_space<hbm>> -> memref<1000000x128xf32, #tpu.memory_space<hbm>>
      tpu.wait_indirect_dma semaphore(%arg12 : memref<!tpu.dma_semaphore, #tpu.memory_space<semaphore_mem>>) src(%dma_wait3A_223 : memref<1000000x128xf32, #tpu.memory_space<hbm>>) dst(%arg8 : memref<128x128xf32, #tpu.memory_space<vmem>>)
      %gt3A_224 = arith.constant 0 : i32
      %gt3A_225 = arith.cmpi sgt, %scan3A_105, %gt3A_224 : i32
      %convert_element_type3A_226 = arith.extui %gt3A_225 : i1 to i32
      %cond3A_227 = arith.constant 0 : i32
      %cond3A_228 = arith.cmpi ne, %convert_element_type3A_226, %cond3A_227 : i32
      scf.if %cond3A_228 {
        %dma_wait3A_242 = arith.constant 0 : i32
        %dma_wait3A_243 = tpu.memref_slice %arg4[%select_n3A_194, %select_n3A_178, %dma_wait3A_242] : memref<1024x200x128xf32, #tpu.memory_space<hbm>> -> memref<128x1x128xf32, #tpu.memory_space<hbm>>
        %dma_wait3A_244 = tpu.memref_squeeze %dma_wait3A_243 : memref<128x1x128xf32, #tpu.memory_space<hbm>> -> memref<128x128xf32, #tpu.memory_space<hbm>>
        %dma_wait3A_245 = arith.constant 0 : i32
        %dma_wait3A_246 = tpu.memref_slice %arg4[%select_n3A_194, %select_n3A_178, %dma_wait3A_245] : memref<1024x200x128xf32, #tpu.memory_space<hbm>> -> memref<128x1x128xf32, #tpu.memory_space<hbm>>
        %dma_wait3A_247 = tpu.memref_squeeze %dma_wait3A_246 : memref<128x1x128xf32, #tpu.memory_space<hbm>> -> memref<128x128xf32, #tpu.memory_space<hbm>>
        tpu.wait_dma2 semaphore(%arg14 : memref<!tpu.dma_semaphore, #tpu.memory_space<semaphore_mem>>) src(%arg10 : memref<128x128xf32, #tpu.memory_space<vmem>>) dst(%dma_wait3A_247 : memref<128x128xf32, #tpu.memory_space<hbm>>)
      } else {
      }
      %add3A_229 = arith.constant 1 : i32
      %add3A_230 = arith.addi %select_n3A_178, %add3A_229 : i32
      %convert_element_type3A_231 = arith.sitofp %add3A_230 : i32 to f32
      %broadcast_in_dim3A_232 = vector.broadcast %convert_element_type3A_231 : f32 to vector<16xf32>
      %parallel_loop3A_233 = arith.constant 0 : i32
      %parallel_loop3A_234 = arith.constant 128 : i32
      %parallel_loop3A_235 = arith.constant 1 : i32
      scf.for %parallel_loop3A_242 = %parallel_loop3A_233 to %parallel_loop3A_234 step %parallel_loop3A_235  : i32 {
        %parallel_loop3A_243 = arith.index_cast %parallel_loop3A_242 : i32 to index
        %parallel_loop3A_244 = arith.constant 0 : index
        %parallel_loop3A_245 = tpu.vector_load %arg8[%parallel_loop3A_243, %parallel_loop3A_244] {strides = array<i32>} : memref<128x128xf32, #tpu.memory_space<vmem>>, vector<1x16xf32>,
        %parallel_loop3A_246 = vector.shape_cast %parallel_loop3A_245 : vector<1x16xf32> to vector<16xf32>
        %parallel_loop3A_247 = arith.index_cast %parallel_loop3A_242 : i32 to index
        %parallel_loop3A_248 = arith.constant 64 : index
        %parallel_loop3A_249 = tpu.vector_load %arg8[%parallel_loop3A_247, %parallel_loop3A_248] {strides = array<i32>} : memref<128x128xf32, #tpu.memory_space<vmem>>, vector<1x16xf32>,
        %parallel_loop3A_250 = vector.shape_cast %parallel_loop3A_249 : vector<1x16xf32> to vector<16xf32>
        %parallel_loop3A_251 = arith.mulf %parallel_loop3A_250, %broadcast_in_dim3A_232 : vector<16xf32>
        %parallel_loop3A_252 = arith.constant 0.159154937 : f32
        %parallel_loop3A_253 = vector.broadcast %parallel_loop3A_252 : f32 to vector<16xf32>
        %parallel_loop3A_254 = arith.mulf %parallel_loop3A_251, %parallel_loop3A_253 : vector<16xf32>
        %parallel_loop3A_255 = arith.constant 0x4B400000 : f32
        %parallel_loop3A_256 = vector.broadcast %parallel_loop3A_255 : f32 to vector<16xf32>
        %parallel_loop3A_257 = arith.addf %parallel_loop3A_254, %parallel_loop3A_256 : vector<16xf32>
        %parallel_loop3A_258 = arith.constant 0x4B400000 : f32
        %parallel_loop3A_259 = vector.broadcast %parallel_loop3A_258 : f32 to vector<16xf32>
        %parallel_loop3A_260 = arith.subf %parallel_loop3A_257, %parallel_loop3A_259 : vector<16xf32>
        %parallel_loop3A_261 = arith.constant 6.281250e+00 : f32
        %parallel_loop3A_262 = vector.broadcast %parallel_loop3A_261 : f32 to vector<16xf32>
        %parallel_loop3A_263 = arith.mulf %parallel_loop3A_260, %parallel_loop3A_262 : vector<16xf32>
        %parallel_loop3A_264 = arith.subf %parallel_loop3A_251, %parallel_loop3A_263 : vector<16xf32>
        %parallel_loop3A_265 = arith.constant 0.00193530717 : f32
        %parallel_loop3A_266 = vector.broadcast %parallel_loop3A_265 : f32 to vector<16xf32>
        %parallel_loop3A_267 = arith.mulf %parallel_loop3A_260, %parallel_loop3A_266 : vector<16xf32>
        %parallel_loop3A_268 = arith.subf %parallel_loop3A_264, %parallel_loop3A_267 : vector<16xf32>
        %parallel_loop3A_269 = arith.mulf %parallel_loop3A_268, %parallel_loop3A_268 : vector<16xf32>
        %parallel_loop3A_270 = arith.mulf %parallel_loop3A_269, %parallel_loop3A_269 : vector<16xf32>
        %parallel_loop3A_271 = arith.constant -0.165838435 : f32
        %parallel_loop3A_272 = vector.broadcast %parallel_loop3A_271 : f32 to vector<16xf32>
        %parallel_loop3A_273 = arith.mulf %parallel_loop3A_272, %parallel_loop3A_269 : vector<16xf32>
        %parallel_loop3A_274 = arith.constant 0.999450147 : f32
        %parallel_loop3A_275 = vector.broadcast %parallel_loop3A_274 : f32 to vector<16xf32>
        %parallel_loop3A_276 = arith.addf %parallel_loop3A_275, %parallel_loop3A_273 : vector<16xf32>
        %parallel_loop3A_277 = arith.constant -1.47740444E-4 : f32
        %parallel_loop3A_278 = vector.broadcast %parallel_loop3A_277 : f32 to vector<16xf32>
        %parallel_loop3A_279 = arith.mulf %parallel_loop3A_278, %parallel_loop3A_269 : vector<16xf32>
        %parallel_loop3A_280 = arith.constant 0.00799857546 : f32
        %parallel_loop3A_281 = vector.broadcast %parallel_loop3A_280 : f32 to vector<16xf32>
        %parallel_loop3A_282 = arith.addf %parallel_loop3A_281, %parallel_loop3A_279 : vector<16xf32>
        %parallel_loop3A_283 = arith.mulf %parallel_loop3A_270, %parallel_loop3A_282 : vector<16xf32>
        %parallel_loop3A_284 = arith.addf %parallel_loop3A_276, %parallel_loop3A_283 : vector<16xf32>
        %parallel_loop3A_285 = arith.mulf %parallel_loop3A_284, %parallel_loop3A_268 : vector<16xf32>
        %parallel_loop3A_286 = arith.constant -0.499837607 : f32
        %parallel_loop3A_287 = vector.broadcast %parallel_loop3A_286 : f32 to vector<16xf32>
        %parallel_loop3A_288 = arith.mulf %parallel_loop3A_287, %parallel_loop3A_269 : vector<16xf32>
        %parallel_loop3A_289 = arith.constant 0.999971091 : f32
        %parallel_loop3A_290 = vector.broadcast %parallel_loop3A_289 : f32 to vector<16xf32>
        %parallel_loop3A_291 = arith.addf %parallel_loop3A_290, %parallel_loop3A_288 : vector<16xf32>
        %parallel_loop3A_292 = arith.constant -0.00134410686 : f32
        %parallel_loop3A_293 = vector.broadcast %parallel_loop3A_292 : f32 to vector<16xf32>
        %parallel_loop3A_294 = arith.mulf %parallel_loop3A_293, %parallel_loop3A_269 : vector<16xf32>
        %parallel_loop3A_295 = arith.constant 0.0415223055 : f32
        %parallel_loop3A_296 = vector.broadcast %parallel_loop3A_295 : f32 to vector<16xf32>
        %parallel_loop3A_297 = arith.addf %parallel_loop3A_296, %parallel_loop3A_294 : vector<16xf32>
        %parallel_loop3A_298 = arith.constant 1.90652154E-5 : f32
        %parallel_loop3A_299 = vector.broadcast %parallel_loop3A_298 : f32 to vector<16xf32>
        %parallel_loop3A_300 = arith.mulf %parallel_loop3A_270, %parallel_loop3A_299 : vector<16xf32>
        %parallel_loop3A_301 = arith.addf %parallel_loop3A_297, %parallel_loop3A_300 : vector<16xf32>
        %parallel_loop3A_302 = arith.mulf %parallel_loop3A_270, %parallel_loop3A_301 : vector<16xf32>
        %parallel_loop3A_303 = arith.addf %parallel_loop3A_291, %parallel_loop3A_302 : vector<16xf32>
        %parallel_loop3A_304 = arith.mulf %parallel_loop3A_246, %parallel_loop3A_303 : vector<16xf32>
        %parallel_loop3A_305 = arith.index_cast %parallel_loop3A_242 : i32 to index
        %parallel_loop3A_306 = arith.constant 0 : index
        %parallel_loop3A_307 = tpu.vector_load %arg10[%parallel_loop3A_305, %parallel_loop3A_306] {strides = array<i32>} : memref<128x128xf32, #tpu.memory_space<vmem>>, vector<1x16xf32>,
        %parallel_loop3A_308 = vector.shape_cast %parallel_loop3A_307 : vector<1x16xf32> to vector<16xf32>
        %parallel_loop3A_309 = vector.shape_cast %parallel_loop3A_304 : vector<16xf32> to vector<1x16xf32>
        tpu.vector_store %arg10[%parallel_loop3A_305, %parallel_loop3A_306], %parallel_loop3A_309 {strides = array<i32>} : memref<128x128xf32, #tpu.memory_space<vmem>>, vector<1x16xf32>,
        %parallel_loop3A_310 = arith.mulf %parallel_loop3A_246, %parallel_loop3A_285 : vector<16xf32>
        %parallel_loop3A_311 = arith.index_cast %parallel_loop3A_242 : i32 to index
        %parallel_loop3A_312 = arith.constant 64 : index
        %parallel_loop3A_313 = tpu.vector_load %arg10[%parallel_loop3A_311, %parallel_loop3A_312] {strides = array<i32>} : memref<128x128xf32, #tpu.memory_space<vmem>>, vector<1x16xf32>,
        %parallel_loop3A_314 = vector.shape_cast %parallel_loop3A_313 : vector<1x16xf32> to vector<16xf32>
        %parallel_loop3A_315 = vector.shape_cast %parallel_loop3A_310 : vector<16xf32> to vector<1x16xf32>
        tpu.vector_store %arg10[%parallel_loop3A_311, %parallel_loop3A_312], %parallel_loop3A_315 {strides = array<i32>} : memref<128x128xf32, #tpu.memory_space<vmem>>, vector<1x16xf32>,
        %parallel_loop3A_316 = arith.index_cast %parallel_loop3A_242 : i32 to index
        %parallel_loop3A_317 = arith.constant 16 : index
        %parallel_loop3A_318 = tpu.vector_load %arg8[%parallel_loop3A_316, %parallel_loop3A_317] {strides = array<i32>} : memref<128x128xf32, #tpu.memory_space<vmem>>, vector<1x16xf32>,
        %parallel_loop3A_319 = vector.shape_cast %parallel_loop3A_318 : vector<1x16xf32> to vector<16xf32>
        %parallel_loop3A_320 = arith.index_cast %parallel_loop3A_242 : i32 to index
        %parallel_loop3A_321 = arith.constant 80 : index
        %parallel_loop3A_322 = tpu.vector_load %arg8[%parallel_loop3A_320, %parallel_loop3A_321] {strides = array<i32>} : memref<128x128xf32, #tpu.memory_space<vmem>>, vector<1x16xf32>,
        %parallel_loop3A_323 = vector.shape_cast %parallel_loop3A_322 : vector<1x16xf32> to vector<16xf32>
        %parallel_loop3A_324 = arith.mulf %parallel_loop3A_323, %broadcast_in_dim3A_232 : vector<16xf32>
        %parallel_loop3A_325 = arith.constant 0.159154937 : f32
        %parallel_loop3A_326 = vector.broadcast %parallel_loop3A_325 : f32 to vector<16xf32>
        %parallel_loop3A_327 = arith.mulf %parallel_loop3A_324, %parallel_loop3A_326 : vector<16xf32>
        %parallel_loop3A_328 = arith.constant 0x4B400000 : f32
        %parallel_loop3A_329 = vector.broadcast %parallel_loop3A_328 : f32 to vector<16xf32>
        %parallel_loop3A_330 = arith.addf %parallel_loop3A_327, %parallel_loop3A_329 : vector<16xf32>
        %parallel_loop3A_331 = arith.constant 0x4B400000 : f32
        %parallel_loop3A_332 = vector.broadcast %parallel_loop3A_331 : f32 to vector<16xf32>
        %parallel_loop3A_333 = arith.subf %parallel_loop3A_330, %parallel_loop3A_332 : vector<16xf32>
        %parallel_loop3A_334 = arith.constant 6.281250e+00 : f32
        %parallel_loop3A_335 = vector.broadcast %parallel_loop3A_334 : f32 to vector<16xf32>
        %parallel_loop3A_336 = arith.mulf %parallel_loop3A_333, %parallel_loop3A_335 : vector<16xf32>
        %parallel_loop3A_337 = arith.subf %parallel_loop3A_324, %parallel_loop3A_336 : vector<16xf32>
        %parallel_loop3A_338 = arith.constant 0.00193530717 : f32
        %parallel_loop3A_339 = vector.broadcast %parallel_loop3A_338 : f32 to vector<16xf32>
        %parallel_loop3A_340 = arith.mulf %parallel_loop3A_333, %parallel_loop3A_339 : vector<16xf32>
        %parallel_loop3A_341 = arith.subf %parallel_loop3A_337, %parallel_loop3A_340 : vector<16xf32>
        %parallel_loop3A_342 = arith.mulf %parallel_loop3A_341, %parallel_loop3A_341 : vector<16xf32>
        %parallel_loop3A_343 = arith.mulf %parallel_loop3A_342, %parallel_loop3A_342 : vector<16xf32>
        %parallel_loop3A_344 = arith.constant -0.165838435 : f32
        %parallel_loop3A_345 = vector.broadcast %parallel_loop3A_344 : f32 to vector<16xf32>
        %parallel_loop3A_346 = arith.mulf %parallel_loop3A_345, %parallel_loop3A_342 : vector<16xf32>
        %parallel_loop3A_347 = arith.constant 0.999450147 : f32
        %parallel_loop3A_348 = vector.broadcast %parallel_loop3A_347 : f32 to vector<16xf32>
        %parallel_loop3A_349 = arith.addf %parallel_loop3A_348, %parallel_loop3A_346 : vector<16xf32>
        %parallel_loop3A_350 = arith.constant -1.47740444E-4 : f32
        %parallel_loop3A_351 = vector.broadcast %parallel_loop3A_350 : f32 to vector<16xf32>
        %parallel_loop3A_352 = arith.mulf %parallel_loop3A_351, %parallel_loop3A_342 : vector<16xf32>
        %parallel_loop3A_353 = arith.constant 0.00799857546 : f32
        %parallel_loop3A_354 = vector.broadcast %parallel_loop3A_353 : f32 to vector<16xf32>
        %parallel_loop3A_355 = arith.addf %parallel_loop3A_354, %parallel_loop3A_352 : vector<16xf32>
        %parallel_loop3A_356 = arith.mulf %parallel_loop3A_343, %parallel_loop3A_355 : vector<16xf32>
        %parallel_loop3A_357 = arith.addf %parallel_loop3A_349, %parallel_loop3A_356 : vector<16xf32>
        %parallel_loop3A_358 = arith.mulf %parallel_loop3A_357, %parallel_loop3A_341 : vector<16xf32>
        %parallel_loop3A_359 = arith.constant -0.499837607 : f32
        %parallel_loop3A_360 = vector.broadcast %parallel_loop3A_359 : f32 to vector<16xf32>
        %parallel_loop3A_361 = arith.mulf %parallel_loop3A_360, %parallel_loop3A_342 : vector<16xf32>
        %parallel_loop3A_362 = arith.constant 0.999971091 : f32
        %parallel_loop3A_363 = vector.broadcast %parallel_loop3A_362 : f32 to vector<16xf32>
        %parallel_loop3A_364 = arith.addf %parallel_loop3A_363, %parallel_loop3A_361 : vector<16xf32>
        %parallel_loop3A_365 = arith.constant -0.00134410686 : f32
        %parallel_loop3A_366 = vector.broadcast %parallel_loop3A_365 : f32 to vector<16xf32>
        %parallel_loop3A_367 = arith.mulf %parallel_loop3A_366, %parallel_loop3A_342 : vector<16xf32>
        %parallel_loop3A_368 = arith.constant 0.0415223055 : f32
        %parallel_loop3A_369 = vector.broadcast %parallel_loop3A_368 : f32 to vector<16xf32>
        %parallel_loop3A_370 = arith.addf %parallel_loop3A_369, %parallel_loop3A_367 : vector<16xf32>
        %parallel_loop3A_371 = arith.constant 1.90652154E-5 : f32
        %parallel_loop3A_372 = vector.broadcast %parallel_loop3A_371 : f32 to vector<16xf32>
        %parallel_loop3A_373 = arith.mulf %parallel_loop3A_343, %parallel_loop3A_372 : vector<16xf32>
        %parallel_loop3A_374 = arith.addf %parallel_loop3A_370, %parallel_loop3A_373 : vector<16xf32>
        %parallel_loop3A_375 = arith.mulf %parallel_loop3A_343, %parallel_loop3A_374 : vector<16xf32>
        %parallel_loop3A_376 = arith.addf %parallel_loop3A_364, %parallel_loop3A_375 : vector<16xf32>
        %parallel_loop3A_377 = arith.mulf %parallel_loop3A_319, %parallel_loop3A_376 : vector<16xf32>
        %parallel_loop3A_378 = arith.index_cast %parallel_loop3A_242 : i32 to index
        %parallel_loop3A_379 = arith.constant 16 : index
        %parallel_loop3A_380 = tpu.vector_load %arg10[%parallel_loop3A_378, %parallel_loop3A_379] {strides = array<i32>} : memref<128x128xf32, #tpu.memory_space<vmem>>, vector<1x16xf32>,
        %parallel_loop3A_381 = vector.shape_cast %parallel_loop3A_380 : vector<1x16xf32> to vector<16xf32>
        %parallel_loop3A_382 = vector.shape_cast %parallel_loop3A_377 : vector<16xf32> to vector<1x16xf32>
        tpu.vector_store %arg10[%parallel_loop3A_378, %parallel_loop3A_379], %parallel_loop3A_382 {strides = array<i32>} : memref<128x128xf32, #tpu.memory_space<vmem>>, vector<1x16xf32>,
        %parallel_loop3A_383 = arith.mulf %parallel_loop3A_319, %parallel_loop3A_358 : vector<16xf32>
        %parallel_loop3A_384 = arith.index_cast %parallel_loop3A_242 : i32 to index
        %parallel_loop3A_385 = arith.constant 80 : index
        %parallel_loop3A_386 = tpu.vector_load %arg10[%parallel_loop3A_384, %parallel_loop3A_385] {strides = array<i32>} : memref<128x128xf32, #tpu.memory_space<vmem>>, vector<1x16xf32>,
        %parallel_loop3A_387 = vector.shape_cast %parallel_loop3A_386 : vector<1x16xf32> to vector<16xf32>
        %parallel_loop3A_388 = vector.shape_cast %parallel_loop3A_383 : vector<16xf32> to vector<1x16xf32>
        tpu.vector_store %arg10[%parallel_loop3A_384, %parallel_loop3A_385], %parallel_loop3A_388 {strides = array<i32>} : memref<128x128xf32, #tpu.memory_space<vmem>>, vector<1x16xf32>,
        %parallel_loop3A_389 = arith.index_cast %parallel_loop3A_242 : i32 to index
        %parallel_loop3A_390 = arith.constant 32 : index
        %parallel_loop3A_391 = tpu.vector_load %arg8[%parallel_loop3A_389, %parallel_loop3A_390] {strides = array<i32>} : memref<128x128xf32, #tpu.memory_space<vmem>>, vector<1x16xf32>,
        %parallel_loop3A_392 = vector.shape_cast %parallel_loop3A_391 : vector<1x16xf32> to vector<16xf32>
        %parallel_loop3A_393 = arith.index_cast %parallel_loop3A_242 : i32 to index
        %parallel_loop3A_394 = arith.constant 96 : index
        %parallel_loop3A_395 = tpu.vector_load %arg8[%parallel_loop3A_393, %parallel_loop3A_394] {strides = array<i32>} : memref<128x128xf32, #tpu.memory_space<vmem>>, vector<1x16xf32>,
        %parallel_loop3A_396 = vector.shape_cast %parallel_loop3A_395 : vector<1x16xf32> to vector<16xf32>
        %parallel_loop3A_397 = arith.mulf %parallel_loop3A_396, %broadcast_in_dim3A_232 : vector<16xf32>
        %parallel_loop3A_398 = arith.constant 0.159154937 : f32
        %parallel_loop3A_399 = vector.broadcast %parallel_loop3A_398 : f32 to vector<16xf32>
        %parallel_loop3A_400 = arith.mulf %parallel_loop3A_397, %parallel_loop3A_399 : vector<16xf32>
        %parallel_loop3A_401 = arith.constant 0x4B400000 : f32
        %parallel_loop3A_402 = vector.broadcast %parallel_loop3A_401 : f32 to vector<16xf32>
        %parallel_loop3A_403 = arith.addf %parallel_loop3A_400, %parallel_loop3A_402 : vector<16xf32>
        %parallel_loop3A_404 = arith.constant 0x4B400000 : f32
        %parallel_loop3A_405 = vector.broadcast %parallel_loop3A_404 : f32 to vector<16xf32>
        %parallel_loop3A_406 = arith.subf %parallel_loop3A_403, %parallel_loop3A_405 : vector<16xf32>
        %parallel_loop3A_407 = arith.constant 6.281250e+00 : f32
        %parallel_loop3A_408 = vector.broadcast %parallel_loop3A_407 : f32 to vector<16xf32>
        %parallel_loop3A_409 = arith.mulf %parallel_loop3A_406, %parallel_loop3A_408 : vector<16xf32>
        %parallel_loop3A_410 = arith.subf %parallel_loop3A_397, %parallel_loop3A_409 : vector<16xf32>
        %parallel_loop3A_411 = arith.constant 0.00193530717 : f32
        %parallel_loop3A_412 = vector.broadcast %parallel_loop3A_411 : f32 to vector<16xf32>
        %parallel_loop3A_413 = arith.mulf %parallel_loop3A_406, %parallel_loop3A_412 : vector<16xf32>
        %parallel_loop3A_414 = arith.subf %parallel_loop3A_410, %parallel_loop3A_413 : vector<16xf32>
        %parallel_loop3A_415 = arith.mulf %parallel_loop3A_414, %parallel_loop3A_414 : vector<16xf32>
        %parallel_loop3A_416 = arith.mulf %parallel_loop3A_415, %parallel_loop3A_415 : vector<16xf32>
        %parallel_loop3A_417 = arith.constant -0.165838435 : f32
        %parallel_loop3A_418 = vector.broadcast %parallel_loop3A_417 : f32 to vector<16xf32>
        %parallel_loop3A_419 = arith.mulf %parallel_loop3A_418, %parallel_loop3A_415 : vector<16xf32>
        %parallel_loop3A_420 = arith.constant 0.999450147 : f32
        %parallel_loop3A_421 = vector.broadcast %parallel_loop3A_420 : f32 to vector<16xf32>
        %parallel_loop3A_422 = arith.addf %parallel_loop3A_421, %parallel_loop3A_419 : vector<16xf32>
        %parallel_loop3A_423 = arith.constant -1.47740444E-4 : f32
        %parallel_loop3A_424 = vector.broadcast %parallel_loop3A_423 : f32 to vector<16xf32>
        %parallel_loop3A_425 = arith.mulf %parallel_loop3A_424, %parallel_loop3A_415 : vector<16xf32>
        %parallel_loop3A_426 = arith.constant 0.00799857546 : f32
        %parallel_loop3A_427 = vector.broadcast %parallel_loop3A_426 : f32 to vector<16xf32>
        %parallel_loop3A_428 = arith.addf %parallel_loop3A_427, %parallel_loop3A_425 : vector<16xf32>
        %parallel_loop3A_429 = arith.mulf %parallel_loop3A_416, %parallel_loop3A_428 : vector<16xf32>
        %parallel_loop3A_430 = arith.addf %parallel_loop3A_422, %parallel_loop3A_429 : vector<16xf32>
        %parallel_loop3A_431 = arith.mulf %parallel_loop3A_430, %parallel_loop3A_414 : vector<16xf32>
        %parallel_loop3A_432 = arith.constant -0.499837607 : f32
        %parallel_loop3A_433 = vector.broadcast %parallel_loop3A_432 : f32 to vector<16xf32>
        %parallel_loop3A_434 = arith.mulf %parallel_loop3A_433, %parallel_loop3A_415 : vector<16xf32>
        %parallel_loop3A_435 = arith.constant 0.999971091 : f32
        %parallel_loop3A_436 = vector.broadcast %parallel_loop3A_435 : f32 to vector<16xf32>
        %parallel_loop3A_437 = arith.addf %parallel_loop3A_436, %parallel_loop3A_434 : vector<16xf32>
        %parallel_loop3A_438 = arith.constant -0.00134410686 : f32
        %parallel_loop3A_439 = vector.broadcast %parallel_loop3A_438 : f32 to vector<16xf32>
        %parallel_loop3A_440 = arith.mulf %parallel_loop3A_439, %parallel_loop3A_415 : vector<16xf32>
        %parallel_loop3A_441 = arith.constant 0.0415223055 : f32
        %parallel_loop3A_442 = vector.broadcast %parallel_loop3A_441 : f32 to vector<16xf32>
        %parallel_loop3A_443 = arith.addf %parallel_loop3A_442, %parallel_loop3A_440 : vector<16xf32>
        %parallel_loop3A_444 = arith.constant 1.90652154E-5 : f32
        %parallel_loop3A_445 = vector.broadcast %parallel_loop3A_444 : f32 to vector<16xf32>
        %parallel_loop3A_446 = arith.mulf %parallel_loop3A_416, %parallel_loop3A_445 : vector<16xf32>
        %parallel_loop3A_447 = arith.addf %parallel_loop3A_443, %parallel_loop3A_446 : vector<16xf32>
        %parallel_loop3A_448 = arith.mulf %parallel_loop3A_416, %parallel_loop3A_447 : vector<16xf32>
        %parallel_loop3A_449 = arith.addf %parallel_loop3A_437, %parallel_loop3A_448 : vector<16xf32>
        %parallel_loop3A_450 = arith.mulf %parallel_loop3A_392, %parallel_loop3A_449 : vector<16xf32>
        %parallel_loop3A_451 = arith.index_cast %parallel_loop3A_242 : i32 to index
        %parallel_loop3A_452 = arith.constant 32 : index
        %parallel_loop3A_453 = tpu.vector_load %arg10[%parallel_loop3A_451, %parallel_loop3A_452] {strides = array<i32>} : memref<128x128xf32, #tpu.memory_space<vmem>>, vector<1x16xf32>,
        %parallel_loop3A_454 = vector.shape_cast %parallel_loop3A_453 : vector<1x16xf32> to vector<16xf32>
        %parallel_loop3A_455 = vector.shape_cast %parallel_loop3A_450 : vector<16xf32> to vector<1x16xf32>
        tpu.vector_store %arg10[%parallel_loop3A_451, %parallel_loop3A_452], %parallel_loop3A_455 {strides = array<i32>} : memref<128x128xf32, #tpu.memory_space<vmem>>, vector<1x16xf32>,
        %parallel_loop3A_456 = arith.mulf %parallel_loop3A_392, %parallel_loop3A_431 : vector<16xf32>
        %parallel_loop3A_457 = arith.index_cast %parallel_loop3A_242 : i32 to index
        %parallel_loop3A_458 = arith.constant 96 : index
        %parallel_loop3A_459 = tpu.vector_load %arg10[%parallel_loop3A_457, %parallel_loop3A_458] {strides = array<i32>} : memref<128x128xf32, #tpu.memory_space<vmem>>, vector<1x16xf32>,
        %parallel_loop3A_460 = vector.shape_cast %parallel_loop3A_459 : vector<1x16xf32> to vector<16xf32>
        %parallel_loop3A_461 = vector.shape_cast %parallel_loop3A_456 : vector<16xf32> to vector<1x16xf32>
        tpu.vector_store %arg10[%parallel_loop3A_457, %parallel_loop3A_458], %parallel_loop3A_461 {strides = array<i32>} : memref<128x128xf32, #tpu.memory_space<vmem>>, vector<1x16xf32>,
        %parallel_loop3A_462 = arith.index_cast %parallel_loop3A_242 : i32 to index
        %parallel_loop3A_463 = arith.constant 48 : index
        %parallel_loop3A_464 = tpu.vector_load %arg8[%parallel_loop3A_462, %parallel_loop3A_463] {strides = array<i32>} : memref<128x128xf32, #tpu.memory_space<vmem>>, vector<1x16xf32>,
        %parallel_loop3A_465 = vector.shape_cast %parallel_loop3A_464 : vector<1x16xf32> to vector<16xf32>
        %parallel_loop3A_466 = arith.index_cast %parallel_loop3A_242 : i32 to index
        %parallel_loop3A_467 = arith.constant 112 : index
        %parallel_loop3A_468 = tpu.vector_load %arg8[%parallel_loop3A_466, %parallel_loop3A_467] {strides = array<i32>} : memref<128x128xf32, #tpu.memory_space<vmem>>, vector<1x16xf32>,
        %parallel_loop3A_469 = vector.shape_cast %parallel_loop3A_468 : vector<1x16xf32> to vector<16xf32>
        %parallel_loop3A_470 = arith.mulf %parallel_loop3A_469, %broadcast_in_dim3A_232 : vector<16xf32>
        %parallel_loop3A_471 = arith.constant 0.159154937 : f32
        %parallel_loop3A_472 = vector.broadcast %parallel_loop3A_471 : f32 to vector<16xf32>
        %parallel_loop3A_473 = arith.mulf %parallel_loop3A_470, %parallel_loop3A_472 : vector<16xf32>
        %parallel_loop3A_474 = arith.constant 0x4B400000 : f32
        %parallel_loop3A_475 = vector.broadcast %parallel_loop3A_474 : f32 to vector<16xf32>
        %parallel_loop3A_476 = arith.addf %parallel_loop3A_473, %parallel_loop3A_475 : vector<16xf32>
        %parallel_loop3A_477 = arith.constant 0x4B400000 : f32
        %parallel_loop3A_478 = vector.broadcast %parallel_loop3A_477 : f32 to vector<16xf32>
        %parallel_loop3A_479 = arith.subf %parallel_loop3A_476, %parallel_loop3A_478 : vector<16xf32>
        %parallel_loop3A_480 = arith.constant 6.281250e+00 : f32
        %parallel_loop3A_481 = vector.broadcast %parallel_loop3A_480 : f32 to vector<16xf32>
        %parallel_loop3A_482 = arith.mulf %parallel_loop3A_479, %parallel_loop3A_481 : vector<16xf32>
        %parallel_loop3A_483 = arith.subf %parallel_loop3A_470, %parallel_loop3A_482 : vector<16xf32>
        %parallel_loop3A_484 = arith.constant 0.00193530717 : f32
        %parallel_loop3A_485 = vector.broadcast %parallel_loop3A_484 : f32 to vector<16xf32>
        %parallel_loop3A_486 = arith.mulf %parallel_loop3A_479, %parallel_loop3A_485 : vector<16xf32>
        %parallel_loop3A_487 = arith.subf %parallel_loop3A_483, %parallel_loop3A_486 : vector<16xf32>
        %parallel_loop3A_488 = arith.mulf %parallel_loop3A_487, %parallel_loop3A_487 : vector<16xf32>
        %parallel_loop3A_489 = arith.mulf %parallel_loop3A_488, %parallel_loop3A_488 : vector<16xf32>
        %parallel_loop3A_490 = arith.constant -0.165838435 : f32
        %parallel_loop3A_491 = vector.broadcast %parallel_loop3A_490 : f32 to vector<16xf32>
        %parallel_loop3A_492 = arith.mulf %parallel_loop3A_491, %parallel_loop3A_488 : vector<16xf32>
        %parallel_loop3A_493 = arith.constant 0.999450147 : f32
        %parallel_loop3A_494 = vector.broadcast %parallel_loop3A_493 : f32 to vector<16xf32>
        %parallel_loop3A_495 = arith.addf %parallel_loop3A_494, %parallel_loop3A_492 : vector<16xf32>
        %parallel_loop3A_496 = arith.constant -1.47740444E-4 : f32
        %parallel_loop3A_497 = vector.broadcast %parallel_loop3A_496 : f32 to vector<16xf32>
        %parallel_loop3A_498 = arith.mulf %parallel_loop3A_497, %parallel_loop3A_488 : vector<16xf32>
        %parallel_loop3A_499 = arith.constant 0.00799857546 : f32
        %parallel_loop3A_500 = vector.broadcast %parallel_loop3A_499 : f32 to vector<16xf32>
        %parallel_loop3A_501 = arith.addf %parallel_loop3A_500, %parallel_loop3A_498 : vector<16xf32>
        %parallel_loop3A_502 = arith.mulf %parallel_loop3A_489, %parallel_loop3A_501 : vector<16xf32>
        %parallel_loop3A_503 = arith.addf %parallel_loop3A_495, %parallel_loop3A_502 : vector<16xf32>
        %parallel_loop3A_504 = arith.mulf %parallel_loop3A_503, %parallel_loop3A_487 : vector<16xf32>
        %parallel_loop3A_505 = arith.constant -0.499837607 : f32
        %parallel_loop3A_506 = vector.broadcast %parallel_loop3A_505 : f32 to vector<16xf32>
        %parallel_loop3A_507 = arith.mulf %parallel_loop3A_506, %parallel_loop3A_488 : vector<16xf32>
        %parallel_loop3A_508 = arith.constant 0.999971091 : f32
        %parallel_loop3A_509 = vector.broadcast %parallel_loop3A_508 : f32 to vector<16xf32>
        %parallel_loop3A_510 = arith.addf %parallel_loop3A_509, %parallel_loop3A_507 : vector<16xf32>
        %parallel_loop3A_511 = arith.constant -0.00134410686 : f32
        %parallel_loop3A_512 = vector.broadcast %parallel_loop3A_511 : f32 to vector<16xf32>
        %parallel_loop3A_513 = arith.mulf %parallel_loop3A_512, %parallel_loop3A_488 : vector<16xf32>
        %parallel_loop3A_514 = arith.constant 0.0415223055 : f32
        %parallel_loop3A_515 = vector.broadcast %parallel_loop3A_514 : f32 to vector<16xf32>
        %parallel_loop3A_516 = arith.addf %parallel_loop3A_515, %parallel_loop3A_513 : vector<16xf32>
        %parallel_loop3A_517 = arith.constant 1.90652154E-5 : f32
        %parallel_loop3A_518 = vector.broadcast %parallel_loop3A_517 : f32 to vector<16xf32>
        %parallel_loop3A_519 = arith.mulf %parallel_loop3A_489, %parallel_loop3A_518 : vector<16xf32>
        %parallel_loop3A_520 = arith.addf %parallel_loop3A_516, %parallel_loop3A_519 : vector<16xf32>
        %parallel_loop3A_521 = arith.mulf %parallel_loop3A_489, %parallel_loop3A_520 : vector<16xf32>
        %parallel_loop3A_522 = arith.addf %parallel_loop3A_510, %parallel_loop3A_521 : vector<16xf32>
        %parallel_loop3A_523 = arith.mulf %parallel_loop3A_465, %parallel_loop3A_522 : vector<16xf32>
        %parallel_loop3A_524 = arith.index_cast %parallel_loop3A_242 : i32 to index
        %parallel_loop3A_525 = arith.constant 48 : index
        %parallel_loop3A_526 = tpu.vector_load %arg10[%parallel_loop3A_524, %parallel_loop3A_525] {strides = array<i32>} : memref<128x128xf32, #tpu.memory_space<vmem>>, vector<1x16xf32>,
        %parallel_loop3A_527 = vector.shape_cast %parallel_loop3A_526 : vector<1x16xf32> to vector<16xf32>
        %parallel_loop3A_528 = vector.shape_cast %parallel_loop3A_523 : vector<16xf32> to vector<1x16xf32>
        tpu.vector_store %arg10[%parallel_loop3A_524, %parallel_loop3A_525], %parallel_loop3A_528 {strides = array<i32>} : memref<128x128xf32, #tpu.memory_space<vmem>>, vector<1x16xf32>,
        %parallel_loop3A_529 = arith.mulf %parallel_loop3A_465, %parallel_loop3A_504 : vector<16xf32>
        %parallel_loop3A_530 = arith.index_cast %parallel_loop3A_242 : i32 to index
        %parallel_loop3A_531 = arith.constant 112 : index
        %parallel_loop3A_532 = tpu.vector_load %arg10[%parallel_loop3A_530, %parallel_loop3A_531] {strides = array<i32>} : memref<128x128xf32, #tpu.memory_space<vmem>>, vector<1x16xf32>,
        %parallel_loop3A_533 = vector.shape_cast %parallel_loop3A_532 : vector<1x16xf32> to vector<16xf32>
        %parallel_loop3A_534 = vector.shape_cast %parallel_loop3A_529 : vector<16xf32> to vector<1x16xf32>
        tpu.vector_store %arg10[%parallel_loop3A_530, %parallel_loop3A_531], %parallel_loop3A_534 {strides = array<i32>} : memref<128x128xf32, #tpu.memory_space<vmem>>, vector<1x16xf32>,
      } {sc.loop_unroll_factor = 16 : i64, sc.parallel_access}
      %dma_start3A_236 = arith.constant 0 : i32
      %dma_start3A_237 = tpu.memref_slice %arg4[%select_n3A_194, %select_n3A_178, %dma_start3A_236] : memref<1024x200x128xf32, #tpu.memory_space<hbm>> -> memref<128x1x128xf32, #tpu.memory_space<hbm>>
      %dma_start3A_238 = tpu.memref_squeeze %dma_start3A_237 : memref<128x1x128xf32, #tpu.memory_space<hbm>> -> memref<128x128xf32, #tpu.memory_space<hbm>>
      %dma_start3A_239 = arith.constant 0 : i32
      %dma_start3A_240 = tpu.memref_slice %arg4[%select_n3A_194, %select_n3A_178, %dma_start3A_239] : memref<1024x200x128xf32, #tpu.memory_space<hbm>> -> memref<128x1x128xf32, #tpu.memory_space<hbm>>
      %dma_start3A_241 = tpu.memref_squeeze %dma_start3A_240 : memref<128x1x128xf32, #tpu.memory_space<hbm>> -> memref<128x128xf32, #tpu.memory_space<hbm>>
      tpu.enqueue_dma source(%arg10 : memref<128x128xf32, #tpu.memory_space<vmem>>) target(%dma_start3A_241 : memref<128x128xf32, #tpu.memory_space<hbm>>) target_semaphore(%arg14 : memref<!tpu.dma_semaphore, #tpu.memory_space<semaphore_mem>>)
    }
    %scan3A_11 = arith.constant 25 : i32
    %add3A_12 = arith.constant 50 : i32
    %add3A_13 = arith.addi %mul3A_2, %add3A_12 : i32
    %sub3A = arith.constant 2 : i32
    %sub3A_14 = arith.subi %add3A_13, %sub3A : i32
    %mul3A_15 = arith.constant 128 : i32
    %mul3A_16 = arith.muli %sub3A_14, %mul3A_15 : i32
    %jit3A = arith.constant 1024 : i32
    %div3A = arith.divsi %mul3A_16, %jit3A : i32
    %sign3A = arith.constant 0 : i32
    %sign3A_17 = arith.cmpi sgt, %mul3A_16, %sign3A : i32
    %sign3A_18 = arith.extui %sign3A_17 : i1 to i32
    %sign3A_19 = arith.constant 0 : i32
    %sign3A_20 = arith.cmpi slt, %mul3A_16, %sign3A_19 : i32
    %sign3A_21 = arith.extui %sign3A_20 : i1 to i32
    %sign3A_22 = arith.subi %sign3A_18, %sign3A_21 : i32
    %sign3A_23 = arith.constant 0 : i32
    %sign3A_24 = arith.cmpi sgt, %jit3A, %sign3A_23 : i32
    %sign3A_25 = arith.extui %sign3A_24 : i1 to i32
    %sign3A_26 = arith.constant 0 : i32
    %sign3A_27 = arith.cmpi slt, %jit3A, %sign3A_26 : i32
    %sign3A_28 = arith.extui %sign3A_27 : i1 to i32
    %sign3A_29 = arith.subi %sign3A_25, %sign3A_28 : i32
    %ne3A = arith.cmpi ne, %sign3A_22, %sign3A_29 : i32
    %rem3A = arith.remsi %mul3A_16, %jit3A : i32
    %ne3A_30 = arith.constant 0 : i32
    %ne3A_31 = arith.cmpi ne, %rem3A, %ne3A_30 : i32
    %and3A = arith.andi %ne3A, %ne3A_31 : i1
    %sub3A_32 = arith.constant 1 : i32
    %sub3A_33 = arith.subi %div3A, %sub3A_32 : i32
    %select_n3A = arith.select %and3A, %sub3A_33, %div3A : i32
    %jit3A_34 = arith.constant 1024 : i32
    %eq3A = arith.constant 0 : i32
    %eq3A_35 = arith.cmpi eq, %jit3A_34, %eq3A : i32
    %jit3A_36 = arith.constant 1 : i32
    %select_n3A_37 = arith.select %eq3A_35, %jit3A_36, %jit3A_34 : i32
    %rem3A_38 = arith.remsi %mul3A_16, %select_n3A_37 : i32
    %ne3A_39 = arith.constant 0 : i32
    %ne3A_40 = arith.cmpi ne, %rem3A_38, %ne3A_39 : i32
    %lt3A = arith.constant 0 : i32
    %lt3A_41 = arith.cmpi slt, %rem3A_38, %lt3A : i32
    %lt3A_42 = arith.constant 0 : i32
    %lt3A_43 = arith.cmpi slt, %select_n3A_37, %lt3A_42 : i32
    %ne3A_44 = arith.xori %lt3A_41, %lt3A_43 : i1
    %and3A_45 = arith.andi %ne3A_44, %ne3A_40 : i1
    %add3A_46 = arith.addi %rem3A_38, %select_n3A_37 : i32
    %select_n3A_47 = arith.select %and3A_45, %add3A_46, %rem3A_38 : i32
    %add3A_48 = arith.constant 50 : i32
    %add3A_49 = arith.addi %mul3A_2, %add3A_48 : i32
    %sub3A_50 = arith.constant 1 : i32
    %sub3A_51 = arith.subi %add3A_49, %sub3A_50 : i32
    %mul3A_52 = arith.constant 128 : i32
    %mul3A_53 = arith.muli %sub3A_51, %mul3A_52 : i32
    %jit3A_54 = arith.constant 1024 : i32
    %div3A_55 = arith.divsi %mul3A_53, %jit3A_54 : i32
    %sign3A_56 = arith.constant 0 : i32
    %sign3A_57 = arith.cmpi sgt, %mul3A_53, %sign3A_56 : i32
    %sign3A_58 = arith.extui %sign3A_57 : i1 to i32
    %sign3A_59 = arith.constant 0 : i32
    %sign3A_60 = arith.cmpi slt, %mul3A_53, %sign3A_59 : i32
    %sign3A_61 = arith.extui %sign3A_60 : i1 to i32
    %sign3A_62 = arith.subi %sign3A_58, %sign3A_61 : i32
    %sign3A_63 = arith.constant 0 : i32
    %sign3A_64 = arith.cmpi sgt, %jit3A_54, %sign3A_63 : i32
    %sign3A_65 = arith.extui %sign3A_64 : i1 to i32
    %sign3A_66 = arith.constant 0 : i32
    %sign3A_67 = arith.cmpi slt, %jit3A_54, %sign3A_66 : i32
    %sign3A_68 = arith.extui %sign3A_67 : i1 to i32
    %sign3A_69 = arith.subi %sign3A_65, %sign3A_68 : i32
    %ne3A_70 = arith.cmpi ne, %sign3A_62, %sign3A_69 : i32
    %rem3A_71 = arith.remsi %mul3A_53, %jit3A_54 : i32
    %ne3A_72 = arith.constant 0 : i32
    %ne3A_73 = arith.cmpi ne, %rem3A_71, %ne3A_72 : i32
    %and3A_74 = arith.andi %ne3A_70, %ne3A_73 : i1
    %sub3A_75 = arith.constant 1 : i32
    %sub3A_76 = arith.subi %div3A_55, %sub3A_75 : i32
    %select_n3A_77 = arith.select %and3A_74, %sub3A_76, %div3A_55 : i32
    %jit3A_78 = arith.constant 1024 : i32
    %eq3A_79 = arith.constant 0 : i32
    %eq3A_80 = arith.cmpi eq, %jit3A_78, %eq3A_79 : i32
    %jit3A_81 = arith.constant 1 : i32
    %select_n3A_82 = arith.select %eq3A_80, %jit3A_81, %jit3A_78 : i32
    %rem3A_83 = arith.remsi %mul3A_53, %select_n3A_82 : i32
    %ne3A_84 = arith.constant 0 : i32
    %ne3A_85 = arith.cmpi ne, %rem3A_83, %ne3A_84 : i32
    %lt3A_86 = arith.constant 0 : i32
    %lt3A_87 = arith.cmpi slt, %rem3A_83, %lt3A_86 : i32
    %lt3A_88 = arith.constant 0 : i32
    %lt3A_89 = arith.cmpi slt, %select_n3A_82, %lt3A_88 : i32
    %ne3A_90 = arith.xori %lt3A_87, %lt3A_89 : i1
    %and3A_91 = arith.andi %ne3A_90, %ne3A_85 : i1
    %add3A_92 = arith.addi %rem3A_83, %select_n3A_82 : i32
    %select_n3A_93 = arith.select %and3A_91, %add3A_92, %rem3A_83 : i32
    %dma_wait3A = arith.constant 0 : i32
    %dma_wait3A_94 = tpu.memref_slice %arg4[%select_n3A_47, %select_n3A, %dma_wait3A] : memref<1024x200x128xf32, #tpu.memory_space<hbm>> -> memref<128x1x128xf32, #tpu.memory_space<hbm>>
    %dma_wait3A_95 = tpu.memref_squeeze %dma_wait3A_94 : memref<128x1x128xf32, #tpu.memory_space<hbm>> -> memref<128x128xf32, #tpu.memory_space<hbm>>
    %dma_wait3A_96 = arith.constant 0 : i32
    %dma_wait3A_97 = tpu.memref_slice %arg4[%select_n3A_47, %select_n3A, %dma_wait3A_96] : memref<1024x200x128xf32, #tpu.memory_space<hbm>> -> memref<128x1x128xf32, #tpu.memory_space<hbm>>
    %dma_wait3A_98 = tpu.memref_squeeze %dma_wait3A_97 : memref<128x1x128xf32, #tpu.memory_space<hbm>> -> memref<128x128xf32, #tpu.memory_space<hbm>>
    tpu.wait_dma2 semaphore(%arg13 : memref<!tpu.dma_semaphore, #tpu.memory_space<semaphore_mem>>) src(%arg9 : memref<128x128xf32, #tpu.memory_space<vmem>>) dst(%dma_wait3A_98 : memref<128x128xf32, #tpu.memory_space<hbm>>)
    %dma_wait3A_99 = arith.constant 0 : i32
    %dma_wait3A_100 = tpu.memref_slice %arg4[%select_n3A_93, %select_n3A_77, %dma_wait3A_99] : memref<1024x200x128xf32, #tpu.memory_space<hbm>> -> memref<128x1x128xf32, #tpu.memory_space<hbm>>
    %dma_wait3A_101 = tpu.memref_squeeze %dma_wait3A_100 : memref<128x1x128xf32, #tpu.memory_space<hbm>> -> memref<128x128xf32, #tpu.memory_space<hbm>>
    %dma_wait3A_102 = arith.constant 0 : i32
    %dma_wait3A_103 = tpu.memref_slice %arg4[%select_n3A_93, %select_n3A_77, %dma_wait3A_102] : memref<1024x200x128xf32, #tpu.memory_space<hbm>> -> memref<128x1x128xf32, #tpu.memory_space<hbm>>
    %dma_wait3A_104 = tpu.memref_squeeze %dma_wait3A_103 : memref<128x1x128xf32, #tpu.memory_space<hbm>> -> memref<128x128xf32, #tpu.memory_space<hbm>>
    tpu.wait_dma2 semaphore(%arg14 : memref<!tpu.dma_semaphore, #tpu.memory_space<semaphore_mem>>) src(%arg10 : memref<128x128xf32, #tpu.memory_space<vmem>>) dst(%dma_wait3A_104 : memref<128x128xf32, #tpu.memory_space<hbm>>)
    return
  }
}

</mosaic_0001>

<sc_bundles>
// kernel: _run.3.cloned.1.call-start
scs
__scs_entry_jumppad:
0x0: {  	(pc) =	sbr.rel $0x88, $3  }
0x1: {  	(tag) =	ssettag $0x0;
	lr =	simm.s32 $0x1  }
0x2: {  	[smem:$0x3F9F] =	sst lr;
	_ =	strace $0xD0000000  }
0x3: {  	_ = 	snop  }
0x4: {  	_ = 	snop  }
0x5: {  	_ = 	snop  }
0x6: {  	_ = 	snop  }
0x7: {  	_ = 	snop  }
__scs_overlays_trampoline_lowered:
0x8: {  	[smem:$0x3FAE] =	sst s0  }
0x9: {  	[smem:$0x3FAF] =	sst s1  }
0xa: {  	[smem:$0x3FB0] =	sst s2  }
0xb: {  	[smem:$0x3FB1] =	sst s3  }
0xc: {  	[smem:$0x3FB2] =	sst s4  }
0xd: {  	[smem:$0x3FB3] =	sst s5  }
0xe: {  	[smem:$0x3FB4] =	sst s6  }
0xf: {  	[smem:$0x3FB5] =	sst s7  }
0x10: {  	[smem:$0x3FB6] =	sst s8  }
0x11: {  	[smem:$0x3FB7] =	sst s9;
	s0 =	simm.s32 @!p0 $0x0  }
0x12: {  	s1 =	sld [smem:$0x3F9D];
	s0 =	simm.s32 @p0 $0x1  }
0x13: {  	[smem:$0x3FB8] =	sst s0;
	s0 =	simm.s32 @!p1 $0x0  }
0x14: {  	s2 =	sld [smem:$0x3F9C];
	s0 =	simm.s32 @p1 $0x1  }
0x15: {  	[smem:$0x3FB9] =	sst s0;
	s0 =	simm.s32 @!p2 $0x0  }
0x16: {  	s3 =	sld [smem:$0x3FDB];
	s0 =	simm.s32 @p2 $0x1  }
0x17: {  	s4 =	simm.s32 $0x1BF5;
	[smem:$0x3FBB] =	sst s0  }
0x18: {  	s0 =	sld [smem:$0x3F9E];
	_ =	swait.ge [sflag:s4], $0x0  }
0x19: {  	s7 =	sld [smem:$0x3F9F]  }
0x1a: {  	s8 =	sadd.s32 $0xFFFFE003, lr  }
0x1b: {  	s9 =	sadd.s32 $0xFFFFFEF7, lr;
	s5 =	simm.s32 $0xFFFFFFFF;
	p2 =	slt.u32 s8, $0xFFFFF086  }
0x1c: {  	p1 =	slt.u32 s9, $0xF7A;
	s5 =	simm.s32 @!p2 $0x0  }
0x1d: {  	s5 =	simm.s32 @p1 $0x1;
	p0 =	seq.s32 s7, s2  }
0x1e: {  	s7 =	smul.u32 @!p0 $0xF7A, s2;
	p2 =	seq.s32 @!p0 s5, $0x0  }
0x1f: {  	s9 =	smul.u32 $0xF7A, s1;
	s8 =	simm.s32 @!p0 $0x1BF5;
	p2 =	por !p2, p0  }
0x20: {  	[sflag:s8] =	ssyncset.s32 @!p0 $0xFFFFF086;
	s6 =	sadd.s32 @!p0 s3, s7;
	s7 =	simm.s32 @!p0 $0x108  }
0x21: {  	s3 =	sadd.s32 s3, s9;
	s6 =	sadd.s32 @!p0 $0x88, s6;
	s7 =	simm.s32 @p2 $0x1082  }
0x22: {  	[simem:s7], [sflag:s8] =	dma.local @!p0 [hbm:s6], $0xF7A  }
0x23: {  	s9 =	sor.u32 $0xD0000000, s2;
	s6 =	simm.s32 $0x108;
	_ =	swait.ge @!p0 [sflag:s8], $0x0  }
0x24: {  	s3 =	sadd.s32 $0x88, s3;
	s6 =	simm.s32 @!p1 $0x1082;
	[sflag:s4] =	ssyncset.s32 $0xFFFFF086  }
0x25: {  	[simem:s6], [sflag:s4] =	dma.local [hbm:s3], $0xF7A  }
0x26: {  	[smem:$0x3F9F] =	sst s1;
	(tag) =	ssettag s2;
	_ =	strace s9  }
0x27: {  	s1 =	sld [smem:$0x3FAF]  }
0x28: {  	s2 =	sld [smem:$0x3FB0]  }
0x29: {  	s4 =	sld [smem:$0x3FB2]  }
0x2a: {  	p0 =	seq.s32 s5, $0x0;
	s5 =	sld [smem:$0x3FB3]  }
0x2b: {  	s6 =	sld [smem:$0x3FB4]  }
0x2c: {  	s7 =	sld [smem:$0x3FB5]  }
0x2d: {  	s3 =	simm.s32 $0x108;
	s8 =	sld [smem:$0x3FB6]  }
0x2e: {  	s3 =	simm.s32 @!p0 $0x1082;
	s9 =	sld [smem:$0x3FB7]  }
0x2f: {  	lr =	sadd.s32 s0, s3;
	s0 =	sld [smem:$0x3FAE]  }
0x30: {  	s3 =	sld [smem:$0x3FB1]  }
0x31: {  	[smem:$0x3FBA] =	sst s10  }
0x32: {  	s10 =	sld [smem:$0x3FB8];
	_ =	sdelay $0x3  }
0x33: {  	p0 =	seq.s32 s10, $0x1;
	s10 =	sld [smem:$0x3FBA];
	_ =	sdelay $0x3  }
0x34: {  	[smem:$0x3FBA] =	sst s10  }
0x35: {  	s10 =	sld [smem:$0x3FB9];
	_ =	sdelay $0x3  }
0x36: {  	p1 =	seq.s32 s10, $0x1;
	s10 =	sld [smem:$0x3FBA];
	_ =	sdelay $0x3  }
0x37: {  	[smem:$0x3FBA] =	sst s10  }
0x38: {  	s10 =	sld [smem:$0x3FBB]  }
0x39: {  	_ = 	snop;
	(pc) =	sbr.ind lr, $3  }
0x3a: {  	_ = 	snop  }
0x3b: {  	_ = 	snop  }
0x3c: {  	p2 =	seq.s32 s10, $0x1;
	s10 =	sld [smem:$0x3FBA]  }
0x3d: {  	_ =	shalt  }
0x3e: {  	_ =	shalt  }
0x3f: {  	_ =	shalt  }
0x40: {  	_ =	shalt  }
0x41: {  	_ =	shalt  }
0x42: {  	_ =	shalt  }
0x43: {  	_ =	shalt  }
0x44: {  	_ =	shalt  }
0x45: {  	_ =	shalt  }
0x46: {  	_ =	shalt  }
0x47: {  	_ =	shalt  }
0x48: {  	_ =	shalt  }
0x49: {  	_ =	shalt  }
0x4a: {  	_ =	shalt  }
0x4b: {  	_ =	shalt  }
0x4c: {  	_ =	shalt  }
0x4d: {  	_ =	shalt  }
0x4e: {  	_ =	shalt  }
0x4f: {  	_ =	shalt  }
0x50: {  	_ =	shalt  }
0x51: {  	_ =	shalt  }
0x52: {  	_ =	shalt  }
0x53: {  	_ =	shalt  }
0x54: {  	_ =	shalt  }
0x55: {  	_ =	shalt  }
0x56: {  	_ =	shalt  }
0x57: {  	_ =	shalt  }
0x58: {  	_ =	shalt  }
0x59: {  	_ =	shalt  }
0x5a: {  	_ =	shalt  }
0x5b: {  	_ =	shalt  }
0x5c: {  	_ =	shalt  }
0x5d: {  	_ =	shalt  }
0x5e: {  	_ =	shalt  }
0x5f: {  	_ =	shalt  }
0x60: {  	_ =	shalt  }
0x61: {  	_ =	shalt  }
0x62: {  	_ =	shalt  }
0x63: {  	_ =	shalt  }
0x64: {  	_ =	shalt  }
0x65: {  	_ =	shalt  }
0x66: {  	_ =	shalt  }
0x67: {  	_ =	shalt  }
0x68: {  	_ =	shalt  }
0x69: {  	_ =	shalt  }
0x6a: {  	_ =	shalt  }
0x6b: {  	_ =	shalt  }
0x6c: {  	_ =	shalt  }
0x6d: {  	_ =	shalt  }
0x6e: {  	_ =	shalt  }
0x6f: {  	_ =	shalt  }
0x70: {  	_ =	shalt  }
0x71: {  	_ =	shalt  }
0x72: {  	_ =	shalt  }
0x73: {  	_ =	shalt  }
0x74: {  	_ =	shalt  }
0x75: {  	_ =	shalt  }
0x76: {  	_ =	shalt  }
0x77: {  	_ =	shalt  }
0x78: {  	_ =	shalt  }
0x79: {  	_ =	shalt  }
0x7a: {  	_ =	shalt  }
0x7b: {  	_ =	shalt  }
0x7c: {  	_ =	shalt  }
0x7d: {  	_ =	shalt  }
0x7e: {  	_ =	shalt  }
0x7f: {  	_ =	shalt  }
0x80: {  	_ =	shalt  }
0x81: {  	_ =	shalt  }
0x82: {  	_ =	shalt  }
0x83: {  	_ =	shalt  }
0x84: {  	_ =	shalt  }
0x85: {  	_ =	shalt  }
0x86: {  	_ =	shalt  }
0x87: {  	_ =	shalt  }
.Lfunc_end0:
.L_simem_size_0:
called_computation_lowered:
.L_overlay_start_0:
0x88: {  	s2 =	sld [smem:$0x3FD9]  }
0x89: {  	s3 =	sld [smem:$0x3FFE];
	_ =	sdelay $0x1  }
0x8a: {  	s1 =	srdreg.scid  }
0x8b: {  	s0 =	sand.u32 $0x1, s1  }
0x8c: {  	s18 =	sshll.u32 s0, $0xA;
	s2 =	sadd.s32 s3, s2  }
0x8d: {  	s2 =	sadd.s32 s2, s18  }
0x8e: {  	[smem:$0x3FC6] =	sst s2  }
0x8f: {  	_ = 	snop  }
0x90: {  	s2 =	sld [smem:$0x3FC9]  }
0x91: {  	s19 =	sld [smem:$0x3FC8]  }
0x92: {  	s4 =	sld [smem:$0x3FD0];
	(tm) =	ssettm $0x1  }
0x93: {  	s5 =	sld [smem:$0x3FFB];
	_ =	sdelay $0x3  }
0x94: {  	_ =	strace s5  }
0x95: {  	s5 =	sld [smem:$0x3FFC];
	_ =	sdelay $0x3  }
0x96: {  	_ =	strace s5  }
0x97: {  	s5 =	sld [smem:$0x3FFD];
	_ =	sdelay $0x3  }
0x98: {  	_ =	strace s5  }
0x99: {  	_ =	strace $0x8FFFFFFF  }
0x9a: {  	s20 =	sld [smem:$0x3FDB];
	_ =	sdelay $0x1  }
0x9b: {  	s6 =	simm.s32 $_scs_section_size  }
0x9c: {  	s7 =	simm.s32 $_size__tile_overlayer_lowered;
	s8 =	simm.s32 $_tile_overlayer_lowered  }
0x9d: {  	s23 =	simm.s32 $0x1BFF;
	s22 =	sshll.u32 s8, $0x1;
	s5 =	sadd.s32 s6, s20  }
0x9e: {  	s9 =	simm.s32 $0x0;
	s21 =	sshll.u32 s7, $0x1;
	s7 =	sadd.s32 s22, s5  }
0x9f: {  	[timem:s9], [sflag:s23] =	dma.local [hbm:s7], s21  }
0xa0: {  	_ =	swait.ge [sflag:s23], s21  }
0xa1: {  	s6 =	ssub.s32 $0x0, s21;
	[sflag:s23] =	ssyncset.done $0x0  }
0xa2: {  	[sflag:s23] =	ssyncadd.s32 s6;
	_ =	sdelay $0x1  }
0xa3: {  	s24 =	simm.s32 $0x1B8B  }
0xa4: {  	_ =	swait.ge [sflag:s24], $0x1  }
0xa5: {  	[sflag:s24] =	ssyncset.done $0x0  }
0xa6: {  	s25 =	simm.s32 $0x1B8E;
	[sflag:s24] =	ssyncadd.s32 $0xFFFFFFFF  }
0xa7: {  	s26 =	simm.s32 $execute0_lowered;
	[smem:$0x3FD2] =	sst s25  }
0xa8: {  	s6 =	sshll.u32 s26, $0x1;
	_ =	strace $0x80000046;
	[dreg:$0x1] =	wrdreg $0xFFFFFFFF  }
0xa9: {  	s28 =	simm.s32 $_size_execute0_lowered;
	s5 =	sadd.s32 s5, s6;
	[dreg:$0x0] =	wrdreg $0x0  }
0xaa: {  	s6 =	sshll.u32 s28, $0x1;
	[dreg:$0x2] =	wrdreg s5  }
0xab: {  	[dreg:$0x3] =	wrdreg s6  }
0xac: {  	[dreg:$0x4] =	wrdreg $0xC0  }
0xad: {  	_ =	task [dreg:s9], $0x5FFFF  }
0xae: {  	[dreg:$0x1] =	wrdreg $0xFFFFFFFF  }
0xaf: {  	[dreg:$0x0] =	wrdreg $0x60  }
0xb0: {  	[dreg:$0x2] =	wrdreg s2  }
0xb1: {  	[dreg:$0x3] =	wrdreg s19  }
0xb2: {  	[dreg:$0x4] =	wrdreg s4  }
0xb3: {  	[dreg:$0x5] =	wrdreg $0x9  }
0xb4: {  	_ =	task.clear_ibuf [dreg:s9], $0x6FFFF;
	_ =	strace $0x90000046  }
0xb5: {  	s29 =	simm.s32 $0x9;
	_ =	strace $0x80000048  }
0xb6: {  	_ =	swait.ge [sflag:s29], $0x1  }
0xb7: {  	[sflag:s29] =	ssyncadd.s32 $0xFFFFFFFF  }
0xb8: {  	_ =	strace $0x90000048  }
0xb9: {  	_ =	sfence  }
0xba: {  	s30 =	sld [smem:$0x0];
	_ =	sdelay $0x2  }
0xbb: {  	s31 =	sshll.u32 s1, $0xD;
	s1 =	sshrl.u32 s1, $0x2  }
0xbc: {  	s3 =	sand.u32 $0x4000, s31;
	s1 =	sadd.s32 s1, s30  }
0xbd: {  	s0 =	sor.u32 s3, s0;
	s1 =	sshll.u32 s1, $0x11  }
0xbe: {  	s0 =	sor.u32 s1, s0  }
0xbf: {  	s0 =	sadd.s32 $0x8F2B, s0  }
0xc0: {  	[sflag:s0] =	ssyncadd.remote.s32 $0x1  }
0xc1: {  	_ =	sfence.sel $0xFFFF  }
0xc2: {  	[dreg:$0x0] =	wrdreg $0xFFFFFFFF;
	(pc) =	sbr.abs _section_cstart, $3  }
0xc3: {  	[dreg:$0x1] =	wrdreg $0xFFFFFFFF  }
0xc4: {  	_ =	task.clear_ibuf [dreg:s9], $0x2FFFF;
	_ =	strace $0x9FFFFFFF  }
0xc5: {  	(tm) =	ssettm $0x7FFFFFFF  }
tec
execute0_lowered:
.L_overlay_start_1:
0x0: {  	(tag) =	ssettag $0x1  }
0x1: {  	s2 =	rddreg [dreg:$0x0]  }
0x2: {  	s3 =	rddreg [dreg:$0x1]  }
0x3: {  	s4 =	rddreg [dreg:$0x2]  }
0x4: {  	s5 =	srdreg.scid;
	s1 =	stileid.u32  }
0x5: {  	s0 =	rddreg [dreg:$0x3];
	s11 =	simm.s32 $0x80;
	s12 =	simm.s32 $0x100  }
0x6: {  	s13 =	simm.s32 $0x4100;
	s14 =	simm.s32 $0x1;
	s15 =	simm.s32 $0x6400  }
0x7: {  	s16 =	simm.s32 $0x8100;
	s17 =	simm.s32 $0x2;
	s18 =	simm.s32 $0x4  }
0x8: {  	s19 =	simm.s32 $0xC100;
	s20 =	simm.s32 $0x3;
	s21 =	simm.s32 $0x0  }
0x9: {  	s6 =	sand.u32 $0x1, s5;
	s7 =	sshll.u32 s1, $0x1;
	s5 =	simm.s32 $0x0  }
0xa: {  	s8 =	ssub.s32 $0x2, s6;
	s6 =	sor.u32 s6, s7;
	[smem:$0x7FF] =	sst s5  }
0xb: {  	s31 =	sshrl.u32 s8, $0x1;
	s9 =	smul.u32 $0x320, s6;
	_ =	strace $0x80000047  }
0xc: {  	s6 =	smul.u32 $0x32, s6;
	s10 =	ssub.s32 s8, s31;
	s8 =	sadd.s32 $0x20, s2  }
0xd: {  	s7 =	sadd.s32 s2, s9;
	s9 =	smax.u32 s10, $0x1;
	s10 =	simm.s32 $0x5  }
.LBB2_1:
0xe: {  	[tilespmem:s5], [sflag:$0x5] =	stream.linear.gather [hbm4b:s7+s5], $0x80, $0x38;
	[tilespmem:$0x10100] =	vst v63  }
0xf: {  	_ =	swait.ge [sflag:s10], $0x80  }
0x10: {  	[sflag:s10] =	ssyncset.done $0x0  }
0x11: {  	s22 =	simm.s32 $0x0;
	[sflag:s10] =	ssyncadd.s32 $0xFFFFFF80  }
0x12: {  	[tilespmem:s12], [sflag:$0x1] =	stream.indirect.gather [hbm4b:s3+s11], $0x80, s5, s11, $0xb8;
	[tilespmem:$0x10100] =	vst v63  }
.LBB2_2:
0x13: {  	s23 =	sshll.u32 s22, $0x1  }
0x14: {  	s24 =	sadd.s32 s6, s23  }
0x15: {  	s23 =	sshll.u32 s24, $0x7  }
0x16: {  	s28 =	sor.u32 $0x80, s23  }
0x17: {  	s25 =	sshrl.u32 s28, $0x3  }
0x18: {  	s25 =	sadd.s32 s2, s25  }
0x19: {  	[tilespmem:s11], [sflag:$0x5] =	stream.linear.gather [hbm4b:s25+s5], $0x80, $0x38;
	[tilespmem:$0x10100] =	vst v63  }
0x1a: {  	_ =	swait.ge [sflag:s10], $0x80  }
0x1b: {  	[sflag:s10] =	ssyncset.done $0x0  }
0x1c: {  	[sflag:s10] =	ssyncadd.s32 $0xFFFFFF80  }
0x1d: {  	[tilespmem:s13], [sflag:$0x2] =	stream.indirect.gather [hbm4b:s3+s11], $0x80, s11, s11, $0xb8;
	[tilespmem:$0x10100] =	vst v63  }
0x1e: {  	_ =	swait.ge [sflag:s14], $0x4000  }
0x1f: {  	p0 =	seq.s32 s22, $0x0;
	[sflag:s14] =	ssyncset.done $0x0  }
0x20: {  	s26 =	simm.s32 @!p0 $0x3;
	s25 =	sshrl.u32 s24, $0x3;
	[sflag:s14] =	ssyncadd.s32 $0xFFFFC000  }
0x21: {  	s29 =	sadd.s32 $0x1, s25;
	_ =	swait.ge @!p0 [sflag:s26], $0x4000  }
0x22: {  	s29 =	scvt.s32.f32 s29;
	[sflag:s26] =	ssyncset.done @!p0 $0x0  }
0x23: {  	[sflag:s26] =	ssyncadd.s32 @!p0 $0xFFFFC000  }
0x24: {  	v22 =	vmov s29;
	s26 =	sand.u32 $0x300, s23;
	s23 =	sand.u32 $0x380, s28;
	s28 =	simm.s32 $0x0  }
.LBB2_3:
0x25: {  	s29 =	sshll.u32 s28, $0x7  }
0x26: {  	v1 =	vld [tilespmem:s29+$0x140];
	_ =	sdelay $0x4  }
0x27: {  	v1 =	vmul.f32 v1, v22;
	_ =	sdelay $0x1  }
0x28: {  	v2 =	vmul.f32 $1.591549370e-01, v1;
	_ =	sdelay $0x1  }
0x29: {  	v3 =	vld [tilespmem:s29+$0x150];
	v2 =	vadd.f32 $1.258291200e+07, v2;
	_ =	sdelay $0x1  }
0x2a: {  	v5 =	vld [tilespmem:s29+$0x160];
	v2 =	vadd.f32 $-1.258291200e+07, v2;
	_ =	sdelay $0x1  }
0x2b: {  	v4 =	vmul.f32 $6.281250000e+00, v2  }
0x2c: {  	v3 =	vmul.f32 v3, v22  }
0x2d: {  	v2 =	vmul.f32 $1.935307170e-03, v2;
	v1 =	vsub.f32 v1, v4  }
0x2e: {  	v5 =	vmul.f32 v5, v22;
	v15 =	vmul.f32 $1.591549370e-01, v3  }
0x2f: {  	v1 =	vsub.f32 v1, v2  }
0x30: {  	v18 =	vmul.f32 $1.591549370e-01, v5;
	v2 =	vadd.f32 $1.258291200e+07, v15  }
0x31: {  	v16 =	vmul.f32 v1, v1  }
0x32: {  	v24 =	vadd.f32 $1.258291200e+07, v18;
	v2 =	vadd.f32 $-1.258291200e+07, v2  }
0x33: {  	v6 =	vmul.f32 v16, v16;
	v7 =	vmul.f32 $1.344106860e-03, v16  }
0x34: {  	v37 =	vld [tilespmem:s29+$0x1C0];
	v27 =	vadd.f32 $-1.258291200e+07, v24;
	v9 =	vmul.f32 $1.477404440e-04, v16;
	v11 =	vmul.f32 $6.281250000e+00, v2  }
0x35: {  	v8 =	vmul.f32 $1.658384350e-01, v16;
	v2 =	vmul.f32 $1.935307170e-03, v2;
	v7 =	vsub.f32 $4.152230550e-02, v7  }
0x36: {  	v26 =	vld [tilespmem:s29+$0x170];
	v10 =	vmul.f32 $1.906521540e-05, v6;
	v9 =	vsub.f32 $7.998575460e-03, v9;
	v3 =	vsub.f32 v3, v11  }
0x37: {  	v30 =	vmul.f32 $6.281250000e+00, v27;
	v4 =	vmul.f32 $4.998376070e-01, v16;
	v8 =	vsub.f32 $9.994501470e-01, v8  }
0x38: {  	v7 =	vadd.f32 v10, v7;
	v9 =	vmul.f32 v9, v6;
	v2 =	vsub.f32 v3, v2  }
0x39: {  	v3 =	vmul.f32 $1.935307170e-03, v27;
	v10 =	vmul.f32 v37, v22  }
0x3a: {  	v6 =	vmul.f32 v7, v6;
	v19 =	vadd.f32 v9, v8;
	v25 =	vmul.f32 v2, v2  }
0x3b: {  	v17 =	vld [tilespmem:s29+$0x100];
	v5 =	vsub.f32 v5, v30;
	v8 =	vmul.f32 v26, v22;
	v43 =	vmul.f32 $1.591549370e-01, v10  }
0x3c: {  	v4 =	vsub.f32 $9.999710910e-01, v4;
	v1 =	vmul.f32 v19, v1;
	v28 =	vmul.f32 v25, v25  }
0x3d: {  	v3 =	vsub.f32 v5, v3;
	v29 =	vmul.f32 $1.658384350e-01, v25;
	v31 =	vmul.f32 $1.477404440e-04, v25  }
0x3e: {  	v4 =	vadd.f32 v6, v4;
	v12 =	vmul.f32 $1.344106860e-03, v25;
	v35 =	vmul.f32 $1.591549370e-01, v8  }
0x3f: {  	v6 =	vmul.f32 $4.998376070e-01, v25;
	v36 =	vmul.f32 v3, v3  }
0x40: {  	v44 =	vadd.f32 $1.258291200e+07, v43;
	v50 =	vmul.f32 v4, v17;
	v32 =	vsub.f32 $7.998575460e-03, v31  }
0x41: {  	v33 =	vsub.f32 $4.152230550e-02, v12;
	v34 =	vmul.f32 $1.906521540e-05, v28;
	v7 =	vsub.f32 $9.994501470e-01, v29  }
0x42: {  	v52 =	vmul.f32 v1, v17;
	v5 =	vadd.f32 $1.258291200e+07, v35;
	v38 =	vmul.f32 v36, v36  }
0x43: {  	v6 =	vsub.f32 $9.999710910e-01, v6;
	v39 =	vmul.f32 $1.344106860e-03, v36;
	v40 =	vmul.f32 $1.658384350e-01, v36  }
0x44: {  	v41 =	vmul.f32 $1.477404440e-04, v36;
	v1 =	vmul.f32 $4.998376070e-01, v36;
	v11 =	vadd.f32 v34, v33  }
0x45: {  	v48 =	vadd.f32 $-1.258291200e+07, v44;
	v9 =	vmul.f32 v32, v28;
	v5 =	vadd.f32 $-1.258291200e+07, v5  }
0x46: {  	v15 =	vld [tilespmem:s29+$0x110];
	v13 =	vmul.f32 $1.906521540e-05, v38;
	v12 =	vsub.f32 $7.998575460e-03, v41;
	v4 =	vmul.f32 v11, v28  }
0x47: {  	v46 =	vld [tilespmem:s29+$0x1D0];
	v1 =	vsub.f32 $9.999710910e-01, v1;
	v11 =	vsub.f32 $4.152230550e-02, v39;
	v14 =	vmul.f32 $6.281250000e+00, v5  }
0x48: {  	v62 =	vld [tilespmem:s29+$0x1E0];
	v7 =	vadd.f32 v9, v7;
	v5 =	vmul.f32 $1.935307170e-03, v5;
	v4 =	vadd.f32 v4, v6  }
0x49: {  	v12 =	vmul.f32 v12, v38;
	v11 =	vadd.f32 v13, v11;
	v8 =	vsub.f32 v8, v14  }
0x4a: {  	v6 =	vsub.f32 $9.994501470e-01, v40;
	v2 =	vmul.f32 v7, v2;
	v7 =	vmul.f32 $6.281250000e+00, v48  }
0x4b: {  	v42 =	vld [tilespmem:s29+$0x120];
	v9 =	vmul.f32 v11, v38;
	v5 =	vsub.f32 v8, v5;
	v54 =	vmul.f32 v4, v15  }
0x4c: {  	v6 =	vadd.f32 v12, v6;
	v55 =	vmul.f32 v2, v15;
	v8 =	vmul.f32 v46, v22  }
0x4d: {  	v11 =	vmul.f32 v62, v22;
	v45 =	vmul.f32 v5, v5  }
0x4e: {  	v1 =	vadd.f32 v9, v1;
	v47 =	vmul.f32 v6, v3;
	v3 =	vmul.f32 $1.935307170e-03, v48  }
0x4f: {  	v7 =	vsub.f32 v10, v7;
	v60 =	vmul.f32 $1.591549370e-01, v8;
	v29 =	vmul.f32 $1.591549370e-01, v11  }
0x50: {  	v56 =	vmul.f32 v1, v42;
	v49 =	vmul.f32 v45, v45  }
0x51: {  	v53 =	vmul.f32 $1.477404440e-04, v45;
	v57 =	vmul.f32 $1.344106860e-03, v45;
	v3 =	vsub.f32 v7, v3  }
0x52: {  	v51 =	vmul.f32 $1.658384350e-01, v45;
	v7 =	vadd.f32 $1.258291200e+07, v60;
	v30 =	vadd.f32 $1.258291200e+07, v29  }
0x53: {  	v4 =	vmul.f32 $4.998376070e-01, v45;
	v9 =	vsub.f32 $7.998575460e-03, v53;
	v58 =	vsub.f32 $4.152230550e-02, v57  }
0x54: {  	v59 =	vmul.f32 $1.906521540e-05, v49;
	v6 =	vsub.f32 $9.994501470e-01, v51;
	v61 =	vmul.f32 v3, v3  }
0x55: {  	v57 =	vmul.f32 v47, v42;
	v4 =	vsub.f32 $9.999710910e-01, v4;
	v7 =	vadd.f32 $-1.258291200e+07, v7  }
0x56: {  	v34 =	vadd.f32 $-1.258291200e+07, v30;
	v9 =	vmul.f32 v9, v49;
	v63 =	vmul.f32 v61, v61  }
0x57: {  	v10 =	vadd.f32 v59, v58;
	v18 =	vmul.f32 $1.344106860e-03, v61;
	v19 =	vmul.f32 $1.658384350e-01, v61  }
0x58: {  	v33 =	vld [tilespmem:s29+$0x1F0];
	v24 =	vmul.f32 $1.477404440e-04, v61;
	v26 =	vmul.f32 $6.281250000e+00, v7;
	v6 =	vadd.f32 v9, v6  }
0x59: {  	v27 =	vld [tilespmem:s29+$0x130];
	v1 =	vmul.f32 v10, v49;
	v10 =	vsub.f32 $4.152230550e-02, v18;
	v25 =	vmul.f32 $1.906521540e-05, v63  }
0x5a: {  	v2 =	vmul.f32 $4.998376070e-01, v61;
	v12 =	vsub.f32 $7.998575460e-03, v24;
	v8 =	vsub.f32 v8, v26  }
0x5b: {  	v43 =	vld [tilespmem:s29+$0x240];
	v7 =	vmul.f32 $1.935307170e-03, v7;
	v1 =	vadd.f32 v1, v4;
	v10 =	vadd.f32 v25, v10  }
0x5c: {  	v4 =	vsub.f32 $9.994501470e-01, v19;
	v12 =	vmul.f32 v12, v63;
	v5 =	vmul.f32 v6, v5  }
0x5d: {  	v7 =	vsub.f32 v8, v7;
	v6 =	vmul.f32 $6.281250000e+00, v34;
	v8 =	vmul.f32 v33, v22  }
0x5e: {  	v9 =	vmul.f32 v10, v63;
	v0 =	vmul.f32 v1, v27  }
0x5f: {  	v4 =	vadd.f32 v12, v4;
	v32 =	vmul.f32 v7, v7;
	v60 =	vmul.f32 v5, v27  }
0x60: {  	v6 =	vsub.f32 v11, v6;
	v40 =	vmul.f32 $1.591549370e-01, v8;
	v11 =	vmul.f32 v43, v22  }
0x61: {  	v28 =	vld [tilespmem:s29+$0x180];
	v3 =	vmul.f32 v4, v3;
	v35 =	vmul.f32 v32, v32  }
0x62: {  	v2 =	vsub.f32 $9.999710910e-01, v2;
	v36 =	vmul.f32 $1.658384350e-01, v32;
	v37 =	vmul.f32 $1.477404440e-04, v32  }
0x63: {  	v38 =	vmul.f32 $1.344106860e-03, v32;
	v4 =	vmul.f32 $1.935307170e-03, v34  }
0x64: {  	v31 =	vadd.f32 v9, v2;
	v2 =	vmul.f32 $4.998376070e-01, v32;
	v59 =	vmul.f32 $1.591549370e-01, v11  }
0x65: {  	v9 =	vsub.f32 $7.998575460e-03, v37;
	v10 =	vsub.f32 $4.152230550e-02, v38;
	v39 =	vmul.f32 $1.906521540e-05, v35  }
0x66: {  	v58 =	vmul.f32 v31, v28;
	v5 =	vsub.f32 $9.994501470e-01, v36;
	v4 =	vsub.f32 v6, v4  }
0x67: {  	v41 =	vmul.f32 v3, v28;
	v6 =	vadd.f32 $1.258291200e+07, v40;
	v10 =	vadd.f32 v39, v10  }
0x68: {  	v2 =	vsub.f32 $9.999710910e-01, v2;
	v61 =	vadd.f32 $1.258291200e+07, v59;
	v42 =	vmul.f32 v4, v4  }
0x69: {  	v9 =	vmul.f32 v9, v35;
	v6 =	vadd.f32 $-1.258291200e+07, v6;
	v1 =	vmul.f32 v10, v35  }
0x6a: {  	v14 =	vld [tilespmem:s29+$0x250];
	v16 =	vadd.f32 $-1.258291200e+07, v61;
	v44 =	vmul.f32 v42, v42;
	v45 =	vmul.f32 $1.344106860e-03, v42  }
0x6b: {  	v51 =	vld [tilespmem:s29+$0x190];
	v5 =	vadd.f32 v9, v5;
	v46 =	vmul.f32 $1.658384350e-01, v42;
	v47 =	vmul.f32 $1.477404440e-04, v42  }
0x6c: {  	v30 =	vld [tilespmem:s29+$0x260];
	v49 =	vmul.f32 $6.281250000e+00, v6;
	v3 =	vmul.f32 $4.998376070e-01, v42;
	v1 =	vadd.f32 v1, v2  }
0x6d: {  	v10 =	vsub.f32 $4.152230550e-02, v45;
	v48 =	vmul.f32 $1.906521540e-05, v44;
	v12 =	vsub.f32 $7.998575460e-03, v47  }
0x6e: {  	v6 =	vmul.f32 $1.935307170e-03, v6;
	v8 =	vsub.f32 v8, v49;
	v2 =	vsub.f32 $9.994501470e-01, v46  }
0x6f: {  	v5 =	vmul.f32 v5, v7;
	v7 =	vmul.f32 $6.281250000e+00, v16;
	v10 =	vadd.f32 v48, v10  }
0x70: {  	v12 =	vmul.f32 v12, v44;
	v6 =	vsub.f32 v8, v6;
	v62 =	vmul.f32 v1, v51  }
0x71: {  	v15 =	vmul.f32 v5, v51;
	v7 =	vsub.f32 v11, v7;
	v8 =	vmul.f32 v14, v22  }
0x72: {  	v11 =	vmul.f32 v30, v22;
	v9 =	vmul.f32 v10, v44;
	v2 =	vadd.f32 v12, v2  }
0x73: {  	v12 =	vmul.f32 v6, v6;
	v27 =	vmul.f32 $1.591549370e-01, v8  }
0x74: {  	v53 =	vld [tilespmem:s29+$0x1A0];
	v39 =	vmul.f32 $1.591549370e-01, v11;
	v2 =	vmul.f32 v2, v4  }
0x75: {  	v3 =	vsub.f32 $9.999710910e-01, v3;
	v18 =	vmul.f32 v12, v12;
	v19 =	vmul.f32 $1.658384350e-01, v12  }
0x76: {  	v24 =	vmul.f32 $1.477404440e-04, v12;
	v25 =	vmul.f32 $1.344106860e-03, v12  }
0x77: {  	v63 =	vadd.f32 v9, v3;
	v4 =	vmul.f32 $1.935307170e-03, v16;
	v3 =	vmul.f32 $4.998376070e-01, v12  }
0x78: {  	v40 =	vadd.f32 $1.258291200e+07, v39;
	v10 =	vsub.f32 $4.152230550e-02, v25;
	v26 =	vmul.f32 $1.906521540e-05, v18  }
0x79: {  	v17 =	vmul.f32 v63, v53;
	v9 =	vsub.f32 $7.998575460e-03, v24;
	v4 =	vsub.f32 v7, v4  }
0x7a: {  	v5 =	vsub.f32 $9.994501470e-01, v19;
	v28 =	vmul.f32 v2, v53;
	v10 =	vadd.f32 v26, v10  }
0x7b: {  	v7 =	vadd.f32 $1.258291200e+07, v27;
	v3 =	vsub.f32 $9.999710910e-01, v3;
	v29 =	vmul.f32 v4, v4  }
0x7c: {  	v46 =	vadd.f32 $-1.258291200e+07, v40;
	v9 =	vmul.f32 v9, v18;
	v1 =	vmul.f32 v10, v18  }
0x7d: {  	v37 =	vld [tilespmem:s29+$0x1B0];
	v7 =	vadd.f32 $-1.258291200e+07, v7;
	v31 =	vmul.f32 v29, v29;
	v32 =	vmul.f32 $1.344106860e-03, v29  }
0x7e: {  	v44 =	vld [tilespmem:s29+$0x270];
	v5 =	vadd.f32 v9, v5;
	v33 =	vmul.f32 $1.658384350e-01, v29;
	v34 =	vmul.f32 $1.477404440e-04, v29  }
0x7f: {  	v36 =	vmul.f32 $6.281250000e+00, v7;
	v2 =	vmul.f32 $4.998376070e-01, v29;
	v18 =	vld [tilespmem:s29+$0x2C0];
	v1 =	vadd.f32 v1, v3  }
0x80: {  	v10 =	vsub.f32 $4.152230550e-02, v32;
	v35 =	vmul.f32 $1.906521540e-05, v31;
	v12 =	vsub.f32 $7.998575460e-03, v34  }
0x81: {  	v7 =	vmul.f32 $1.935307170e-03, v7;
	v8 =	vsub.f32 v8, v36;
	v3 =	vsub.f32 $9.994501470e-01, v33  }
0x82: {  	v5 =	vmul.f32 v5, v6;
	v6 =	vmul.f32 $6.281250000e+00, v46;
	v10 =	vadd.f32 v35, v10  }
0x83: {  	[tilespmem:$0x1FCE0] =	vst v41;
	v12 =	vmul.f32 v12, v31;
	v7 =	vsub.f32 v8, v7;
	v41 =	vmul.f32 v1, v37  }
0x84: {  	v45 =	vmul.f32 v5, v37;
	v6 =	vsub.f32 v11, v6;
	v8 =	vmul.f32 v44, v22  }
0x85: {  	v11 =	vmul.f32 v18, v22;
	v9 =	vmul.f32 v10, v31;
	v3 =	vadd.f32 v12, v3  }
0x86: {  	v43 =	vmul.f32 v7, v7;
	v61 =	vmul.f32 $1.591549370e-01, v8  }
0x87: {  	v38 =	vld [tilespmem:s29+$0x200];
	v31 =	vmul.f32 $1.591549370e-01, v11;
	v3 =	vmul.f32 v3, v4  }
0x88: {  	v2 =	vsub.f32 $9.999710910e-01, v2;
	v48 =	vmul.f32 v43, v43;
	v49 =	vmul.f32 $1.658384350e-01, v43  }
0x89: {  	v51 =	vmul.f32 $1.477404440e-04, v43;
	v53 =	vmul.f32 $1.344106860e-03, v43  }
0x8a: {  	v42 =	vadd.f32 v9, v2;
	v4 =	vmul.f32 $1.935307170e-03, v46;
	v2 =	vmul.f32 $4.998376070e-01, v43  }
0x8b: {  	v32 =	vadd.f32 $1.258291200e+07, v31;
	v10 =	vsub.f32 $4.152230550e-02, v53;
	v59 =	vmul.f32 $1.906521540e-05, v48  }
0x8c: {  	v47 =	vmul.f32 v42, v38;
	v9 =	vsub.f32 $7.998575460e-03, v51;
	v4 =	vsub.f32 v6, v4  }
0x8d: {  	[tilespmem:$0x1FCF0] =	vst v62;
	v5 =	vsub.f32 $9.994501470e-01, v49;
	v62 =	vmul.f32 v3, v38;
	v10 =	vadd.f32 v59, v10  }
0x8e: {  	v6 =	vadd.f32 $1.258291200e+07, v61;
	v2 =	vsub.f32 $9.999710910e-01, v2;
	v63 =	vmul.f32 v4, v4  }
0x8f: {  	v38 =	vadd.f32 $-1.258291200e+07, v32;
	v9 =	vmul.f32 v9, v48;
	v1 =	vmul.f32 v10, v48  }
0x90: {  	v29 =	vld [tilespmem:s29+$0x210];
	v6 =	vadd.f32 $-1.258291200e+07, v6;
	v19 =	vmul.f32 v63, v63;
	v24 =	vmul.f32 $1.344106860e-03, v63  }
0x91: {  	v36 =	vld [tilespmem:s29+$0x2D0];
	v5 =	vadd.f32 v9, v5;
	v25 =	vmul.f32 $1.658384350e-01, v63;
	v26 =	vmul.f32 $1.477404440e-04, v63  }
0x92: {  	[tilespmem:$0x1FD20] =	vst v28;
	v28 =	vmul.f32 $6.281250000e+00, v6;
	v3 =	vmul.f32 $4.998376070e-01, v63;
	v48 =	vld [tilespmem:s29+$0x2E0];
	v1 =	vadd.f32 v1, v2  }
0x93: {  	v10 =	vsub.f32 $4.152230550e-02, v24;
	v27 =	vmul.f32 $1.906521540e-05, v19;
	v12 =	vsub.f32 $7.998575460e-03, v26  }
0x94: {  	v6 =	vmul.f32 $1.935307170e-03, v6;
	v8 =	vsub.f32 v8, v28;
	v2 =	vsub.f32 $9.994501470e-01, v25  }
0x95: {  	v5 =	vmul.f32 v5, v7;
	v7 =	vmul.f32 $6.281250000e+00, v38;
	v10 =	vadd.f32 v27, v10  }
0x96: {  	v12 =	vmul.f32 v12, v19;
	v6 =	vsub.f32 v8, v6;
	v33 =	vmul.f32 v1, v29  }
0x97: {  	v37 =	vmul.f32 v5, v29;
	v7 =	vsub.f32 v11, v7;
	v8 =	vmul.f32 v36, v22  }
0x98: {  	v11 =	vmul.f32 v48, v22;
	v9 =	vmul.f32 v10, v19;
	v2 =	vadd.f32 v12, v2  }
0x99: {  	[tilespmem:$0x1FD40] =	vst v45;
	v35 =	vmul.f32 v6, v6;
	v45 =	vmul.f32 $1.591549370e-01, v8  }
0x9a: {  	v30 =	vld [tilespmem:s29+$0x220];
	v18 =	vmul.f32 $1.591549370e-01, v11;
	v2 =	vmul.f32 v2, v4  }
0x9b: {  	[tilespmem:$0x1FD30] =	vst v41;
	v3 =	vsub.f32 $9.999710910e-01, v3;
	v40 =	vmul.f32 v35, v35;
	v41 =	vmul.f32 $1.658384350e-01, v35  }
0x9c: {  	v42 =	vmul.f32 $1.477404440e-04, v35;
	v43 =	vmul.f32 $1.344106860e-03, v35  }
0x9d: {  	v34 =	vadd.f32 v9, v3;
	v4 =	vmul.f32 $1.935307170e-03, v38;
	v3 =	vmul.f32 $4.998376070e-01, v35  }
0x9e: {  	v19 =	vadd.f32 $1.258291200e+07, v18;
	v10 =	vsub.f32 $4.152230550e-02, v43;
	v44 =	vmul.f32 $1.906521540e-05, v40  }
0x9f: {  	v39 =	vmul.f32 v34, v30;
	v9 =	vsub.f32 $7.998575460e-03, v42;
	v4 =	vsub.f32 v7, v4  }
0xa0: {  	v5 =	vsub.f32 $9.994501470e-01, v41;
	v46 =	vmul.f32 v2, v30;
	v10 =	vadd.f32 v44, v10  }
0xa1: {  	[tilespmem:$0x1FD50] =	vst v47;
	v7 =	vadd.f32 $1.258291200e+07, v45;
	v3 =	vsub.f32 $9.999710910e-01, v3;
	v47 =	vmul.f32 v4, v4  }
0xa2: {  	v29 =	vadd.f32 $-1.258291200e+07, v19;
	v9 =	vmul.f32 v9, v40;
	v1 =	vmul.f32 v10, v40  }
0xa3: {  	v63 =	vld [tilespmem:s29+$0x230];
	v7 =	vadd.f32 $-1.258291200e+07, v7;
	v49 =	vmul.f32 v47, v47;
	v51 =	vmul.f32 $1.344106860e-03, v47  }
0xa4: {  	[tilespmem:$0x1FD60] =	vst v62;
	v27 =	vld [tilespmem:s29+$0x2F0];
	v5 =	vadd.f32 v9, v5;
	v53 =	vmul.f32 $1.658384350e-01, v47;
	v59 =	vmul.f32 $1.477404440e-04, v47  }
0xa5: {  	[tilespmem:$0x1FD90] =	vst v39;
	v39 =	vld [tilespmem:s29+$0x340];
	v62 =	vmul.f32 $6.281250000e+00, v7;
	v2 =	vmul.f32 $4.998376070e-01, v47;
	v1 =	vadd.f32 v1, v3  }
0xa6: {  	v10 =	vsub.f32 $4.152230550e-02, v51;
	v61 =	vmul.f32 $1.906521540e-05, v49;
	v12 =	vsub.f32 $7.998575460e-03, v59  }
0xa7: {  	v7 =	vmul.f32 $1.935307170e-03, v7;
	v8 =	vsub.f32 v8, v62;
	v3 =	vsub.f32 $9.994501470e-01, v53  }
0xa8: {  	v5 =	vmul.f32 v5, v6;
	v6 =	vmul.f32 $6.281250000e+00, v29;
	v10 =	vadd.f32 v61, v10  }
0xa9: {  	v12 =	vmul.f32 v12, v49;
	v7 =	vsub.f32 v8, v7;
	v24 =	vmul.f32 v1, v63  }
0xaa: {  	v28 =	vmul.f32 v5, v63;
	v6 =	vsub.f32 v11, v6;
	v8 =	vmul.f32 v27, v22  }
0xab: {  	v11 =	vmul.f32 v39, v22;
	v9 =	vmul.f32 v10, v49;
	v3 =	vadd.f32 v12, v3  }
0xac: {  	v26 =	vmul.f32 v7, v7;
	v36 =	vmul.f32 $1.591549370e-01, v8  }
0xad: {  	[tilespmem:$0x1FD10] =	vst v17;
	v17 =	vld [tilespmem:s29+$0x280];
	v48 =	vmul.f32 $1.591549370e-01, v11;
	v3 =	vmul.f32 v3, v4  }
0xae: {  	v2 =	vsub.f32 $9.999710910e-01, v2;
	v31 =	vmul.f32 v26, v26;
	v32 =	vmul.f32 $1.658384350e-01, v26  }
0xaf: {  	[tilespmem:$0x1FD70] =	vst v33;
	v33 =	vmul.f32 $1.477404440e-04, v26;
	v34 =	vmul.f32 $1.344106860e-03, v26  }
0xb0: {  	v25 =	vadd.f32 v9, v2;
	v4 =	vmul.f32 $1.935307170e-03, v29;
	v2 =	vmul.f32 $4.998376070e-01, v26  }
0xb1: {  	v49 =	vadd.f32 $1.258291200e+07, v48;
	v10 =	vsub.f32 $4.152230550e-02, v34;
	v35 =	vmul.f32 $1.906521540e-05, v31  }
0xb2: {  	v30 =	vmul.f32 v25, v17;
	v9 =	vsub.f32 $7.998575460e-03, v33;
	v4 =	vsub.f32 v6, v4  }
0xb3: {  	[tilespmem:$0x1FD80] =	vst v37;
	v5 =	vsub.f32 $9.994501470e-01, v32;
	v37 =	vmul.f32 v3, v17;
	v10 =	vadd.f32 v35, v10  }
0xb4: {  	v6 =	vadd.f32 $1.258291200e+07, v36;
	v2 =	vsub.f32 $9.999710910e-01, v2;
	v38 =	vmul.f32 v4, v4  }
0xb5: {  	v63 =	vadd.f32 $-1.258291200e+07, v49;
	v9 =	vmul.f32 v9, v31;
	v1 =	vmul.f32 v10, v31  }
0xb6: {  	[tilespmem:$0x1FDA0] =	vst v46;
	v46 =	vld [tilespmem:s29+$0x290];
	v6 =	vadd.f32 $-1.258291200e+07, v6;
	v40 =	vmul.f32 v38, v38;
	v41 =	vmul.f32 $1.344106860e-03, v38  }
0xb7: {  	v61 =	vld [tilespmem:s29+$0x350];
	v5 =	vadd.f32 v9, v5;
	v42 =	vmul.f32 $1.658384350e-01, v38;
	v43 =	vmul.f32 $1.477404440e-04, v38  }
0xb8: {  	v26 =	vld [tilespmem:s29+$0x360];
	v45 =	vmul.f32 $6.281250000e+00, v6;
	v3 =	vmul.f32 $4.998376070e-01, v38;
	v1 =	vadd.f32 v1, v2  }
0xb9: {  	v10 =	vsub.f32 $4.152230550e-02, v41;
	v44 =	vmul.f32 $1.906521540e-05, v40;
	v12 =	vsub.f32 $7.998575460e-03, v43  }
0xba: {  	v6 =	vmul.f32 $1.935307170e-03, v6;
	v8 =	vsub.f32 v8, v45;
	v2 =	vsub.f32 $9.994501470e-01, v42  }
0xbb: {  	v5 =	vmul.f32 v5, v7;
	v7 =	vmul.f32 $6.281250000e+00, v63;
	v10 =	vadd.f32 v44, v10  }
0xbc: {  	v12 =	vmul.f32 v12, v40;
	v6 =	vsub.f32 v8, v6;
	v51 =	vmul.f32 v1, v46  }
0xbd: {  	v62 =	vmul.f32 v5, v46;
	v7 =	vsub.f32 v11, v7;
	v8 =	vmul.f32 v61, v22  }
0xbe: {  	v11 =	vmul.f32 v26, v22;
	v9 =	vmul.f32 v10, v40;
	v2 =	vadd.f32 v12, v2  }
0xbf: {  	v59 =	vmul.f32 v6, v6;
	v19 =	vmul.f32 $1.591549370e-01, v8  }
0xc0: {  	v47 =	vld [tilespmem:s29+$0x2A0];
	v35 =	vmul.f32 $1.591549370e-01, v11;
	v2 =	vmul.f32 v2, v4  }
0xc1: {  	[tilespmem:$0x1FD00] =	vst v15;
	v3 =	vsub.f32 $9.999710910e-01, v3;
	v14 =	vmul.f32 v59, v59;
	v15 =	vmul.f32 $1.658384350e-01, v59  }
0xc2: {  	v16 =	vmul.f32 $1.477404440e-04, v59;
	v17 =	vmul.f32 $1.344106860e-03, v59  }
0xc3: {  	v53 =	vadd.f32 v9, v3;
	v4 =	vmul.f32 $1.935307170e-03, v63;
	v3 =	vmul.f32 $4.998376070e-01, v59  }
0xc4: {  	v36 =	vadd.f32 $1.258291200e+07, v35;
	v10 =	vsub.f32 $4.152230550e-02, v17;
	v18 =	vmul.f32 $1.906521540e-05, v14  }
0xc5: {  	v12 =	vmul.f32 v53, v47;
	v9 =	vsub.f32 $7.998575460e-03, v16;
	v4 =	vsub.f32 v7, v4  }
0xc6: {  	[tilespmem:$0x1FDB0] =	vst v24;
	v5 =	vsub.f32 $9.994501470e-01, v15;
	v24 =	vmul.f32 v2, v47;
	v10 =	vadd.f32 v18, v10  }
0xc7: {  	v7 =	vadd.f32 $1.258291200e+07, v19;
	v3 =	vsub.f32 $9.999710910e-01, v3;
	v25 =	vmul.f32 v4, v4  }
0xc8: {  	v42 =	vadd.f32 $-1.258291200e+07, v36;
	v9 =	vmul.f32 v9, v14;
	v1 =	vmul.f32 v10, v14  }
0xc9: {  	[tilespmem:$0x1FDC0] =	vst v28;
	v33 =	vld [tilespmem:s29+$0x2B0];
	v7 =	vadd.f32 $-1.258291200e+07, v7;
	v27 =	vmul.f32 v25, v25;
	v28 =	vmul.f32 $1.344106860e-03, v25  }
0xca: {  	[tilespmem:$0x1FDD0] =	vst v30;
	v40 =	vld [tilespmem:s29+$0x370];
	v5 =	vadd.f32 v9, v5;
	v29 =	vmul.f32 $1.658384350e-01, v25;
	v30 =	vmul.f32 $1.477404440e-04, v25  }
0xcb: {  	v59 =	vld [tilespmem:s29+$0x3C0];
	[tilespmem:$0x1FE10] =	vst v12;
	v32 =	vmul.f32 $6.281250000e+00, v7;
	v2 =	vmul.f32 $4.998376070e-01, v25;
	v1 =	vadd.f32 v1, v3  }
0xcc: {  	v10 =	vsub.f32 $4.152230550e-02, v28;
	v31 =	vmul.f32 $1.906521540e-05, v27;
	v12 =	vsub.f32 $7.998575460e-03, v30  }
0xcd: {  	v7 =	vmul.f32 $1.935307170e-03, v7;
	v8 =	vsub.f32 v8, v32;
	v3 =	vsub.f32 $9.994501470e-01, v29  }
0xce: {  	v5 =	vmul.f32 v5, v6;
	v6 =	vmul.f32 $6.281250000e+00, v42;
	v10 =	vadd.f32 v31, v10  }
0xcf: {  	[tilespmem:$0x1FDE0] =	vst v37;
	v12 =	vmul.f32 v12, v27;
	v7 =	vsub.f32 v8, v7;
	v37 =	vmul.f32 v1, v33  }
0xd0: {  	v41 =	vmul.f32 v5, v33;
	v6 =	vsub.f32 v11, v6;
	v8 =	vmul.f32 v40, v22  }
0xd1: {  	v11 =	vmul.f32 v59, v22;
	v9 =	vmul.f32 v10, v27;
	v3 =	vadd.f32 v12, v3  }
0xd2: {  	v39 =	vmul.f32 v7, v7;
	v49 =	vmul.f32 $1.591549370e-01, v8  }
0xd3: {  	v34 =	vld [tilespmem:s29+$0x300];
	v2 =	vsub.f32 $9.999710910e-01, v2;
	v26 =	vmul.f32 $1.591549370e-01, v11;
	v3 =	vmul.f32 v3, v4  }
0xd4: {  	v44 =	vmul.f32 v39, v39;
	v45 =	vmul.f32 $1.658384350e-01, v39  }
0xd5: {  	v38 =	vadd.f32 v9, v2;
	v46 =	vmul.f32 $1.477404440e-04, v39;
	v47 =	vmul.f32 $1.344106860e-03, v39  }
0xd6: {  	v4 =	vmul.f32 $1.935307170e-03, v42;
	v2 =	vmul.f32 $4.998376070e-01, v39;
	v27 =	vadd.f32 $1.258291200e+07, v26  }
0xd7: {  	v9 =	vsub.f32 $7.998575460e-03, v46;
	v10 =	vsub.f32 $4.152230550e-02, v47;
	v48 =	vmul.f32 $1.906521540e-05, v44  }
0xd8: {  	v43 =	vmul.f32 v38, v34;
	v4 =	vsub.f32 v6, v4;
	v6 =	vadd.f32 $1.258291200e+07, v49  }
0xd9: {  	[tilespmem:$0x1FDF0] =	vst v51;
	v51 =	vmul.f32 v3, v34;
	v32 =	vadd.f32 $-1.258291200e+07, v27;
	v10 =	vadd.f32 v48, v10  }
0xda: {  	[tilespmem:$0x1FE00] =	vst v62;
	v5 =	vsub.f32 $9.994501470e-01, v45;
	v9 =	vmul.f32 v9, v44;
	v53 =	vmul.f32 v4, v4  }
0xdb: {  	[tilespmem:$0x1FE30] =	vst v37;
	v6 =	vadd.f32 $-1.258291200e+07, v6;
	v37 =	vmul.f32 $6.281250000e+00, v32;
	v1 =	vmul.f32 v10, v44  }
0xdc: {  	[tilespmem:$0x1FE20] =	vst v24;
	v24 =	vld [tilespmem:s29+$0x310];
	v2 =	vsub.f32 $9.999710910e-01, v2;
	v61 =	vmul.f32 v53, v53;
	v62 =	vmul.f32 $1.344106860e-03, v53  }
0xdd: {  	[tilespmem:$0x1FCD0] =	vst v0;
	v33 =	vld [tilespmem:s29+$0x3D0];
	v5 =	vadd.f32 v9, v5;
	v0 =	vmul.f32 $1.477404440e-04, v53;
	v19 =	vmul.f32 $6.281250000e+00, v6  }
0xde: {  	v63 =	vmul.f32 $1.658384350e-01, v53;
	v3 =	vmul.f32 $4.998376070e-01, v53;
	v1 =	vadd.f32 v1, v2  }
0xdf: {  	v6 =	vmul.f32 $1.935307170e-03, v6;
	v12 =	vsub.f32 $7.998575460e-03, v0;
	v8 =	vsub.f32 v8, v19  }
0xe0: {  	v10 =	vsub.f32 $4.152230550e-02, v62;
	v18 =	vmul.f32 $1.906521540e-05, v61;
	v5 =	vmul.f32 v5, v7  }
0xe1: {  	v2 =	vsub.f32 $9.994501470e-01, v63;
	v12 =	vmul.f32 v12, v61;
	v6 =	vsub.f32 v8, v6  }
0xe2: {  	v10 =	vadd.f32 v18, v10;
	v31 =	vmul.f32 v5, v24;
	v5 =	vmul.f32 v33, v22  }
0xe3: {  	v28 =	vmul.f32 v1, v24;
	v2 =	vadd.f32 v12, v2;
	v30 =	vmul.f32 v6, v6  }
0xe4: {  	v25 =	vld [tilespmem:s29+$0x320];
	v9 =	vmul.f32 v10, v61;
	v44 =	vmul.f32 $1.591549370e-01, v5  }
0xe5: {  	v47 =	vld [tilespmem:s29+$0x3E0];
	v3 =	vsub.f32 $9.999710910e-01, v3;
	v2 =	vmul.f32 v2, v4;
	v35 =	vmul.f32 v30, v30  }
0xe6: {  	v8 =	vsub.f32 v11, v37;
	v36 =	vmul.f32 $1.477404440e-04, v30;
	v39 =	vmul.f32 $1.344106860e-03, v30  }
0xe7: {  	v29 =	vadd.f32 v9, v3;
	v38 =	vmul.f32 $1.658384350e-01, v30;
	v4 =	vmul.f32 $1.935307170e-03, v32  }
0xe8: {  	v3 =	vmul.f32 $4.998376070e-01, v30;
	v10 =	vsub.f32 $4.152230550e-02, v39;
	v40 =	vmul.f32 $1.906521540e-05, v35  }
0xe9: {  	[tilespmem:$0x1FE40] =	vst v41;
	v34 =	vmul.f32 v29, v25;
	v7 =	vsub.f32 $7.998575460e-03, v36;
	v4 =	vsub.f32 v8, v4  }
0xea: {  	[tilespmem:$0x1FE50] =	vst v43;
	v41 =	vmul.f32 v2, v25;
	v8 =	vmul.f32 v47, v22;
	v43 =	vadd.f32 v40, v10  }
0xeb: {  	v46 =	vadd.f32 $1.258291200e+07, v44;
	v7 =	vmul.f32 v7, v35;
	v45 =	vmul.f32 v4, v4  }
0xec: {  	v42 =	vsub.f32 $9.994501470e-01, v38;
	v19 =	vmul.f32 $1.591549370e-01, v8;
	v1 =	vmul.f32 v43, v35  }
0xed: {  	v3 =	vsub.f32 $9.999710910e-01, v3;
	v48 =	vmul.f32 v45, v45;
	v49 =	vmul.f32 $1.344106860e-03, v45  }
0xee: {  	[tilespmem:$0x1FE60] =	vst v51;
	v2 =	vadd.f32 v7, v42;
	v51 =	vmul.f32 $1.658384350e-01, v45;
	v53 =	vmul.f32 $1.477404440e-04, v45  }
0xef: {  	v62 =	vld [tilespmem:s29+$0x330];
	v7 =	vadd.f32 $-1.258291200e+07, v46;
	v10 =	vmul.f32 $4.998376070e-01, v45;
	v27 =	vadd.f32 $1.258291200e+07, v19  }
0xf0: {  	[tilespmem:$0x1FE70] =	vst v28;
	v1 =	vadd.f32 v1, v3;
	v59 =	vsub.f32 $4.152230550e-02, v49;
	v61 =	vmul.f32 $1.906521540e-05, v48  }
0xf1: {  	v28 =	vld [tilespmem:s29+$0x3F0];
	v12 =	vsub.f32 $9.994501470e-01, v51;
	v13 =	vsub.f32 $7.998575460e-03, v53;
	v63 =	vmul.f32 $6.281250000e+00, v7  }
0xf2: {  	v44 =	vld [tilespmem:s29+$0x440];
	v7 =	vmul.f32 $1.935307170e-03, v7;
	v2 =	vmul.f32 v2, v6;
	v32 =	vadd.f32 $-1.258291200e+07, v27  }
0xf3: {  	v3 =	vadd.f32 v61, v59;
	v13 =	vmul.f32 v13, v48;
	v5 =	vsub.f32 v5, v63  }
0xf4: {  	v18 =	vld [tilespmem:s29+$0x380];
	v10 =	vsub.f32 $9.999710910e-01, v10;
	v25 =	vmul.f32 v1, v62;
	v29 =	vmul.f32 v2, v62  }
0xf5: {  	v36 =	vmul.f32 $6.281250000e+00, v32;
	v3 =	vmul.f32 v3, v48;
	v5 =	vsub.f32 v5, v7  }
0xf6: {  	v1 =	vmul.f32 $1.935307170e-03, v32;
	v24 =	vadd.f32 v13, v12;
	v7 =	vmul.f32 v28, v22  }
0xf7: {  	v12 =	vmul.f32 v44, v22;
	v26 =	vadd.f32 v3, v10;
	v30 =	vmul.f32 v5, v5  }
0xf8: {  	v4 =	vmul.f32 v24, v4;
	v40 =	vmul.f32 $1.591549370e-01, v7  }
0xf9: {  	[tilespmem:$0x1FE80] =	vst v31;
	v8 =	vsub.f32 v8, v36;
	v63 =	vmul.f32 $1.591549370e-01, v12;
	v31 =	vmul.f32 v26, v18  }
0xfa: {  	[tilespmem:$0x1FE90] =	vst v34;
	v33 =	vmul.f32 v30, v30;
	v34 =	vmul.f32 $1.658384350e-01, v30  }
0xfb: {  	[tilespmem:$0x1FEA0] =	vst v41;
	v8 =	vsub.f32 v8, v1;
	v35 =	vmul.f32 $1.477404440e-04, v30;
	v37 =	vmul.f32 $1.344106860e-03, v30  }
0xfc: {  	[tilespmem:$0x1FEB0] =	vst v25;
	v25 =	vld [tilespmem:s29+$0x450];
	v41 =	vmul.f32 $4.998376070e-01, v30;
	v43 =	vadd.f32 $1.258291200e+07, v40;
	v45 =	vmul.f32 v4, v18  }
0xfd: {  	v47 =	vmul.f32 v8, v8;
	v18 =	vadd.f32 $1.258291200e+07, v63;
	v9 =	vsub.f32 $7.998575460e-03, v35  }
0xfe: {  	v38 =	vsub.f32 $4.152230550e-02, v37;
	v39 =	vmul.f32 $1.906521540e-05, v33;
	v6 =	vsub.f32 $9.994501470e-01, v34  }
0xff: {  	v1 =	vsub.f32 $9.999710910e-01, v41;
	v49 =	vmul.f32 $1.477404440e-04, v47;
	v53 =	vmul.f32 v47, v47  }
0x100: {  	v48 =	vadd.f32 $-1.258291200e+07, v43;
	v59 =	vmul.f32 $1.658384350e-01, v47;
	v61 =	vmul.f32 $1.344106860e-03, v47  }
0x101: {  	v28 =	vadd.f32 $-1.258291200e+07, v18;
	v35 =	vmul.f32 v25, v22;
	v9 =	vmul.f32 v9, v33  }
0x102: {  	v41 =	vld [tilespmem:s29+$0x460];
	v42 =	vadd.f32 v39, v38;
	v10 =	vmul.f32 $6.281250000e+00, v48;
	v3 =	vmul.f32 $1.935307170e-03, v48  }
0x103: {  	[tilespmem:$0x1FED0] =	vst v31;
	v13 =	vsub.f32 $4.152230550e-02, v61;
	v16 =	vmul.f32 $1.906521540e-05, v53;
	v31 =	vmul.f32 $6.281250000e+00, v28  }
0x104: {  	v51 =	vld [tilespmem:s29+$0x390];
	v38 =	vmul.f32 $1.591549370e-01, v35;
	v46 =	vadd.f32 v9, v6;
	v7 =	vsub.f32 v7, v10  }
0x105: {  	v2 =	vmul.f32 v42, v33;
	v6 =	vmul.f32 $4.998376070e-01, v47;
	v19 =	vadd.f32 v16, v13  }
0x106: {  	v4 =	vmul.f32 v46, v5;
	v5 =	vsub.f32 $7.998575460e-03, v49;
	v3 =	vsub.f32 v7, v3  }
0x107: {  	v14 =	vmul.f32 v41, v22;
	v1 =	vadd.f32 v2, v1;
	v2 =	vmul.f32 v19, v53  }
0x108: {  	v5 =	vmul.f32 v5, v53;
	v24 =	vmul.f32 v3, v3  }
0x109: {  	v62 =	vsub.f32 $9.994501470e-01, v59;
	v17 =	vmul.f32 v1, v51;
	v26 =	vmul.f32 v4, v51  }
0x10a: {  	v32 =	vld [tilespmem:s29+$0x3A0];
	[tilespmem:$0x1FEC0] =	vst v29;
	v6 =	vsub.f32 $9.999710910e-01, v6;
	v29 =	vmul.f32 v24, v24;
	v30 =	vmul.f32 $1.658384350e-01, v24  }
0x10b: {  	v5 =	vadd.f32 v5, v62;
	v33 =	vmul.f32 $1.477404440e-04, v24;
	v34 =	vmul.f32 $1.344106860e-03, v24  }
0x10c: {  	v9 =	vsub.f32 v12, v31;
	v11 =	vmul.f32 $4.998376070e-01, v24;
	v62 =	vmul.f32 $1.591549370e-01, v14  }
0x10d: {  	v2 =	vadd.f32 v2, v6;
	v27 =	vmul.f32 v5, v8;
	v5 =	vmul.f32 $1.935307170e-03, v28  }
0x10e: {  	v6 =	vsub.f32 $7.998575460e-03, v33;
	v36 =	vsub.f32 $4.152230550e-02, v34;
	v37 =	vmul.f32 $1.906521540e-05, v29  }
0x10f: {  	v39 =	vmul.f32 v2, v32;
	v16 =	vadd.f32 $1.258291200e+07, v62;
	v5 =	vsub.f32 v9, v5  }
0x110: {  	v8 =	vsub.f32 $9.994501470e-01, v30;
	v6 =	vmul.f32 v6, v29;
	v13 =	vadd.f32 v37, v36  }
0x111: {  	v9 =	vadd.f32 $1.258291200e+07, v38;
	v19 =	vadd.f32 $-1.258291200e+07, v16;
	v40 =	vmul.f32 v5, v5  }
0x112: {  	v43 =	vmul.f32 v27, v32;
	v6 =	vadd.f32 v6, v8;
	v7 =	vmul.f32 v13, v29  }
0x113: {  	v9 =	vadd.f32 $-1.258291200e+07, v9;
	v27 =	vmul.f32 $6.281250000e+00, v19;
	v44 =	vmul.f32 $1.477404440e-04, v40  }
0x114: {  	[tilespmem:$0x1FEE0] =	vst v45;
	v45 =	vld [tilespmem:s29+$0x3B0];
	v42 =	vsub.f32 $9.999710910e-01, v11;
	v3 =	vmul.f32 v6, v3;
	v47 =	vmul.f32 $1.658384350e-01, v40  }
0x115: {  	[tilespmem:$0x1FEF0] =	vst v17;
	v17 =	vld [tilespmem:s29+$0x470];
	v48 =	vmul.f32 v40, v40;
	v49 =	vmul.f32 $6.281250000e+00, v9  }
0x116: {  	[tilespmem:$0x1FF10] =	vst v39;
	v39 =	vld [tilespmem:s29+$0x4C0];
	v46 =	vadd.f32 v7, v42;
	v51 =	vmul.f32 $1.344106860e-03, v40;
	v9 =	vmul.f32 $1.935307170e-03, v9  }
0x117: {  	v2 =	vmul.f32 $4.998376070e-01, v40;
	v4 =	vsub.f32 $7.998575460e-03, v44;
	v11 =	vsub.f32 v35, v49  }
0x118: {  	v7 =	vsub.f32 $9.994501470e-01, v47;
	v53 =	vsub.f32 $4.152230550e-02, v51;
	v61 =	vmul.f32 $1.906521540e-05, v48  }
0x119: {  	v59 =	vmul.f32 v46, v45;
	v4 =	vmul.f32 v4, v48;
	v63 =	vsub.f32 v11, v9  }
0x11a: {  	v45 =	vmul.f32 v3, v45;
	v13 =	vadd.f32 v61, v53;
	v9 =	vmul.f32 v17, v22  }
0x11b: {  	v51 =	vmul.f32 v39, v22;
	v4 =	vadd.f32 v4, v7;
	v18 =	vmul.f32 v63, v63  }
0x11c: {  	v3 =	vmul.f32 v13, v48;
	v31 =	vmul.f32 $1.591549370e-01, v9  }
0x11d: {  	v28 =	vld [tilespmem:s29+$0x400];
	v2 =	vsub.f32 $9.999710910e-01, v2;
	v4 =	vmul.f32 v4, v5;
	v24 =	vmul.f32 v18, v18  }
0x11e: {  	[tilespmem:$0x1FF00] =	vst v26;
	v12 =	vsub.f32 v14, v27;
	v25 =	vmul.f32 $1.658384350e-01, v18;
	v26 =	vmul.f32 $1.477404440e-04, v18  }
0x11f: {  	v2 =	vadd.f32 v3, v2;
	v29 =	vmul.f32 $1.344106860e-03, v18;
	v5 =	vmul.f32 $1.935307170e-03, v19  }
0x120: {  	v10 =	vmul.f32 $4.998376070e-01, v18;
	v32 =	vadd.f32 $1.258291200e+07, v31;
	v11 =	vsub.f32 $7.998575460e-03, v26  }
0x121: {  	v3 =	vsub.f32 $4.152230550e-02, v29;
	v30 =	vmul.f32 $1.906521540e-05, v24;
	v8 =	vsub.f32 $9.994501470e-01, v25  }
0x122: {  	v5 =	vsub.f32 v12, v5;
	v33 =	vmul.f32 v2, v28;
	v10 =	vsub.f32 $9.999710910e-01, v10  }
0x123: {  	v36 =	vadd.f32 $-1.258291200e+07, v32;
	v37 =	vmul.f32 v4, v28;
	v12 =	vmul.f32 $1.591549370e-01, v51  }
0x124: {  	v11 =	vmul.f32 v11, v24;
	v3 =	vadd.f32 v30, v3;
	v35 =	vmul.f32 v5, v5  }
0x125: {  	v40 =	vmul.f32 $6.281250000e+00, v36;
	v7 =	vmul.f32 $1.935307170e-03, v36;
	v12 =	vadd.f32 $1.258291200e+07, v12  }
0x126: {  	v34 =	vld [tilespmem:s29+$0x410];
	v8 =	vadd.f32 v11, v8;
	v3 =	vmul.f32 v3, v24;
	v38 =	vmul.f32 $1.477404440e-04, v35  }
0x127: {  	v41 =	vmul.f32 v35, v35;
	v42 =	vmul.f32 $1.658384350e-01, v35;
	v44 =	vsub.f32 v9, v40  }
0x128: {  	v53 =	vld [tilespmem:s29+$0x4D0];
	v47 =	vmul.f32 $1.344106860e-03, v35;
	v18 =	vmul.f32 $4.998376070e-01, v35;
	v12 =	vadd.f32 $-1.258291200e+07, v12  }
0x129: {  	v40 =	vld [tilespmem:s29+$0x4E0];
	v6 =	vmul.f32 v8, v63;
	v3 =	vadd.f32 v3, v10;
	v4 =	vsub.f32 $7.998575460e-03, v38  }
0x12a: {  	[tilespmem:$0x1FF20] =	vst v43;
	v49 =	vsub.f32 v44, v7;
	v62 =	vmul.f32 $1.906521540e-05, v41;
	v31 =	vmul.f32 $6.281250000e+00, v12  }
0x12b: {  	[tilespmem:$0x1FF30] =	vst v33;
	v61 =	vsub.f32 $4.152230550e-02, v47;
	v33 =	vmul.f32 $1.935307170e-03, v12;
	v43 =	vmul.f32 v3, v34  }
0x12c: {  	v4 =	vmul.f32 v4, v41;
	v63 =	vmul.f32 v49, v49  }
0x12d: {  	v48 =	vmul.f32 v6, v34;
	v7 =	vadd.f32 v62, v61;
	v6 =	vmul.f32 v53, v22  }
0x12e: {  	v46 =	vsub.f32 $9.994501470e-01, v42;
	v53 =	vmul.f32 v40, v22;
	v19 =	vmul.f32 v63, v63  }
0x12f: {  	v3 =	vsub.f32 v51, v31;
	v24 =	vmul.f32 $1.344106860e-03, v63;
	v7 =	vmul.f32 v7, v41  }
0x130: {  	v30 =	vld [tilespmem:s29+$0x420];
	v4 =	vadd.f32 v4, v46;
	v27 =	vmul.f32 $1.477404440e-04, v63;
	v28 =	vmul.f32 $1.591549370e-01, v6  }
0x131: {  	v32 =	vmul.f32 $1.658384350e-01, v63;
	v9 =	vmul.f32 $4.998376070e-01, v63;
	v3 =	vsub.f32 v3, v33  }
0x132: {  	v4 =	vmul.f32 v4, v5;
	v5 =	vsub.f32 $9.999710910e-01, v18;
	v25 =	vsub.f32 $4.152230550e-02, v24  }
0x133: {  	v26 =	vmul.f32 $1.906521540e-05, v19;
	v13 =	vsub.f32 $7.998575460e-03, v27;
	v14 =	vadd.f32 $1.258291200e+07, v28  }
0x134: {  	[tilespmem:$0x1FF50] =	vst v43;
	v34 =	vsub.f32 $9.994501470e-01, v32;
	v43 =	vmul.f32 v3, v3;
	v5 =	vadd.f32 v7, v5  }
0x135: {  	v24 =	vld [tilespmem:s29+$0x4F0];
	v29 =	vadd.f32 v26, v25;
	v13 =	vmul.f32 v13, v19;
	v41 =	vmul.f32 v4, v30  }
0x136: {  	[tilespmem:$0x1FF60] =	vst v48;
	v14 =	vadd.f32 $-1.258291200e+07, v14;
	v48 =	vmul.f32 $1.477404440e-04, v43;
	v51 =	vmul.f32 $1.344106860e-03, v43  }
0x137: {  	v36 =	vsub.f32 $9.999710910e-01, v9;
	v61 =	vmul.f32 $1.658384350e-01, v43;
	v7 =	vmul.f32 v29, v19  }
0x138: {  	[tilespmem:$0x1FF40] =	vst v37;
	v35 =	vld [tilespmem:s29+$0x430];
	v37 =	vmul.f32 v5, v30;
	v38 =	vadd.f32 v13, v34;
	v39 =	vmul.f32 $6.281250000e+00, v14  }
0x139: {  	v46 =	vmul.f32 $1.935307170e-03, v14;
	v4 =	vsub.f32 $7.998575460e-03, v48;
	v10 =	vsub.f32 $9.994501470e-01, v61  }
0x13a: {  	v19 =	vmul.f32 $1.591549370e-01, v53;
	v32 =	vmul.f32 v24, v22;
	v44 =	vsub.f32 v6, v39  }
0x13b: {  	v42 =	vadd.f32 v7, v36;
	v2 =	vmul.f32 v38, v49;
	v49 =	vmul.f32 v43, v43;
	v36 =	vld [tilespmem:s29+$0x540]  }
0x13c: {  	v7 =	vmul.f32 $4.998376070e-01, v43;
	v17 =	vmul.f32 $1.591549370e-01, v32;
	v5 =	vsub.f32 v44, v46  }
0x13d: {  	v6 =	vsub.f32 $4.152230550e-02, v51;
	v47 =	vmul.f32 v42, v35;
	v62 =	vmul.f32 $1.906521540e-05, v49  }
0x13e: {  	v28 =	vadd.f32 $1.258291200e+07, v19;
	v4 =	vmul.f32 v4, v49;
	v63 =	vmul.f32 v5, v5  }
0x13f: {  	v26 =	vmul.f32 v2, v35;
	v38 =	vadd.f32 $1.258291200e+07, v17;
	v6 =	vadd.f32 v62, v6  }
0x140: {  	v27 =	vadd.f32 v4, v10;
	v46 =	vmul.f32 v36, v22;
	v25 =	vmul.f32 $1.477404440e-04, v63  }
0x141: {  	v4 =	vadd.f32 $-1.258291200e+07, v28;
	v6 =	vmul.f32 v6, v49;
	v30 =	vmul.f32 v63, v63  }
0x142: {  	v31 =	vmul.f32 $1.658384350e-01, v63;
	v34 =	vmul.f32 $1.344106860e-03, v63  }
0x143: {  	v33 =	vld [tilespmem:s29+$0x480];
	v43 =	vadd.f32 $-1.258291200e+07, v38;
	v35 =	vmul.f32 $6.281250000e+00, v4;
	v4 =	vmul.f32 $1.935307170e-03, v4  }
0x144: {  	v7 =	vsub.f32 $9.999710910e-01, v7;
	v2 =	vmul.f32 v27, v3;
	v40 =	vmul.f32 $4.998376070e-01, v63  }
0x145: {  	v19 =	vld [tilespmem:s29+$0x550];
	v48 =	vmul.f32 $6.281250000e+00, v43;
	v29 =	vsub.f32 $7.998575460e-03, v25;
	v9 =	vsub.f32 v53, v35  }
0x146: {  	v6 =	vadd.f32 v6, v7;
	v14 =	vsub.f32 $4.152230550e-02, v34;
	v16 =	vmul.f32 $1.906521540e-05, v30  }
0x147: {  	[tilespmem:$0x1FF80] =	vst v41;
	v11 =	vsub.f32 $9.994501470e-01, v31;
	v8 =	vmul.f32 v29, v30;
	v4 =	vsub.f32 v9, v4  }
0x148: {  	[tilespmem:$0x1FF70] =	vst v37;
	v62 =	vmul.f32 $1.591549370e-01, v46;
	v41 =	vmul.f32 v2, v33;
	v37 =	vadd.f32 v16, v14  }
0x149: {  	v39 =	vmul.f32 v6, v33;
	v8 =	vadd.f32 v8, v11;
	v44 =	vmul.f32 v4, v4  }
0x14a: {  	v3 =	vmul.f32 v37, v30;
	v30 =	vmul.f32 v19, v22  }
0x14b: {  	[tilespmem:$0x1FF90] =	vst v47;
	v47 =	vld [tilespmem:s29+$0x490];
	v7 =	vsub.f32 v32, v48;
	v42 =	vmul.f32 v8, v5;
	v49 =	vmul.f32 v44, v44  }
0x14c: {  	v6 =	vsub.f32 $9.999710910e-01, v40;
	v51 =	vmul.f32 $1.344106860e-03, v44;
	v5 =	vmul.f32 $1.935307170e-03, v43  }
0x14d: {  	v25 =	vadd.f32 $1.258291200e+07, v62;
	v53 =	vmul.f32 $1.477404440e-04, v44;
	v18 =	vmul.f32 $1.658384350e-01, v44  }
0x14e: {  	v3 =	vadd.f32 v3, v6;
	v28 =	vmul.f32 $4.998376070e-01, v44;
	v38 =	vmul.f32 $1.591549370e-01, v30  }
0x14f: {  	v12 =	vsub.f32 $4.152230550e-02, v51;
	v61 =	vmul.f32 $1.906521540e-05, v49;
	v5 =	vsub.f32 v7, v5  }
0x150: {  	v63 =	vsub.f32 $7.998575460e-03, v53;
	v24 =	vmul.f32 v3, v47;
	v11 =	vsub.f32 $9.994501470e-01, v18  }
0x151: {  	[tilespmem:$0x1FFC0] =	vst v41;
	v27 =	vmul.f32 v42, v47;
	v3 =	vadd.f32 $-1.258291200e+07, v25;
	v41 =	vadd.f32 $1.258291200e+07, v38  }
0x152: {  	[tilespmem:$0x1FFA0] =	vst v26;
	v12 =	vadd.f32 v61, v12;
	v7 =	vmul.f32 v63, v49;
	v26 =	vmul.f32 v5, v5  }
0x153: {  	v2 =	vsub.f32 $9.999710910e-01, v28;
	v31 =	vmul.f32 $6.281250000e+00, v3;
	v3 =	vmul.f32 $1.935307170e-03, v3  }
0x154: {  	v44 =	vadd.f32 $-1.258291200e+07, v41;
	v6 =	vmul.f32 v12, v49;
	v29 =	vmul.f32 $1.477404440e-04, v26  }
0x155: {  	v32 =	vld [tilespmem:s29+$0x4A0];
	v7 =	vadd.f32 v7, v11;
	v33 =	vmul.f32 v26, v26;
	v34 =	vmul.f32 $1.658384350e-01, v26  }
0x156: {  	v35 =	vsub.f32 v46, v31;
	v36 =	vmul.f32 $1.344106860e-03, v26;
	v49 =	vmul.f32 $4.998376070e-01, v26  }
0x157: {  	v51 =	vmul.f32 $6.281250000e+00, v44;
	v31 =	vld [tilespmem:s29+$0x570];
	v8 =	vsub.f32 $7.998575460e-03, v29;
	v2 =	vadd.f32 v6, v2  }
0x158: {  	[tilespmem:$0x1FFB0] =	vst v39;
	v9 =	vsub.f32 $4.152230550e-02, v36;
	v39 =	vmul.f32 $1.906521540e-05, v33;
	v4 =	vmul.f32 v7, v4  }
0x159: {  	v37 =	vsub.f32 $9.994501470e-01, v34;
	v3 =	vsub.f32 v35, v3;
	v8 =	vmul.f32 v8, v33  }
0x15a: {  	v9 =	vadd.f32 v39, v9;
	v61 =	vmul.f32 v2, v32;
	v42 =	vmul.f32 v4, v32  }
0x15b: {  	v46 =	vld [tilespmem:s29+$0x560];
	v48 =	vmul.f32 v3, v3;
	v4 =	vmul.f32 $1.935307170e-03, v44  }
0x15c: {  	v10 =	vmul.f32 v31, v22;
	v40 =	vadd.f32 v8, v37;
	v47 =	vmul.f32 v9, v33  }
0x15d: {  	v1 =	vld [tilespmem:s29+$0x4B0];
	v53 =	vmul.f32 v48, v48;
	v0 =	vmul.f32 $1.344106860e-03, v48;
	v9 =	vsub.f32 v30, v51  }
0x15e: {  	v8 =	vsub.f32 $9.999710910e-01, v49;
	v17 =	vmul.f32 $1.477404440e-04, v48;
	v19 =	vmul.f32 $1.658384350e-01, v48  }
0x15f: {  	[tilespmem:$0x1FFE0] =	vst v27;
	v27 =	vmul.f32 $4.998376070e-01, v48;
	v43 =	vmul.f32 v40, v5;
	v12 =	vsub.f32 $4.152230550e-02, v0  }
0x160: {  	v5 =	vmul.f32 v46, v22;
	v18 =	vmul.f32 $1.906521540e-05, v53;
	v13 =	vsub.f32 $7.998575460e-03, v17  }
0x161: {  	v51 =	vmul.f32 $1.591549370e-01, v10;
	v6 =	vadd.f32 v47, v8;
	v4 =	vsub.f32 v9, v4  }
0x162: {  	[tilespmem:$0x1FFD0] =	vst v24;
	v24 =	vadd.f32 v18, v12;
	v25 =	vmul.f32 $1.591549370e-01, v5;
	v13 =	vmul.f32 v13, v53  }
0x163: {  	v26 =	vsub.f32 $9.994501470e-01, v19;
	v63 =	vmul.f32 v6, v1;
	v30 =	vmul.f32 v4, v4  }
0x164: {  	v62 =	vmul.f32 v43, v1;
	v28 =	vadd.f32 $1.258291200e+07, v25;
	v8 =	vmul.f32 v24, v53  }
0x165: {  	v33 =	vld [tilespmem:s29+$0x500];
	v29 =	vadd.f32 v13, v26;
	v32 =	vmul.f32 $1.477404440e-04, v30;
	v34 =	vmul.f32 v30, v30  }
0x166: {  	v6 =	vsub.f32 $9.999710910e-01, v27;
	v36 =	vmul.f32 $1.658384350e-01, v30;
	v37 =	vmul.f32 $1.344106860e-03, v30  }
0x167: {  	v53 =	vld [tilespmem:s29+$0x5C0];
	v24 =	vadd.f32 $1.258291200e+07, v51;
	v7 =	vadd.f32 $-1.258291200e+07, v28;
	v2 =	vmul.f32 v29, v3  }
0x168: {  	v3 =	vsub.f32 $7.998575460e-03, v32;
	v48 =	vsub.f32 $4.152230550e-02, v37;
	v49 =	vmul.f32 $1.906521540e-05, v34  }
0x169: {  	v26 =	vmul.f32 $4.998376070e-01, v30;
	v6 =	vadd.f32 v8, v6;
	v35 =	vmul.f32 $6.281250000e+00, v7  }
0x16a: {  	v38 =	vsub.f32 $9.994501470e-01, v36;
	v3 =	vmul.f32 v3, v34;
	v19 =	vadd.f32 v49, v48  }
0x16b: {  	v30 =	vld [tilespmem:s29+$0x510];
	v7 =	vmul.f32 $1.935307170e-03, v7;
	v46 =	vmul.f32 v6, v33;
	v5 =	vsub.f32 v5, v35  }
0x16c: {  	v6 =	vadd.f32 $-1.258291200e+07, v24;
	v18 =	vadd.f32 v3, v38;
	v3 =	vmul.f32 v19, v34;
	v34 =	vld [tilespmem:s29+$0x5D0]  }
0x16d: {  	v41 =	vmul.f32 v2, v33;
	v28 =	vmul.f32 v53, v22;
	v5 =	vsub.f32 v5, v7  }
0x16e: {  	v32 =	vmul.f32 $6.281250000e+00, v6;
	v2 =	vmul.f32 v18, v4  }
0x16f: {  	v6 =	vmul.f32 $1.935307170e-03, v6;
	v4 =	vsub.f32 $9.999710910e-01, v26;
	v25 =	vmul.f32 v5, v5  }
0x170: {  	v15 =	vmul.f32 $1.591549370e-01, v28;
	v10 =	vsub.f32 v10, v32;
	v53 =	vmul.f32 v2, v30  }
0x171: {  	v3 =	vadd.f32 v3, v4;
	v48 =	vmul.f32 v34, v22;
	v27 =	vmul.f32 $1.344106860e-03, v25  }
0x172: {  	v6 =	vsub.f32 v10, v6;
	v29 =	vmul.f32 v25, v25;
	v31 =	vmul.f32 $1.477404440e-04, v25  }
0x173: {  	v36 =	vmul.f32 $1.658384350e-01, v25;
	v7 =	vmul.f32 $4.998376070e-01, v25  }
0x174: {  	[tilespmem:$0x1FFF0] =	vst v42;
	v35 =	vadd.f32 $1.258291200e+07, v15;
	v42 =	vmul.f32 v3, v30;
	v49 =	vmul.f32 v6, v6  }
0x175: {  	v24 =	vmul.f32 $1.591549370e-01, v48;
	v8 =	vsub.f32 $4.152230550e-02, v27;
	v33 =	vmul.f32 $1.906521540e-05, v29  }
0x176: {  	v13 =	vsub.f32 $7.998575460e-03, v31;
	v38 =	vsub.f32 $9.994501470e-01, v36;
	v27 =	vmul.f32 $1.477404440e-04, v49  }
0x177: {  	v47 =	vsub.f32 $9.999710910e-01, v7;
	v31 =	vmul.f32 v49, v49;
	v32 =	vmul.f32 $1.344106860e-03, v49  }
0x178: {  	v39 =	vld [tilespmem:s29+$0x520];
	v11 =	vmul.f32 $4.998376070e-01, v49;
	v4 =	vadd.f32 v33, v8;
	v8 =	vadd.f32 $-1.258291200e+07, v35  }
0x179: {  	v30 =	vld [tilespmem:s29+$0x5E0];
	v37 =	vmul.f32 v13, v29;
	v9 =	vsub.f32 $7.998575460e-03, v27;
	v33 =	vmul.f32 $1.906521540e-05, v31  }
0x17a: {  	v14 =	vsub.f32 $4.152230550e-02, v32;
	v4 =	vmul.f32 v4, v29;
	v18 =	vmul.f32 $6.281250000e+00, v8  }
0x17b: {  	v10 =	vadd.f32 v37, v38;
	v29 =	vmul.f32 $1.658384350e-01, v49;
	v8 =	vmul.f32 $1.935307170e-03, v8  }
0x17c: {  	v9 =	vmul.f32 v9, v31;
	v36 =	vadd.f32 v33, v14;
	v19 =	vadd.f32 v4, v47  }
0x17d: {  	v25 =	vmul.f32 v10, v5;
	v26 =	vsub.f32 v28, v18;
	v28 =	vadd.f32 $1.258291200e+07, v24  }
0x17e: {  	v37 =	vmul.f32 v30, v22;
	v3 =	vsub.f32 $9.994501470e-01, v29;
	v47 =	vmul.f32 v19, v39  }
0x17f: {  	v2 =	vadd.f32 $-1.258291200e+07, v28;
	v40 =	vmul.f32 v25, v39;
	v34 =	vsub.f32 v26, v8  }
0x180: {  	v3 =	vadd.f32 v9, v3;
	v39 =	vmul.f32 $1.591549370e-01, v37;
	v8 =	vmul.f32 v36, v31  }
0x181: {  	v51 =	vld [tilespmem:s29+$0x530];
	v11 =	vsub.f32 $9.999710910e-01, v11;
	v35 =	vmul.f32 $6.281250000e+00, v2;
	v38 =	vmul.f32 v34, v34  }
0x182: {  	v2 =	vmul.f32 $1.935307170e-03, v2;
	v3 =	vmul.f32 v3, v6  }
0x183: {  	v25 =	vld [tilespmem:s29+$0x5F0];
	v6 =	vadd.f32 $1.258291200e+07, v39;
	v8 =	vadd.f32 v8, v11;
	v43 =	vmul.f32 $1.477404440e-04, v38  }
0x184: {  	v5 =	vsub.f32 v48, v35;
	v44 =	vmul.f32 v38, v38;
	v48 =	vmul.f32 $1.344106860e-03, v38  }
0x185: {  	v49 =	vmul.f32 $1.658384350e-01, v38;
	v7 =	vmul.f32 $4.998376070e-01, v38;
	v35 =	vld [tilespmem:s29+$0x640]  }
0x186: {  	v6 =	vadd.f32 $-1.258291200e+07, v6;
	v39 =	vmul.f32 v8, v51;
	v38 =	vmul.f32 v3, v51  }
0x187: {  	v2 =	vsub.f32 v5, v2;
	v12 =	vsub.f32 $4.152230550e-02, v48;
	v0 =	vmul.f32 $1.906521540e-05, v44  }
0x188: {  	v33 =	vmul.f32 v25, v22;
	v5 =	vsub.f32 $7.998575460e-03, v43;
	v1 =	vmul.f32 $6.281250000e+00, v6  }
0x189: {  	v6 =	vmul.f32 $1.935307170e-03, v6;
	v12 =	vadd.f32 v0, v12;
	v15 =	vmul.f32 v2, v2  }
0x18a: {  	v13 =	vsub.f32 $9.994501470e-01, v49;
	v5 =	vmul.f32 v5, v44;
	v18 =	vmul.f32 v35, v22  }
0x18b: {  	v7 =	vsub.f32 $9.999710910e-01, v7;
	v10 =	vmul.f32 v12, v44;
	v24 =	vmul.f32 $1.477404440e-04, v15  }
0x18c: {  	v26 =	vld [tilespmem:s29+$0x580];
	v5 =	vadd.f32 v5, v13;
	v27 =	vmul.f32 v15, v15;
	v28 =	vmul.f32 $1.658384350e-01, v15  }
0x18d: {  	v9 =	vsub.f32 v37, v1;
	v12 =	vmul.f32 $1.591549370e-01, v33;
	v17 =	vmul.f32 $4.998376070e-01, v15  }
0x18e: {  	v11 =	vsub.f32 $7.998575460e-03, v24;
	v29 =	vmul.f32 v5, v34;
	v30 =	vadd.f32 v10, v7  }
0x18f: {  	v5 =	vsub.f32 v9, v6;
	v31 =	vsub.f32 $9.994501470e-01, v28;
	v34 =	vmul.f32 $1.344106860e-03, v15  }
0x190: {  	v48 =	vmul.f32 $1.906521540e-05, v27;
	v16 =	vadd.f32 $1.258291200e+07, v12;
	v32 =	vmul.f32 v11, v27  }
0x191: {  	v8 =	vsub.f32 $9.999710910e-01, v17;
	v43 =	vmul.f32 v30, v26;
	v4 =	vmul.f32 v5, v5  }
0x192: {  	v44 =	vsub.f32 $4.152230550e-02, v34;
	v37 =	vmul.f32 v29, v26;
	v7 =	vadd.f32 $-1.258291200e+07, v16  }
0x193: {  	v26 =	vmul.f32 $1.591549370e-01, v18;
	v30 =	vld [tilespmem:s29+$0x650];
	v6 =	vadd.f32 v32, v31;
	v49 =	vmul.f32 $1.477404440e-04, v4  }
0x194: {  	v51 =	vadd.f32 v48, v44;
	v19 =	vmul.f32 v4, v4;
	v24 =	vmul.f32 $1.658384350e-01, v4  }
0x195: {  	v25 =	vld [tilespmem:s29+$0x590];
	v28 =	vadd.f32 $1.258291200e+07, v26;
	v29 =	vmul.f32 $1.344106860e-03, v4;
	v4 =	vmul.f32 $4.998376070e-01, v4  }
0x196: {  	v2 =	vmul.f32 v6, v2;
	v3 =	vsub.f32 $7.998575460e-03, v49;
	v6 =	vmul.f32 v51, v27  }
0x197: {  	v12 =	vsub.f32 $9.994501470e-01, v24;
	v27 =	vmul.f32 $6.281250000e+00, v7;
	v7 =	vmul.f32 $1.935307170e-03, v7  }
0x198: {  	v14 =	vsub.f32 $4.152230550e-02, v29;
	v31 =	vmul.f32 $1.906521540e-05, v19;
	v29 =	vld [tilespmem:s29+$0x660];
	v48 =	vmul.f32 v30, v22  }
0x199: {  	v3 =	vmul.f32 v3, v19;
	v6 =	vadd.f32 v6, v8;
	v9 =	vsub.f32 v33, v27  }
0x19a: {  	v8 =	vadd.f32 $-1.258291200e+07, v28;
	v36 =	vmul.f32 v2, v25;
	v35 =	vadd.f32 v31, v14  }
0x19b: {  	v16 =	vmul.f32 $1.591549370e-01, v48;
	v34 =	vmul.f32 v6, v25;
	v2 =	vsub.f32 v9, v7  }
0x19c: {  	v49 =	vld [tilespmem:s29+$0x5A0];
	v3 =	vadd.f32 v3, v12;
	v44 =	vmul.f32 $6.281250000e+00, v8;
	v8 =	vmul.f32 $1.935307170e-03, v8  }
0x19d: {  	v12 =	vmul.f32 v29, v22;
	v7 =	vmul.f32 v2, v2  }
0x19e: {  	v4 =	vsub.f32 $9.999710910e-01, v4;
	v3 =	vmul.f32 v3, v5;
	v5 =	vmul.f32 v35, v19  }
0x19f: {  	v6 =	vsub.f32 v18, v44;
	v19 =	vadd.f32 $1.258291200e+07, v16;
	v51 =	vmul.f32 v7, v7  }
0x1a0: {  	v1 =	vmul.f32 $1.344106860e-03, v7;
	v4 =	vadd.f32 v5, v4;
	v17 =	vmul.f32 $1.477404440e-04, v7  }
0x1a1: {  	v5 =	vsub.f32 v6, v8;
	v26 =	vmul.f32 $1.658384350e-01, v7;
	v32 =	vmul.f32 v3, v49  }
0x1a2: {  	v28 =	vadd.f32 $-1.258291200e+07, v19;
	v7 =	vmul.f32 $4.998376070e-01, v7;
	v18 =	vsub.f32 $4.152230550e-02, v1  }
0x1a3: {  	v24 =	vmul.f32 $1.906521540e-05, v51;
	v33 =	vmul.f32 v4, v49;
	v25 =	vsub.f32 $7.998575460e-03, v17  }
0x1a4: {  	v6 =	vsub.f32 $9.994501470e-01, v26;
	v10 =	vmul.f32 v5, v5;
	v30 =	vmul.f32 $6.281250000e+00, v28  }
0x1a5: {  	v7 =	vsub.f32 $9.999710910e-01, v7;
	v8 =	vmul.f32 $1.935307170e-03, v28;
	v4 =	vmul.f32 v25, v51  }
0x1a6: {  	v27 =	vadd.f32 v24, v18;
	v31 =	vmul.f32 $1.477404440e-04, v10;
	v35 =	vmul.f32 $1.658384350e-01, v10  }
0x1a7: {  	v9 =	vsub.f32 v48, v30;
	v48 =	vmul.f32 v10, v10;
	v49 =	vmul.f32 $1.344106860e-03, v10  }
0x1a8: {  	v44 =	vld [tilespmem:s29+$0x5B0];
	v18 =	vmul.f32 $1.591549370e-01, v12;
	v10 =	vmul.f32 $4.998376070e-01, v10;
	v4 =	vadd.f32 v4, v6  }
0x1a9: {  	v3 =	vmul.f32 v27, v51;
	v6 =	vsub.f32 $7.998575460e-03, v31;
	v11 =	vsub.f32 $9.994501470e-01, v35  }
0x1aa: {  	v15 =	vsub.f32 $4.152230550e-02, v49;
	v51 =	vmul.f32 $1.906521540e-05, v48;
	v27 =	vld [tilespmem:s29+$0x670]  }
0x1ab: {  	v6 =	vmul.f32 v6, v48;
	v3 =	vadd.f32 v3, v7;
	v7 =	vsub.f32 v9, v8  }
0x1ac: {  	v25 =	vadd.f32 $1.258291200e+07, v18;
	v2 =	vmul.f32 v4, v2;
	v24 =	vadd.f32 v51, v15  }
0x1ad: {  	v19 =	vadd.f32 v6, v11;
	v30 =	vmul.f32 v3, v44;
	v26 =	vmul.f32 v7, v7  }
0x1ae: {  	v31 =	vmul.f32 v2, v44;
	v29 =	vmul.f32 v24, v48  }
0x1af: {  	v3 =	vadd.f32 $-1.258291200e+07, v25;
	v9 =	vmul.f32 v27, v22;
	v2 =	vmul.f32 v19, v5  }
0x1b0: {  	v35 =	vmul.f32 $1.477404440e-04, v26;
	v44 =	vmul.f32 v26, v26  }
0x1b1: {  	v10 =	vsub.f32 $9.999710910e-01, v10;
	v48 =	vmul.f32 $1.344106860e-03, v26;
	v49 =	vmul.f32 $6.281250000e+00, v3  }
0x1b2: {  	v18 =	vld [tilespmem:s29+$0x600];
	v3 =	vmul.f32 $1.935307170e-03, v3;
	v19 =	vmul.f32 $1.658384350e-01, v26  }
0x1b3: {  	v4 =	vadd.f32 v29, v10;
	v24 =	vmul.f32 $1.591549370e-01, v9;
	v12 =	vsub.f32 v12, v49  }
0x1b4: {  	v5 =	vsub.f32 $7.998575460e-03, v35;
	v11 =	vsub.f32 $4.152230550e-02, v48;
	v51 =	vmul.f32 $1.906521540e-05, v44  }
0x1b5: {  	v8 =	vmul.f32 $4.998376070e-01, v26;
	v25 =	vsub.f32 $9.994501470e-01, v19;
	v3 =	vsub.f32 v12, v3  }
0x1b6: {  	v26 =	vadd.f32 $1.258291200e+07, v24;
	v11 =	vadd.f32 v51, v11;
	v5 =	vmul.f32 v5, v44  }
0x1b7: {  	v28 =	vmul.f32 v4, v18;
	v12 =	vmul.f32 v3, v3  }
0x1b8: {  	v5 =	vadd.f32 v5, v25;
	v6 =	vmul.f32 v11, v44;
	v44 =	vadd.f32 $-1.258291200e+07, v26  }
0x1b9: {  	v35 =	vsub.f32 $9.999710910e-01, v8;
	v29 =	vmul.f32 v2, v18;
	v11 =	vld [tilespmem:s29+$0x610];
	v48 =	vmul.f32 $1.477404440e-04, v12  }
0x1ba: {  	v49 =	vld [tilespmem:s29+$0x6C0];
	v5 =	vmul.f32 v5, v7;
	v51 =	vmul.f32 $6.281250000e+00, v44  }
0x1bb: {  	v4 =	vadd.f32 v6, v35;
	v7 =	vmul.f32 v12, v12;
	v16 =	vmul.f32 $1.658384350e-01, v12;
	v35 =	vld [tilespmem:s29+$0x6D0]  }
0x1bc: {  	v17 =	vmul.f32 $1.935307170e-03, v44;
	v19 =	vmul.f32 $1.344106860e-03, v12;
	v2 =	vsub.f32 $7.998575460e-03, v48  }
0x1bd: {  	v6 =	vsub.f32 v9, v51;
	v18 =	vsub.f32 $9.994501470e-01, v16;
	v48 =	vmul.f32 $1.906521540e-05, v7  }
0x1be: {  	v44 =	vsub.f32 $4.152230550e-02, v19;
	v27 =	vmul.f32 v4, v11;
	v2 =	vmul.f32 v2, v7  }
0x1bf: {  	v26 =	vmul.f32 v5, v11;
	v5 =	vmul.f32 v49, v22;
	v4 =	vsub.f32 v6, v17  }
0x1c0: {  	v16 =	vmul.f32 $4.998376070e-01, v12;
	v6 =	vmul.f32 v35, v22;
	v2 =	vadd.f32 v2, v18  }
0x1c1: {  	v49 =	vmul.f32 $1.591549370e-01, v5;
	v10 =	vmul.f32 v4, v4  }
0x1c2: {  	v51 =	vadd.f32 v48, v44;
	v44 =	vmul.f32 $1.591549370e-01, v6;
	v2 =	vmul.f32 v2, v3  }
0x1c3: {  	v17 =	vadd.f32 $1.258291200e+07, v49;
	v11 =	vmul.f32 v10, v10;
	v18 =	vmul.f32 $1.344106860e-03, v10  }
0x1c4: {  	v19 =	vsub.f32 $9.999710910e-01, v16;
	v3 =	vmul.f32 v51, v7;
	v35 =	vmul.f32 $1.477404440e-04, v10  }
0x1c5: {  	v49 =	vld [tilespmem:s29+$0x620];
	v0 =	vmul.f32 $1.658384350e-01, v10;
	v10 =	vmul.f32 $4.998376070e-01, v10;
	v9 =	vadd.f32 $-1.258291200e+07, v17  }
0x1c6: {  	v14 =	vadd.f32 $1.258291200e+07, v44;
	v24 =	vsub.f32 $4.152230550e-02, v18;
	v25 =	vmul.f32 $1.906521540e-05, v11  }
0x1c7: {  	v3 =	vadd.f32 v3, v19;
	v13 =	vsub.f32 $7.998575460e-03, v35;
	v19 =	vld [tilespmem:s29+$0x6E0];
	v51 =	vmul.f32 $6.281250000e+00, v9  }
0x1c8: {  	v1 =	vsub.f32 $9.994501470e-01, v0;
	v9 =	vmul.f32 $1.935307170e-03, v9;
	v14 =	vadd.f32 $-1.258291200e+07, v14  }
0x1c9: {  	v48 =	vadd.f32 v25, v24;
	v13 =	vmul.f32 v13, v11;
	v5 =	vsub.f32 v5, v51  }
0x1ca: {  	v15 =	vld [tilespmem:s29+$0x630];
	v35 =	vmul.f32 v3, v49;
	v18 =	vmul.f32 $6.281250000e+00, v14  }
0x1cb: {  	v7 =	vmul.f32 v48, v11;
	v17 =	vadd.f32 v13, v1;
	v5 =	vsub.f32 v5, v9  }
0x1cc: {  	v48 =	vmul.f32 $1.935307170e-03, v14;
	v9 =	vmul.f32 v19, v22  }
0x1cd: {  	v3 =	vsub.f32 v6, v18;
	v4 =	vmul.f32 v17, v4;
	v44 =	vmul.f32 v5, v5  }
0x1ce: {  	v16 =	vsub.f32 $9.999710910e-01, v10;
	v25 =	vmul.f32 v2, v49;
	v18 =	vmul.f32 $1.591549370e-01, v9  }
0x1cf: {  	v3 =	vsub.f32 v3, v48;
	v23 =	vmul.f32 v4, v15;
	v49 =	vmul.f32 $1.477404440e-04, v44  }
0x1d0: {  	v51 =	vmul.f32 v44, v44;
	v14 =	vmul.f32 $1.344106860e-03, v44  }
0x1d1: {  	v24 =	vadd.f32 v7, v16;
	v16 =	vmul.f32 $1.658384350e-01, v44;
	v12 =	vmul.f32 v3, v3  }
0x1d2: {  	v48 =	vadd.f32 $1.258291200e+07, v18;
	v8 =	vsub.f32 $4.152230550e-02, v14;
	v17 =	vmul.f32 $1.906521540e-05, v51  }
0x1d3: {  	v7 =	vmul.f32 $4.998376070e-01, v44;
	v2 =	vsub.f32 $7.998575460e-03, v49;
	v10 =	vsub.f32 $9.994501470e-01, v16  }
0x1d4: {  	v19 =	vld [tilespmem:s29+$0x6F0];
	v44 =	vmul.f32 $1.477404440e-04, v12;
	v4 =	vadd.f32 $-1.258291200e+07, v48;
	v8 =	vadd.f32 v17, v8  }
0x1d5: {  	v7 =	vsub.f32 $9.999710910e-01, v7;
	v0 =	vmul.f32 $1.344106860e-03, v12;
	v2 =	vmul.f32 v2, v51  }
0x1d6: {  	v49 =	vsub.f32 $7.998575460e-03, v44;
	v1 =	vmul.f32 $6.281250000e+00, v4;
	v6 =	vmul.f32 v8, v51  }
0x1d7: {  	v13 =	vld [tilespmem:s29+$0x680];
	v2 =	vadd.f32 v2, v10;
	v10 =	vmul.f32 v12, v12;
	v51 =	vmul.f32 $1.658384350e-01, v12  }
0x1d8: {  	v14 =	vsub.f32 $4.152230550e-02, v0;
	v4 =	vmul.f32 $1.935307170e-03, v4;
	v6 =	vadd.f32 v6, v7  }
0x1d9: {  	v7 =	vmul.f32 v19, v22;
	v11 =	vsub.f32 $9.994501470e-01, v51;
	v8 =	vmul.f32 v49, v10  }
0x1da: {  	v17 =	vmul.f32 $4.998376070e-01, v12;
	v9 =	vsub.f32 v9, v1;
	v44 =	vmul.f32 $1.906521540e-05, v10;
	v49 =	vld [tilespmem:s29+$0x740]  }
0x1db: {  	v2 =	vmul.f32 v2, v5;
	v48 =	vmul.f32 $1.591549370e-01, v7;
	v8 =	vadd.f32 v8, v11  }
0x1dc: {  	v4 =	vsub.f32 v9, v4;
	v51 =	vadd.f32 v44, v14;
	v20 =	vmul.f32 v6, v13  }
0x1dd: {  	v21 =	vmul.f32 v2, v13;
	v16 =	vadd.f32 $1.258291200e+07, v48;
	v2 =	vmul.f32 v8, v3  }
0x1de: {  	v6 =	vsub.f32 $9.999710910e-01, v17;
	v5 =	vmul.f32 v51, v10;
	v8 =	vmul.f32 v4, v4  }
0x1df: {  	v9 =	vmul.f32 v49, v22;
	v18 =	vadd.f32 $-1.258291200e+07, v16  }
0x1e0: {  	v10 =	vld [tilespmem:s29+$0x690];
	v5 =	vadd.f32 v5, v6;
	v6 =	vmul.f32 v8, v8;
	v44 =	vmul.f32 $1.344106860e-03, v8  }
0x1e1: {  	v48 =	vmul.f32 $1.477404440e-04, v8;
	v19 =	vmul.f32 $6.281250000e+00, v18  }
0x1e2: {  	v51 =	vmul.f32 $1.591549370e-01, v9;
	v3 =	vmul.f32 $1.935307170e-03, v18  }
0x1e3: {  	v12 =	vsub.f32 $4.152230550e-02, v44;
	v49 =	vmul.f32 $1.906521540e-05, v6;
	v7 =	vsub.f32 v7, v19  }
0x1e4: {  	v24 =	vmul.f32 v24, v15;
	v1 =	vsub.f32 $7.998575460e-03, v48;
	v44 =	vmul.f32 $1.658384350e-01, v8;
	v48 =	vld [tilespmem:s29+$0x750]  }
0x1e5: {  	v18 =	vmul.f32 v2, v10;
	v12 =	vadd.f32 v49, v12;
	v3 =	vsub.f32 v7, v3  }
0x1e6: {  	v19 =	vmul.f32 v5, v10;
	v49 =	vadd.f32 $1.258291200e+07, v51;
	v51 =	vmul.f32 $4.998376070e-01, v8  }
0x1e7: {  	v11 =	vsub.f32 $9.994501470e-01, v44;
	v7 =	vmul.f32 v1, v6;
	v13 =	vmul.f32 v3, v3  }
0x1e8: {  	v5 =	vadd.f32 $-1.258291200e+07, v49;
	v6 =	vmul.f32 v12, v6;
	v2 =	vsub.f32 $9.999710910e-01, v51  }
0x1e9: {  	v10 =	vmul.f32 v48, v22;
	v7 =	vadd.f32 v7, v11;
	v14 =	vmul.f32 $1.477404440e-04, v13  }
0x1ea: {  	v12 =	vld [tilespmem:s29+$0x6A0];
	v16 =	vmul.f32 $6.281250000e+00, v5;
	v2 =	vadd.f32 v6, v2;
	v5 =	vmul.f32 $1.935307170e-03, v5  }
0x1eb: {  	v0 =	vmul.f32 v13, v13;
	v17 =	vmul.f32 $1.658384350e-01, v13;
	v8 =	vsub.f32 $7.998575460e-03, v14  }
0x1ec: {  	v49 =	vmul.f32 $1.591549370e-01, v10;
	v6 =	vsub.f32 v9, v16;
	v44 =	vmul.f32 $1.344106860e-03, v13  }
0x1ed: {  	v4 =	vmul.f32 v7, v4;
	v48 =	vsub.f32 $9.994501470e-01, v17;
	v8 =	vmul.f32 v8, v0  }
0x1ee: {  	v9 =	vsub.f32 $4.152230550e-02, v44;
	v51 =	vmul.f32 $1.906521540e-05, v0;
	v5 =	vsub.f32 v6, v5  }
0x1ef: {  	v16 =	vmul.f32 v2, v12;
	v44 =	vadd.f32 $1.258291200e+07, v49;
	v1 =	vadd.f32 v8, v48  }
0x1f0: {  	v17 =	vmul.f32 v4, v12;
	v9 =	vadd.f32 v51, v9;
	v6 =	vmul.f32 v5, v5;
	v48 =	vld [tilespmem:s29+$0x760]  }
0x1f1: {  	v49 =	vmul.f32 $4.998376070e-01, v13;
	v2 =	vmul.f32 v1, v3;
	v3 =	vadd.f32 $-1.258291200e+07, v44  }
0x1f2: {  	v0 =	vmul.f32 v9, v0;
	v51 =	vmul.f32 $1.344106860e-03, v6  }
0x1f3: {  	v9 =	vmul.f32 v6, v6;
	v8 =	vmul.f32 $6.281250000e+00, v3  }
0x1f4: {  	v7 =	vsub.f32 $9.999710910e-01, v49;
	v1 =	vmul.f32 $1.477404440e-04, v6;
	v11 =	vsub.f32 $4.152230550e-02, v51  }
0x1f5: {  	v44 =	vmul.f32 $1.906521540e-05, v9;
	v4 =	vmul.f32 v48, v22;
	v8 =	vsub.f32 v10, v8;
	v10 =	vld [tilespmem:s29+$0x6B0]  }
0x1f6: {  	v12 =	vsub.f32 $7.998575460e-03, v1;
	v3 =	vmul.f32 $1.935307170e-03, v3;
	v48 =	vmul.f32 $1.658384350e-01, v6  }
0x1f7: {  	v0 =	vadd.f32 v0, v7;
	v7 =	vadd.f32 v44, v11;
	v11 =	vmul.f32 $1.591549370e-01, v4  }
0x1f8: {  	v3 =	vsub.f32 v8, v3;
	v8 =	vsub.f32 $9.994501470e-01, v48;
	v48 =	vmul.f32 v12, v9  }
0x1f9: {  	v44 =	vmul.f32 $4.998376070e-01, v6;
	v7 =	vmul.f32 v7, v9;
	v49 =	vadd.f32 $1.258291200e+07, v11  }
0x1fa: {  	v12 =	vld [tilespmem:s29+$0x770];
	v51 =	vadd.f32 v48, v8;
	v8 =	vmul.f32 v3, v3;
	v14 =	vmul.f32 v0, v10  }
0x1fb: {  	v15 =	vmul.f32 v2, v10;
	v0 =	vsub.f32 $9.999710910e-01, v44;
	v6 =	vadd.f32 $-1.258291200e+07, v49  }
0x1fc: {  	v2 =	vmul.f32 v51, v5;
	v13 =	vmul.f32 $1.477404440e-04, v8  }
0x1fd: {  	v9 =	vmul.f32 v8, v8;
	v0 =	vadd.f32 v7, v0;
	v7 =	vld [tilespmem:s29+$0x700];
	v44 =	vmul.f32 $6.281250000e+00, v6  }
0x1fe: {  	[tilespmem:s29+$0x8100] =	vst v50;
	v1 =	vmul.f32 $1.658384350e-01, v8;
	v6 =	vmul.f32 $1.935307170e-03, v6  }
0x1ff: {  	[tilespmem:s29+$0x8180] =	vst v58;
	v58 =	vld [tilespmem:$0x1FD00];
	v11 =	vmul.f32 v12, v22;
	v5 =	vsub.f32 $7.998575460e-03, v13;
	v4 =	vsub.f32 v4, v44  }
0x200: {  	v49 =	vmul.f32 $1.344106860e-03, v8;
	v50 =	vmul.f32 $4.998376070e-01, v8;
	v48 =	vsub.f32 $9.994501470e-01, v1  }
0x201: {  	v51 =	vld [tilespmem:s29+$0x7C0];
	v10 =	vmul.f32 $1.591549370e-01, v11;
	v5 =	vmul.f32 v5, v9;
	v4 =	vsub.f32 v4, v6  }
0x202: {  	v49 =	vsub.f32 $4.152230550e-02, v49;
	v6 =	vmul.f32 $1.906521540e-05, v9;
	v12 =	vmul.f32 v0, v7  }
0x203: {  	[tilespmem:s29+$0x8140] =	vst v52;
	v13 =	vmul.f32 v2, v7;
	v44 =	vadd.f32 v5, v48;
	v7 =	vmul.f32 v4, v4  }
0x204: {  	[tilespmem:s29+$0x8110] =	vst v54;
	v48 =	vadd.f32 v6, v49;
	v49 =	vadd.f32 $1.258291200e+07, v10  }
0x205: {  	[tilespmem:s29+$0x8120] =	vst v56;
	v56 =	vld [tilespmem:$0x1FCD0];
	v2 =	vmul.f32 v44, v3;
	v3 =	vsub.f32 $9.999710910e-01, v50;
	v52 =	vmul.f32 $1.344106860e-03, v7  }
0x206: {  	[tilespmem:s29+$0x81D0] =	vst v58;
	v58 =	vld [tilespmem:$0x1FD40];
	v5 =	vmul.f32 v48, v9;
	v6 =	vadd.f32 $-1.258291200e+07, v49;
	v48 =	vmul.f32 v51, v22  }
0x207: {  	[tilespmem:s29+$0x8150] =	vst v55;
	v9 =	vmul.f32 v7, v7;
	v49 =	vld [tilespmem:s29+$0x710];
	v54 =	vmul.f32 $1.477404440e-04, v7;
	v8 =	vsub.f32 $4.152230550e-02, v52  }
0x208: {  	[tilespmem:s29+$0x8160] =	vst v57;
	v55 =	vmul.f32 $6.281250000e+00, v6;
	v3 =	vadd.f32 v5, v3;
	v44 =	vmul.f32 $1.591549370e-01, v48;
	v52 =	vld [tilespmem:s29+$0x7D0]  }
0x209: {  	v57 =	vmul.f32 $1.906521540e-05, v9;
	v50 =	vsub.f32 $7.998575460e-03, v54;
	v54 =	vmul.f32 $1.658384350e-01, v7  }
0x20a: {  	[tilespmem:s29+$0x8170] =	vst v60;
	v7 =	vmul.f32 $4.998376070e-01, v7;
	v11 =	vsub.f32 v11, v55;
	v0 =	vadd.f32 $1.258291200e+07, v44;
	v55 =	vld [tilespmem:$0x1FCE0]  }
0x20b: {  	[tilespmem:s29+$0x81F0] =	vst v58;
	v58 =	vld [tilespmem:$0x1FD60];
	v6 =	vmul.f32 $1.935307170e-03, v6;
	v5 =	vadd.f32 v57, v8;
	v8 =	vsub.f32 $9.994501470e-01, v54  }
0x20c: {  	[tilespmem:s29+$0x8130] =	vst v56;
	v56 =	vmul.f32 v50, v9;
	v57 =	vld [tilespmem:$0x1FCF0];
	v60 =	vsub.f32 $9.999710910e-01, v7;
	v0 =	vadd.f32 $-1.258291200e+07, v0  }
0x20d: {  	v11 =	vsub.f32 v11, v6;
	v5 =	vmul.f32 v5, v9;
	v9 =	vld [tilespmem:$0x1FD10];
	v1 =	vmul.f32 v52, v22  }
0x20e: {  	v50 =	vld [tilespmem:s29+$0x720];
	v10 =	vmul.f32 v3, v49;
	v6 =	vadd.f32 v56, v8;
	v44 =	vmul.f32 $6.281250000e+00, v0  }
0x20f: {  	v56 =	vld [tilespmem:$0x1FD30];
	v51 =	vmul.f32 v11, v11;
	[tilespmem:s29+$0x81C0] =	vst v55;
	v55 =	vmul.f32 $1.591549370e-01, v1  }
0x210: {  	v52 =	vld [tilespmem:$0x1FD20];
	v54 =	vadd.f32 v5, v60;
	v4 =	vmul.f32 v6, v4;
	v5 =	vsub.f32 v48, v44  }
0x211: {  	[tilespmem:s29+$0x8190] =	vst v57;
	v57 =	vmul.f32 $1.477404440e-04, v51;
	v44 =	vmul.f32 $1.658384350e-01, v51;
	v60 =	vadd.f32 $1.258291200e+07, v55  }
0x212: {  	v48 =	vld [tilespmem:s29+$0x7E0];
	[tilespmem:s29+$0x81A0] =	vst v9;
	v9 =	vmul.f32 v2, v49;
	v49 =	vmul.f32 v51, v51  }
0x213: {  	v6 =	vsub.f32 $7.998575460e-03, v57;
	v57 =	vmul.f32 $1.344106860e-03, v51;
	v2 =	vadd.f32 $-1.258291200e+07, v60;
	v60 =	vld [tilespmem:$0x1FD70]  }
0x214: {  	v0 =	vmul.f32 $1.935307170e-03, v0;
	[tilespmem:s29+$0x81B0] =	vst v56;
	v56 =	vld [tilespmem:$0x1FD50]  }
0x215: {  	[tilespmem:s29+$0x81E0] =	vst v52;
	v3 =	vsub.f32 $9.994501470e-01, v44;
	v6 =	vmul.f32 v6, v49;
	v52 =	vsub.f32 $4.152230550e-02, v57;
	v57 =	vld [tilespmem:$0x1FD80]  }
0x216: {  	v8 =	vmul.f32 v54, v50;
	v50 =	vmul.f32 v4, v50;
	v0 =	vsub.f32 v5, v0  }
0x217: {  	[tilespmem:s29+$0x8240] =	vst v58;
	v44 =	vmul.f32 $1.906521540e-05, v49;
	v3 =	vadd.f32 v6, v3;
	v6 =	vmul.f32 v48, v22;
	v48 =	vld [tilespmem:$0x1FDA0]  }
0x218: {  	v4 =	vmul.f32 v0, v0;
	v58 =	vmul.f32 $6.281250000e+00, v2;
	[tilespmem:s29+$0x8210] =	vst v60;
	v60 =	vld [tilespmem:$0x1FD90]  }
0x219: {  	[tilespmem:s29+$0x8200] =	vst v56;
	v44 =	vadd.f32 v44, v52;
	v52 =	vld [tilespmem:$0x1FDB0]  }
0x21a: {  	v2 =	vmul.f32 $1.935307170e-03, v2;
	v56 =	vmul.f32 $1.477404440e-04, v4;
	v1 =	vsub.f32 v1, v58;
	[tilespmem:s29+$0x8250] =	vst v57;
	v57 =	vld [tilespmem:$0x1FDD0]  }
0x21b: {  	v58 =	vmul.f32 $1.344106860e-03, v4;
	v54 =	vmul.f32 $1.591549370e-01, v6  }
0x21c: {  	v55 =	vld [tilespmem:$0x1FDC0];
	v1 =	vsub.f32 v1, v2;
	v2 =	vsub.f32 $7.998575460e-03, v56;
	[tilespmem:s29+$0x8260] =	vst v48;
	v48 =	vmul.f32 v4, v4  }
0x21d: {  	v5 =	vmul.f32 v44, v49;
	v49 =	vsub.f32 $4.152230550e-02, v58;
	v58 =	vld [tilespmem:$0x1FDF0];
	[tilespmem:s29+$0x8220] =	vst v60;
	v60 =	vmul.f32 $1.658384350e-01, v4  }
0x21e: {  	v3 =	vmul.f32 v3, v11;
	v11 =	vadd.f32 $1.258291200e+07, v54;
	v54 =	vld [tilespmem:s29+$0x730];
	[tilespmem:s29+$0x8230] =	vst v52;
	v44 =	vmul.f32 $1.906521540e-05, v48  }
0x21f: {  	v2 =	vmul.f32 v2, v48;
	[tilespmem:s29+$0x8280] =	vst v57;
	v57 =	vld [tilespmem:$0x1FDE0];
	v52 =	vsub.f32 $9.994501470e-01, v60  }
0x220: {  	v11 =	vadd.f32 $-1.258291200e+07, v11;
	v49 =	vadd.f32 v44, v49;
	v44 =	vld [tilespmem:$0x1FE00]  }
0x221: {  	v51 =	vmul.f32 $4.998376070e-01, v51;
	[tilespmem:s29+$0x8270] =	vst v55;
	v55 =	vmul.f32 v1, v1;
	v2 =	vadd.f32 v2, v52;
	v52 =	vld [tilespmem:$0x1FE10]  }
0x222: {  	[tilespmem:s29+$0x8290] =	vst v58;
	v58 =	vld [tilespmem:$0x1FE30];
	v60 =	vmul.f32 $6.281250000e+00, v11  }
0x223: {  	v51 =	vsub.f32 $9.999710910e-01, v51;
	v56 =	vmul.f32 $1.477404440e-04, v55;
	v48 =	vmul.f32 v49, v48;
	v49 =	vld [tilespmem:s29+$0x780]  }
0x224: {  	v4 =	vmul.f32 $4.998376070e-01, v4;
	v6 =	vsub.f32 v6, v60;
	v60 =	vmul.f32 $1.658384350e-01, v55;
	[tilespmem:s29+$0x82C0] =	vst v57;
	v57 =	vld [tilespmem:$0x1FE20]  }
0x225: {  	v5 =	vadd.f32 v5, v51;
	v11 =	vmul.f32 $1.935307170e-03, v11;
	v51 =	vsub.f32 $7.998575460e-03, v56;
	[tilespmem:s29+$0x82D0] =	vst v44;
	v44 =	vld [tilespmem:$0x1FE40]  }
0x226: {  	v56 =	vmul.f32 v55, v55;
	[tilespmem:s29+$0x82A0] =	vst v52;
	v52 =	vsub.f32 $9.999710910e-01, v4;
	v4 =	vsub.f32 $9.994501470e-01, v60;
	v60 =	vld [tilespmem:$0x1FE60]  }
0x227: {  	v0 =	vmul.f32 v2, v0  }
0x228: {  	[tilespmem:s29+$0x82B0] =	vst v58;
	v6 =	vsub.f32 v6, v11;
	v58 =	vmul.f32 v51, v56  }
0x229: {  	v7 =	vmul.f32 v5, v54;
	v5 =	vmul.f32 v0, v49;
	[tilespmem:s29+$0x82E0] =	vst v57;
	v57 =	vld [tilespmem:s29+$0x7F0];
	v48 =	vadd.f32 v48, v52  }
0x22a: {  	v0 =	vadd.f32 v58, v4;
	v4 =	vmul.f32 v6, v6;
	[tilespmem:s29+$0x82F0] =	vst v44;
	v44 =	vmul.f32 $1.344106860e-03, v55  }
0x22b: {  	v54 =	vmul.f32 v3, v54;
	v3 =	vmul.f32 v48, v49;
	[tilespmem:s29+$0x8340] =	vst v60;
	v60 =	vld [tilespmem:$0x1FE90]  }
0x22c: {  	v49 =	vmul.f32 $1.906521540e-05, v56;
	v11 =	vsub.f32 $4.152230550e-02, v44;
	v44 =	vmul.f32 $1.344106860e-03, v4  }
0x22d: {  	v2 =	vmul.f32 v0, v1  }
0x22e: {  	v48 =	vmul.f32 v57, v22;
	v1 =	vadd.f32 v49, v11;
	v49 =	vsub.f32 $4.152230550e-02, v44;
	v44 =	vld [tilespmem:$0x1FEB0]  }
0x22f: {  	v52 =	vld [tilespmem:$0x1FE50]  }
0x230: {  	[tilespmem:s29+$0x8320] =	vst v60;
	v60 =	vmul.f32 $1.591549370e-01, v48  }
0x231: {  	v58 =	vld [tilespmem:$0x1FE80]  }
0x232: {  	v11 =	vadd.f32 $1.258291200e+07, v60;
	v60 =	vld [tilespmem:$0x1FEC0]  }
0x233: {  	[tilespmem:s29+$0x8330] =	vst v44;
	v44 =	vld [tilespmem:$0x1FED0]  }
0x234: {  	[tilespmem:s29+$0x8300] =	vst v52;
	v52 =	vld [tilespmem:$0x1FE70]  }
0x235: {  	v57 =	vld [tilespmem:s29+$0x840]  }
0x236: {  	v51 =	vmul.f32 v4, v4;
	[tilespmem:s29+$0x8350] =	vst v58;
	v58 =	vld [tilespmem:$0x1FEA0]  }
0x237: {  	[tilespmem:s29+$0x8370] =	vst v60;
	v60 =	vld [tilespmem:$0x1FEE0]  }
0x238: {  	v55 =	vmul.f32 $4.998376070e-01, v55;
	v0 =	vmul.f32 $1.906521540e-05, v51;
	[tilespmem:s29+$0x8380] =	vst v44;
	v44 =	vld [tilespmem:$0x1FEF0]  }
0x239: {  	[tilespmem:s29+$0x8310] =	vst v52;
	v52 =	vmul.f32 $1.477404440e-04, v4  }
0x23a: {  	v55 =	vsub.f32 $9.999710910e-01, v55;
	v1 =	vmul.f32 v1, v56;
	v0 =	vadd.f32 v0, v49  }
0x23b: {  	[tilespmem:s29+$0x8360] =	vst v58;
	v56 =	vmul.f32 v57, v22;
	v49 =	vsub.f32 $7.998575460e-03, v52;
	v11 =	vadd.f32 $-1.258291200e+07, v11  }
0x23c: {  	v57 =	vld [tilespmem:s29+$0x790];
	v52 =	vmul.f32 $1.658384350e-01, v4;
	v4 =	vmul.f32 $4.998376070e-01, v4;
	[tilespmem:s29+$0x83C0] =	vst v60  }
0x23d: {  	v1 =	vadd.f32 v1, v55;
	v58 =	vmul.f32 $6.281250000e+00, v11;
	[tilespmem:s29+$0x8390] =	vst v44;
	v60 =	vmul.f32 $1.591549370e-01, v56;
	v44 =	vld [tilespmem:$0x1FF00]  }
0x23e: {  	v55 =	vld [tilespmem:s29+$0x7A0];
	v0 =	vmul.f32 v0, v51;
	v52 =	vsub.f32 $9.994501470e-01, v52;
	v4 =	vsub.f32 $9.999710910e-01, v4  }
0x23f: {  	v49 =	vmul.f32 v49, v51;
	v48 =	vsub.f32 v48, v58;
	v58 =	vadd.f32 $1.258291200e+07, v60;
	v60 =	vld [tilespmem:$0x1FF20]  }
0x240: {  	v11 =	vmul.f32 $1.935307170e-03, v11  }
0x241: {  	v49 =	vadd.f32 v49, v52;
	v0 =	vadd.f32 v0, v4  }
0x242: {  	v51 =	vadd.f32 $-1.258291200e+07, v58;
	[tilespmem:s29+$0x83D0] =	vst v44;
	v44 =	vmul.f32 v2, v57;
	v2 =	vsub.f32 v48, v11  }
0x243: {  	[tilespmem:s29+$0x83F0] =	vst v45;
	v6 =	vmul.f32 v49, v6;
	v45 =	vmul.f32 v0, v55  }
0x244: {  	[tilespmem:s29+$0x83E0] =	vst v60;
	v0 =	vmul.f32 v2, v2;
	v60 =	vmul.f32 $6.281250000e+00, v51;
	_ =	sdelay $0x1  }
0x245: {  	[tilespmem:s29+$0x83B0] =	vst v59;
	v59 =	vmul.f32 v6, v55;
	v6 =	vsub.f32 v56, v60;
	v60 =	vmul.f32 $1.477404440e-04, v0;
	_ =	sdelay $0x1  }
0x246: {  	v4 =	vmul.f32 $1.935307170e-03, v51;
	v51 =	vsub.f32 $7.998575460e-03, v60;
	v60 =	vld [tilespmem:$0x1FF90];
	_ =	sdelay $0x4  }
0x247: {  	[tilespmem:s29+$0x8430] =	vst v60;
	v60 =	vld [tilespmem:$0x1FFA0];
	_ =	sdelay $0x2  }
0x248: {  	v52 =	vld [tilespmem:$0x1FF10];
	_ =	sdelay $0x1  }
0x249: {  	[tilespmem:s29+$0x8470] =	vst v60;
	v60 =	vld [tilespmem:$0x1FFB0];
	_ =	sdelay $0x1  }
0x24a: {  	v58 =	vld [tilespmem:$0x1FF30]  }
0x24b: {  	[tilespmem:s29+$0x83A0] =	vst v52;
	v52 =	vld [tilespmem:s29+$0x850]  }
0x24c: {  	v55 =	vld [tilespmem:$0x1FF40]  }
0x24d: {  	[tilespmem:s29+$0x8480] =	vst v60;
	v60 =	vld [tilespmem:$0x1FFC0]  }
0x24e: {  	v1 =	vmul.f32 v1, v57;
	v57 =	vld [tilespmem:$0x1FF50]  }
0x24f: {  	[tilespmem:s29+$0x8400] =	vst v58;
	v58 =	vld [tilespmem:$0x1FF60]  }
0x250: {  	v11 =	vmul.f32 v52, v22  }
0x251: {  	[tilespmem:s29+$0x8440] =	vst v55;
	v48 =	vmul.f32 v0, v0;
	v49 =	vmul.f32 $1.344106860e-03, v0;
	v56 =	vld [tilespmem:s29+$0x860]  }
0x252: {  	v52 =	vmul.f32 $1.591549370e-01, v11;
	[tilespmem:s29+$0x84C0] =	vst v60;
	v60 =	vld [tilespmem:$0x1FFD0]  }
0x253: {  	[tilespmem:s29+$0x8410] =	vst v57;
	v57 =	vld [tilespmem:$0x1FF70];
	v4 =	vsub.f32 v6, v4;
	v6 =	vsub.f32 $4.152230550e-02, v49;
	v49 =	vmul.f32 $1.906521540e-05, v48  }
0x254: {  	v55 =	vmul.f32 $1.658384350e-01, v0;
	v0 =	vmul.f32 $4.998376070e-01, v0;
	[tilespmem:s29+$0x8450] =	vst v58;
	v58 =	vld [tilespmem:$0x1FF80]  }
0x255: {  	v52 =	vadd.f32 $1.258291200e+07, v52;
	v6 =	vadd.f32 v49, v6  }
0x256: {  	v0 =	vsub.f32 $9.999710910e-01, v0;
	v49 =	vmul.f32 v4, v4;
	v51 =	vmul.f32 v51, v48  }
0x257: {  	v52 =	vadd.f32 $-1.258291200e+07, v52;
	v56 =	vmul.f32 v56, v22;
	v6 =	vmul.f32 v6, v48;
	[tilespmem:s29+$0x8490] =	vst v60;
	v60 =	vld [tilespmem:$0x1FFE0]  }
0x258: {  	v55 =	vsub.f32 $9.994501470e-01, v55;
	[tilespmem:s29+$0x8420] =	vst v57;
	v48 =	vmul.f32 v49, v49;
	v57 =	vmul.f32 $1.344106860e-03, v49  }
0x259: {  	v0 =	vadd.f32 v6, v0;
	v6 =	vmul.f32 $1.477404440e-04, v49;
	[tilespmem:s29+$0x8460] =	vst v58;
	v58 =	vmul.f32 $6.281250000e+00, v52  }
0x25a: {  	[tilespmem:s29+$0x84A0] =	vst v61;
	v51 =	vadd.f32 v51, v55;
	v55 =	vld [tilespmem:s29+$0x7B0];
	v61 =	vmul.f32 $1.591549370e-01, v56;
	v57 =	vsub.f32 $4.152230550e-02, v57  }
0x25b: {  	[tilespmem:s29+$0x84B0] =	vst v63;
	v6 =	vsub.f32 $7.998575460e-03, v6;
	v52 =	vmul.f32 $1.935307170e-03, v52;
	v11 =	vsub.f32 v11, v58  }
0x25c: {  	v58 =	vmul.f32 $1.658384350e-01, v49;
	[tilespmem:s29+$0x84D0] =	vst v60;
	v60 =	vmul.f32 $1.906521540e-05, v48  }
0x25d: {  	[tilespmem:s29+$0x84F0] =	vst v62;
	v2 =	vmul.f32 v51, v2;
	v49 =	vmul.f32 $4.998376070e-01, v49;
	v11 =	vsub.f32 v11, v52  }
0x25e: {  	[tilespmem:s29+$0x8500] =	vst v46;
	v6 =	vmul.f32 v6, v48;
	v58 =	vsub.f32 $9.994501470e-01, v58;
	v57 =	vadd.f32 v60, v57;
	v60 =	vld [tilespmem:$0x1FFF0]  }
0x25f: {  	[tilespmem:s29+$0x8540] =	vst v41;
	v63 =	vadd.f32 $1.258291200e+07, v61;
	v46 =	vmul.f32 v0, v55;
	v52 =	vld [tilespmem:s29+$0x800];
	v51 =	vmul.f32 v11, v11  }
0x260: {  	[tilespmem:s29+$0x8550] =	vst v53;
	v49 =	vsub.f32 $9.999710910e-01, v49;
	v6 =	vadd.f32 v6, v58;
	v48 =	vmul.f32 v57, v48  }
0x261: {  	[tilespmem:s29+$0x8510] =	vst v42;
	v41 =	vmul.f32 v2, v55;
	v0 =	vadd.f32 $-1.258291200e+07, v63;
	v58 =	vmul.f32 $1.477404440e-04, v51;
	v57 =	vld [tilespmem:s29+$0x870]  }
0x262: {  	[tilespmem:s29+$0x8520] =	vst v47;
	v4 =	vmul.f32 v6, v4;
	v61 =	vmul.f32 $1.344106860e-03, v51;
	v62 =	vadd.f32 v48, v49  }
0x263: {  	v6 =	vmul.f32 v51, v51;
	v2 =	vsub.f32 $7.998575460e-03, v58;
	[tilespmem:s29+$0x84E0] =	vst v60;
	v60 =	vmul.f32 $1.658384350e-01, v51  }
0x264: {  	[tilespmem:s29+$0x8560] =	vst v40;
	v42 =	vmul.f32 v62, v52;
	v62 =	vmul.f32 $6.281250000e+00, v0  }
0x265: {  	[tilespmem:s29+$0x8530] =	vst v39;
	v2 =	vmul.f32 v2, v6;
	v0 =	vmul.f32 $1.935307170e-03, v0;
	v63 =	vsub.f32 $9.994501470e-01, v60  }
0x266: {  	[tilespmem:s29+$0x8570] =	vst v38;
	v48 =	vmul.f32 v57, v22;
	v57 =	vsub.f32 $4.152230550e-02, v61;
	v61 =	vld [tilespmem:s29+$0x8C0];
	v58 =	vsub.f32 v56, v62  }
0x267: {  	[tilespmem:s29+$0x8580] =	vst v43;
	v60 =	vmul.f32 $1.906521540e-05, v6  }
0x268: {  	[tilespmem:s29+$0x85C0] =	vst v37;
	v43 =	vmul.f32 v4, v52;
	v2 =	vadd.f32 v2, v63;
	v0 =	vsub.f32 v58, v0  }
0x269: {  	[tilespmem:s29+$0x8590] =	vst v34;
	v49 =	vmul.f32 $1.591549370e-01, v48;
	v62 =	vadd.f32 v60, v57;
	v63 =	vmul.f32 $4.998376070e-01, v51  }
0x26a: {  	[tilespmem:s29+$0x85D0] =	vst v36;
	v2 =	vmul.f32 v2, v11;
	v47 =	vmul.f32 v0, v0  }
0x26b: {  	[tilespmem:s29+$0x85E0] =	vst v32;
	v40 =	vadd.f32 $1.258291200e+07, v49;
	v4 =	vmul.f32 v62, v6;
	v36 =	vmul.f32 v61, v22  }
0x26c: {  	[tilespmem:s29+$0x85A0] =	vst v33;
	v58 =	vld [tilespmem:s29+$0x810];
	v49 =	vsub.f32 $9.999710910e-01, v63;
	v52 =	vmul.f32 $1.344106860e-03, v47;
	v53 =	vmul.f32 v47, v47  }
0x26d: {  	[tilespmem:s29+$0x85B0] =	vst v30;
	v51 =	vadd.f32 $-1.258291200e+07, v40;
	v56 =	vmul.f32 $1.477404440e-04, v47;
	v57 =	vmul.f32 $1.591549370e-01, v36  }
0x26e: {  	[tilespmem:s29+$0x85F0] =	vst v31;
	v61 =	vmul.f32 $1.658384350e-01, v47;
	v11 =	vmul.f32 $4.998376070e-01, v47  }
0x26f: {  	[tilespmem:s29+$0x8600] =	vst v28;
	v4 =	vadd.f32 v4, v49;
	v49 =	vld [tilespmem:s29+$0x8D0];
	v55 =	vmul.f32 $6.281250000e+00, v51;
	v6 =	vmul.f32 $1.935307170e-03, v51  }
0x270: {  	v33 =	vsub.f32 $4.152230550e-02, v52;
	v60 =	vmul.f32 $1.906521540e-05, v53;
	v37 =	vsub.f32 $7.998575460e-03, v56  }
0x271: {  	[tilespmem:s29+$0x8640] =	vst v29;
	v4 =	vmul.f32 v4, v58;
	v38 =	vadd.f32 $1.258291200e+07, v57;
	v34 =	vsub.f32 v48, v55  }
0x272: {  	[tilespmem:s29+$0x8610] =	vst v27;
	v30 =	vmul.f32 v2, v58;
	v31 =	vsub.f32 $9.994501470e-01, v61;
	v62 =	vadd.f32 v60, v33  }
0x273: {  	[tilespmem:s29+$0x8650] =	vst v26;
	v39 =	vmul.f32 v37, v53;
	v40 =	vadd.f32 $-1.258291200e+07, v38;
	v6 =	vsub.f32 v34, v6  }
0x274: {  	[tilespmem:s29+$0x8620] =	vst v35;
	v60 =	vmul.f32 v49, v22;
	v47 =	vmul.f32 v62, v53  }
0x275: {  	[tilespmem:s29+$0x8660] =	vst v25;
	v63 =	vld [tilespmem:s29+$0x820];
	v51 =	vadd.f32 v39, v31;
	v52 =	vmul.f32 $6.281250000e+00, v40;
	v48 =	vmul.f32 v6, v6  }
0x276: {  	v11 =	vsub.f32 $9.999710910e-01, v11;
	v57 =	vmul.f32 $1.935307170e-03, v40;
	v61 =	vmul.f32 $1.591549370e-01, v60  }
0x277: {  	[tilespmem:s29+$0x8630] =	vst v24;
	v31 =	vld [tilespmem:s29+$0x8E0];
	v0 =	vmul.f32 v51, v0;
	v56 =	vsub.f32 v36, v52;
	v55 =	vmul.f32 $1.477404440e-04, v48  }
0x278: {  	[tilespmem:s29+$0x8670] =	vst v23;
	v53 =	vadd.f32 v47, v11;
	v58 =	vmul.f32 v48, v48;
	v23 =	vmul.f32 $1.658384350e-01, v48  }
0x279: {  	[tilespmem:s29+$0x8680] =	vst v20;
	v20 =	vmul.f32 $1.344106860e-03, v48;
	v32 =	vmul.f32 $4.998376070e-01, v48;
	v25 =	vsub.f32 v56, v57  }
0x27a: {  	[tilespmem:s29+$0x86C0] =	vst v21;
	v2 =	vmul.f32 v53, v63;
	v0 =	vmul.f32 v0, v63  }
0x27b: {  	[tilespmem:s29+$0x8690] =	vst v19;
	v11 =	vsub.f32 $7.998575460e-03, v55;
	v21 =	vsub.f32 $9.994501470e-01, v23;
	v23 =	vmul.f32 v25, v25  }
0x27c: {  	[tilespmem:s29+$0x86D0] =	vst v18;
	v62 =	vsub.f32 $4.152230550e-02, v20;
	v20 =	vmul.f32 $1.906521540e-05, v58;
	v40 =	vmul.f32 v31, v22  }
0x27d: {  	[tilespmem:s29+$0x86A0] =	vst v16;
	v16 =	vsub.f32 $9.999710910e-01, v32;
	v11 =	vmul.f32 v11, v58;
	v63 =	vmul.f32 $1.477404440e-04, v23  }
0x27e: {  	[tilespmem:s29+$0x86E0] =	vst v17;
	v19 =	vadd.f32 v20, v62;
	v20 =	vmul.f32 v23, v23;
	v33 =	vmul.f32 $1.658384350e-01, v23  }
0x27f: {  	[tilespmem:s29+$0x86B0] =	vst v14;
	v39 =	vmul.f32 $1.344106860e-03, v23;
	v11 =	vadd.f32 v11, v21;
	v21 =	vadd.f32 $1.258291200e+07, v61  }
0x280: {  	v35 =	vld [tilespmem:s29+$0x830];
	[tilespmem:s29+$0x8700] =	vst v12;
	v34 =	vmul.f32 v19, v58;
	v61 =	vmul.f32 $4.998376070e-01, v23;
	v18 =	vsub.f32 $7.998575460e-03, v63  }
0x281: {  	v47 =	vld [tilespmem:s29+$0x8F0];
	v12 =	vsub.f32 $4.152230550e-02, v39;
	v52 =	vmul.f32 $1.906521540e-05, v20;
	v21 =	vadd.f32 $-1.258291200e+07, v21  }
0x282: {  	[tilespmem:s29+$0x86F0] =	vst v15;
	v36 =	vsub.f32 $9.994501470e-01, v33;
	v6 =	vmul.f32 v11, v6;
	v11 =	vadd.f32 v34, v16  }
0x283: {  	v26 =	vld [tilespmem:s29+$0x880];
	[tilespmem:s29+$0x8740] =	vst v13;
	v37 =	vmul.f32 v18, v20;
	v12 =	vadd.f32 v52, v12;
	v38 =	vmul.f32 $6.281250000e+00, v21  }
0x284: {  	v15 =	vsub.f32 $9.999710910e-01, v61;
	v51 =	vmul.f32 $1.935307170e-03, v21;
	v21 =	vmul.f32 $1.591549370e-01, v40  }
0x285: {  	[tilespmem:s29+$0x8710] =	vst v10;
	v53 =	vmul.f32 v11, v35;
	v12 =	vmul.f32 v12, v20;
	v49 =	vsub.f32 v60, v38  }
0x286: {  	[tilespmem:s29+$0x8750] =	vst v9;
	v48 =	vadd.f32 v37, v36;
	v57 =	vadd.f32 $1.258291200e+07, v21;
	v60 =	vmul.f32 v47, v22  }
0x287: {  	[tilespmem:s29+$0x8720] =	vst v8;
	v6 =	vmul.f32 v6, v35;
	v12 =	vadd.f32 v12, v15;
	v55 =	vsub.f32 v49, v51  }
0x288: {  	[tilespmem:s29+$0x8760] =	vst v50;
	v56 =	vmul.f32 v48, v25;
	v13 =	vadd.f32 $-1.258291200e+07, v57;
	v63 =	vmul.f32 $1.591549370e-01, v60  }
0x289: {  	[tilespmem:s29+$0x8730] =	vst v7;
	v12 =	vmul.f32 v12, v26;
	v58 =	vmul.f32 v55, v55  }
0x28a: {  	[tilespmem:s29+$0x8780] =	vst v3;
	v3 =	vmul.f32 v56, v26;
	v25 =	vmul.f32 $6.281250000e+00, v13  }
0x28b: {  	[tilespmem:s29+$0x8770] =	vst v54;
	v17 =	vadd.f32 $1.258291200e+07, v63;
	v31 =	vmul.f32 $1.935307170e-03, v13;
	v62 =	vmul.f32 $1.477404440e-04, v58  }
0x28c: {  	[tilespmem:s29+$0x87C0] =	vst v5;
	v20 =	vmul.f32 v58, v58;
	v16 =	vsub.f32 v40, v25;
	v28 =	vmul.f32 $1.344106860e-03, v58  }
0x28d: {  	[tilespmem:s29+$0x8790] =	vst v1;
	v24 =	vmul.f32 $1.658384350e-01, v58;
	v32 =	vadd.f32 $-1.258291200e+07, v17;
	v7 =	vsub.f32 $7.998575460e-03, v62  }
0x28e: {  	[tilespmem:s29+$0x87A0] =	vst v45;
	v33 =	vsub.f32 $4.152230550e-02, v28;
	v34 =	vmul.f32 $1.906521540e-05, v20;
	v35 =	vsub.f32 v16, v31  }
0x28f: {  	[tilespmem:s29+$0x87E0] =	vst v59;
	v8 =	vmul.f32 $4.998376070e-01, v58;
	v27 =	vsub.f32 $9.994501470e-01, v24;
	v36 =	vmul.f32 $6.281250000e+00, v32  }
0x290: {  	[tilespmem:s29+$0x87D0] =	vst v44;
	v29 =	vmul.f32 v7, v20;
	v15 =	vadd.f32 v34, v33;
	v37 =	vmul.f32 v35, v35  }
0x291: {  	[tilespmem:s29+$0x87B0] =	vst v46;
	v13 =	vmul.f32 $1.935307170e-03, v32;
	v8 =	vsub.f32 $9.999710910e-01, v8;
	v7 =	vsub.f32 v60, v36  }
0x292: {  	[tilespmem:s29+$0x87F0] =	vst v41;
	v1 =	vadd.f32 v29, v27;
	v38 =	vmul.f32 v15, v20;
	v39 =	vmul.f32 $1.477404440e-04, v37  }
0x293: {  	[tilespmem:s29+$0x8840] =	vst v43;
	v7 =	vsub.f32 v7, v13;
	v40 =	vmul.f32 v37, v37;
	v41 =	vmul.f32 $1.344106860e-03, v37  }
0x294: {  	[tilespmem:s29+$0x8800] =	vst v42;
	v42 =	vmul.f32 $1.658384350e-01, v37;
	v14 =	vmul.f32 $4.998376070e-01, v37  }
0x295: {  	[tilespmem:s29+$0x8810] =	vst v4;
	v47 =	vld [tilespmem:s29+$0x890];
	v1 =	vmul.f32 v1, v55;
	v8 =	vadd.f32 v38, v8;
	v43 =	vmul.f32 v7, v7  }
0x296: {  	v11 =	vsub.f32 $7.998575460e-03, v39;
	v13 =	vsub.f32 $4.152230550e-02, v41;
	v44 =	vmul.f32 $1.906521540e-05, v40  }
0x297: {  	[tilespmem:s29+$0x8850] =	vst v30;
	v4 =	vsub.f32 $9.994501470e-01, v42;
	v45 =	vmul.f32 v43, v43;
	v46 =	vmul.f32 $1.344106860e-03, v43  }
0x298: {  	[tilespmem:s29+$0x8820] =	vst v2;
	v14 =	vsub.f32 $9.999710910e-01, v14;
	v11 =	vmul.f32 v11, v40;
	v48 =	vmul.f32 $1.477404440e-04, v43  }
0x299: {  	v50 =	vld [tilespmem:s29+$0x8A0];
	[tilespmem:s29+$0x8830] =	vst v53;
	v13 =	vadd.f32 v44, v13;
	v18 =	vsub.f32 $4.152230550e-02, v46;
	v49 =	vmul.f32 $1.906521540e-05, v45  }
0x29a: {  	v51 =	vmul.f32 $1.658384350e-01, v43;
	v53 =	vmul.f32 $4.998376070e-01, v43;
	v16 =	vsub.f32 $7.998575460e-03, v48  }
0x29b: {  	[tilespmem:s29+$0x8860] =	vst v0;
	v8 =	vmul.f32 v8, v47;
	v9 =	vmul.f32 v13, v40;
	v52 =	vadd.f32 v49, v18  }
0x29c: {  	[tilespmem:s29+$0x8870] =	vst v6;
	v55 =	vld [tilespmem:s29+$0x8B0];
	v4 =	vadd.f32 v11, v4;
	v13 =	vsub.f32 $9.994501470e-01, v51;
	v56 =	vmul.f32 v16, v45  }
0x29d: {  	[tilespmem:s29+$0x8880] =	vst v12;
	v11 =	vsub.f32 $9.999710910e-01, v53;
	v54 =	vadd.f32 v9, v14;
	v10 =	vmul.f32 v52, v45  }
0x29e: {  	[tilespmem:s29+$0x88C0] =	vst v3;
	v1 =	vmul.f32 v1, v47;
	v57 =	vmul.f32 v4, v35;
	v58 =	vadd.f32 v56, v13  }
0x29f: {  	p1 =	slt.u32 s28, $0x70;
	[tilespmem:s29+$0x8890] =	vst v8;
	v60 =	vmul.f32 v54, v50;
	v59 =	vadd.f32 v10, v11  }
.Ltmp0:
0x2a0: {  	[tilespmem:s29+$0x88D0] =	vst v1;
	v0 =	vmul.f32 v57, v50;
	v61 =	vmul.f32 v58, v7;
	(pc) =	sbr.rel @p1 .LBB2_3-.Ltmp0, $4  }
0x2a1: {  	[tilespmem:s29+$0x88A0] =	vst v60;
	v62 =	vmul.f32 v59, v55  }
0x2a2: {  	[tilespmem:s29+$0x88E0] =	vst v0;
	v63 =	vmul.f32 v61, v55  }
0x2a3: {  	[tilespmem:s29+$0x88B0] =	vst v62  }
0x2a4: {  	s28 =	sadd.s32 $0x10, s28;
	[tilespmem:s29+$0x88F0] =	vst v63  }
0x2a5: {  	s26 =	smul.u32 $0x6400, s26;
	p1 =	sne.s32 s22, $0x18  }
.Ltmp1:
0x2a6: {  	s25 =	sshll.u32 s25, $0x7;
	(pc) =	sbr.rel @p1 .LBB2_6-.Ltmp1, $4  }
0x2a7: {  	s26 =	sadd.s32 s25, s26  }
0x2a8: {  	s26 =	sshrl.u32 s26, $0x3  }
0x2a9: {  	s26 =	sadd.s32 s4, s26  }
0x2aa: {  	[hbm4b:s26+s11] =	stream.strided.scatter [tilespmem:s16], [sflag:$0x3], $0x4000, s15, s11, $0x38;
	[tilespmem:$0x10100] =	vst v63  }
.Ltmp2:
0x2ab: {  	(pc) =	sbr.rel .LBB2_7-.Ltmp2, $4  }
0x2ac: {  	_ = 	snop  }
0x2ad: {  	_ =	swait.ge [sflag:s17], $0x4000  }
0x2ae: {  	[sflag:s17] =	ssyncset.done $0x0  }
0x2af: {  	[sflag:s17] =	ssyncadd.s32 $0xFFFFC000  }
.LBB2_6:
0x2b0: {  	s24 =	sshll.u32 s24, $0x4  }
0x2b1: {  	s24 =	sadd.s32 s24, s8  }
0x2b2: {  	[tilespmem:s5], [sflag:$0x5] =	stream.linear.gather [hbm4b:s24+s5], $0x80, $0x38;
	[tilespmem:$0x10100] =	vst v63  }
0x2b3: {  	_ =	swait.ge [sflag:s10], $0x80  }
0x2b4: {  	[sflag:s10] =	ssyncset.done $0x0  }
.Ltmp3:
0x2b5: {  	[sflag:s10] =	ssyncadd.s32 $0xFFFFFF80;
	(pc) =	sbr.rel @p0 .LBB2_8-.Ltmp3, $4  }
0x2b6: {  	[tilespmem:s12], [sflag:$0x1] =	stream.indirect.gather [hbm4b:s3+s11], $0x80, s5, s11, $0xb8;
	[tilespmem:$0x10100] =	vst v63  }
0x2b7: {  	_ =	swait.ge [sflag:s17], $0x4000  }
0x2b8: {  	[sflag:s17] =	ssyncset.done $0x0  }
0x2b9: {  	[sflag:s17] =	ssyncadd.s32 $0xFFFFC000  }
.LBB2_7:
0x2ba: {  	_ =	swait.ge [sflag:s18], $0x4000  }
0x2bb: {  	[sflag:s18] =	ssyncset.done $0x0  }
0x2bc: {  	[sflag:s18] =	ssyncadd.s32 $0xFFFFC000  }
.LBB2_8:
0x2bd: {  	s24 =	simm.s32 $0x0  }
.LBB2_9:
0x2be: {  	s26 =	sshll.u32 s24, $0x7  }
0x2bf: {  	v0 =	vld [tilespmem:s26+$0x4140];
	_ =	sdelay $0x4  }
0x2c0: {  	v0 =	vmul.f32 v0, v22;
	_ =	sdelay $0x1  }
0x2c1: {  	v1 =	vmul.f32 $1.591549370e-01, v0;
	_ =	sdelay $0x1  }
0x2c2: {  	v1 =	vadd.f32 $1.258291200e+07, v1  }
0x2c3: {  	v2 =	vld [tilespmem:s26+$0x4150]  }
0x2c4: {  	v1 =	vadd.f32 $-1.258291200e+07, v1  }
0x2c5: {  	v4 =	vld [tilespmem:s26+$0x4160]  }
0x2c6: {  	v3 =	vmul.f32 $6.281250000e+00, v1;
	_ =	sdelay $0x1  }
0x2c7: {  	v2 =	vmul.f32 v2, v22;
	v1 =	vmul.f32 $1.935307170e-03, v1;
	v0 =	vsub.f32 v0, v3;
	_ =	sdelay $0x1  }
0x2c8: {  	v4 =	vmul.f32 v4, v22;
	v17 =	vmul.f32 $1.591549370e-01, v2;
	v0 =	vsub.f32 v0, v1;
	_ =	sdelay $0x1  }
0x2c9: {  	v24 =	vmul.f32 $1.591549370e-01, v4;
	v1 =	vadd.f32 $1.258291200e+07, v17;
	v18 =	vmul.f32 v0, v0;
	_ =	sdelay $0x1  }
0x2ca: {  	v26 =	vadd.f32 $1.258291200e+07, v24;
	v1 =	vadd.f32 $-1.258291200e+07, v1;
	v5 =	vmul.f32 v18, v18  }
0x2cb: {  	v28 =	vld [tilespmem:s26+$0x4170];
	v6 =	vmul.f32 $1.344106860e-03, v18;
	v8 =	vmul.f32 $1.477404440e-04, v18  }
0x2cc: {  	v43 =	vld [tilespmem:s26+$0x41C0];
	v29 =	vadd.f32 $-1.258291200e+07, v26;
	v7 =	vmul.f32 $1.658384350e-01, v18;
	v10 =	vmul.f32 $6.281250000e+00, v1  }
0x2cd: {  	v6 =	vsub.f32 $4.152230550e-02, v6;
	v9 =	vmul.f32 $1.906521540e-05, v5;
	v8 =	vsub.f32 $7.998575460e-03, v8  }
0x2ce: {  	v32 =	vmul.f32 $6.281250000e+00, v29;
	v1 =	vmul.f32 $1.935307170e-03, v1;
	v2 =	vsub.f32 v2, v10  }
0x2cf: {  	v7 =	vsub.f32 $9.994501470e-01, v7;
	v6 =	vadd.f32 v9, v6;
	v8 =	vmul.f32 v8, v5  }
0x2d0: {  	v3 =	vmul.f32 $4.998376070e-01, v18;
	v1 =	vsub.f32 v2, v1;
	v2 =	vmul.f32 $1.935307170e-03, v29  }
0x2d1: {  	v9 =	vmul.f32 v43, v22;
	v5 =	vmul.f32 v6, v5;
	v25 =	vadd.f32 v8, v7  }
0x2d2: {  	v19 =	vld [tilespmem:s26+$0x4100];
	v4 =	vsub.f32 v4, v32;
	v27 =	vmul.f32 v1, v1;
	v7 =	vmul.f32 v28, v22  }
0x2d3: {  	v3 =	vsub.f32 $9.999710910e-01, v3;
	v49 =	vmul.f32 $1.591549370e-01, v9;
	v0 =	vmul.f32 v25, v0  }
0x2d4: {  	v2 =	vsub.f32 v4, v2;
	v30 =	vmul.f32 v27, v27;
	v31 =	vmul.f32 $1.658384350e-01, v27  }
0x2d5: {  	v3 =	vadd.f32 v5, v3;
	v33 =	vmul.f32 $1.477404440e-04, v27;
	v11 =	vmul.f32 $1.344106860e-03, v27  }
0x2d6: {  	v38 =	vmul.f32 $1.591549370e-01, v7;
	v5 =	vmul.f32 $4.998376070e-01, v27  }
0x2d7: {  	v42 =	vmul.f32 v2, v2;
	v50 =	vadd.f32 $1.258291200e+07, v49;
	v35 =	vmul.f32 v3, v19  }
0x2d8: {  	v34 =	vsub.f32 $7.998575460e-03, v33;
	v36 =	vsub.f32 $4.152230550e-02, v11;
	v37 =	vmul.f32 $1.906521540e-05, v30  }
0x2d9: {  	v6 =	vsub.f32 $9.994501470e-01, v31;
	v41 =	vmul.f32 v0, v19;
	v4 =	vadd.f32 $1.258291200e+07, v38  }
0x2da: {  	v5 =	vsub.f32 $9.999710910e-01, v5;
	v44 =	vmul.f32 v42, v42;
	v45 =	vmul.f32 $1.344106860e-03, v42  }
0x2db: {  	v46 =	vmul.f32 $1.658384350e-01, v42;
	v47 =	vmul.f32 $1.477404440e-04, v42;
	v54 =	vadd.f32 $-1.258291200e+07, v50  }
0x2dc: {  	v0 =	vmul.f32 $4.998376070e-01, v42;
	v10 =	vadd.f32 v37, v36;
	v4 =	vadd.f32 $-1.258291200e+07, v4  }
0x2dd: {  	v14 =	vld [tilespmem:s26+$0x4110];
	v8 =	vmul.f32 v34, v30;
	v12 =	vmul.f32 $1.906521540e-05, v44;
	v11 =	vsub.f32 $7.998575460e-03, v47  }
0x2de: {  	v52 =	vld [tilespmem:s26+$0x41D0];
	v3 =	vmul.f32 v10, v30;
	v10 =	vsub.f32 $4.152230550e-02, v45;
	v13 =	vmul.f32 $6.281250000e+00, v4  }
0x2df: {  	v63 =	vld [tilespmem:s26+$0x41E0];
	v0 =	vsub.f32 $9.999710910e-01, v0;
	v6 =	vadd.f32 v8, v6;
	v4 =	vmul.f32 $1.935307170e-03, v4  }
0x2e0: {  	v11 =	vmul.f32 v11, v44;
	v10 =	vadd.f32 v12, v10;
	v7 =	vsub.f32 v7, v13  }
0x2e1: {  	v3 =	vadd.f32 v3, v5;
	v5 =	vsub.f32 $9.994501470e-01, v46;
	v1 =	vmul.f32 v6, v1  }
0x2e2: {  	v48 =	vld [tilespmem:s26+$0x4120];
	v6 =	vmul.f32 $6.281250000e+00, v54;
	v8 =	vmul.f32 v10, v44;
	v4 =	vsub.f32 v7, v4  }
0x2e3: {  	v5 =	vadd.f32 v11, v5;
	v42 =	vmul.f32 v3, v14;
	v43 =	vmul.f32 v1, v14  }
0x2e4: {  	v7 =	vmul.f32 v52, v22;
	v10 =	vmul.f32 v63, v22  }
0x2e5: {  	v0 =	vadd.f32 v8, v0;
	v51 =	vmul.f32 v4, v4;
	v53 =	vmul.f32 v5, v2  }
0x2e6: {  	v2 =	vmul.f32 $1.935307170e-03, v54;
	v61 =	vmul.f32 $1.591549370e-01, v7  }
0x2e7: {  	v28 =	vmul.f32 $1.591549370e-01, v10;
	v44 =	vmul.f32 v0, v48  }
0x2e8: {  	v6 =	vsub.f32 v9, v6;
	v55 =	vmul.f32 v51, v51;
	v56 =	vmul.f32 $1.658384350e-01, v51  }
0x2e9: {  	v57 =	vmul.f32 $1.477404440e-04, v51;
	v58 =	vmul.f32 $1.344106860e-03, v51  }
0x2ea: {  	v2 =	vsub.f32 v6, v2;
	v3 =	vmul.f32 $4.998376070e-01, v51;
	v6 =	vadd.f32 $1.258291200e+07, v61  }
0x2eb: {  	v45 =	vmul.f32 v53, v48;
	v29 =	vadd.f32 $1.258291200e+07, v28;
	v8 =	vsub.f32 $7.998575460e-03, v57  }
0x2ec: {  	v59 =	vsub.f32 $4.152230550e-02, v58;
	v5 =	vsub.f32 $9.994501470e-01, v56;
	v62 =	vmul.f32 v2, v2  }
0x2ed: {  	v60 =	vmul.f32 $1.906521540e-05, v55;
	v3 =	vsub.f32 $9.999710910e-01, v3;
	v6 =	vadd.f32 $-1.258291200e+07, v6  }
0x2ee: {  	v33 =	vadd.f32 $-1.258291200e+07, v29;
	v8 =	vmul.f32 v8, v55;
	v16 =	vmul.f32 v62, v62  }
0x2ef: {  	v9 =	vadd.f32 v60, v59;
	v17 =	vmul.f32 $1.344106860e-03, v62;
	v18 =	vmul.f32 $1.658384350e-01, v62  }
0x2f0: {  	v32 =	vld [tilespmem:s26+$0x41F0];
	v19 =	vmul.f32 $1.477404440e-04, v62;
	v25 =	vmul.f32 $6.281250000e+00, v6;
	v5 =	vadd.f32 v8, v5  }
0x2f1: {  	v26 =	vld [tilespmem:s26+$0x4130];
	v0 =	vmul.f32 v9, v55;
	v9 =	vsub.f32 $4.152230550e-02, v17;
	v24 =	vmul.f32 $1.906521540e-05, v16  }
0x2f2: {  	v1 =	vmul.f32 $4.998376070e-01, v62;
	v11 =	vsub.f32 $7.998575460e-03, v19;
	v7 =	vsub.f32 v7, v25  }
0x2f3: {  	v49 =	vld [tilespmem:s26+$0x4240];
	v6 =	vmul.f32 $1.935307170e-03, v6;
	v0 =	vadd.f32 v0, v3;
	v9 =	vadd.f32 v24, v9  }
0x2f4: {  	v3 =	vsub.f32 $9.994501470e-01, v18;
	v11 =	vmul.f32 v11, v16;
	v4 =	vmul.f32 v5, v4  }
0x2f5: {  	v6 =	vsub.f32 v7, v6;
	v5 =	vmul.f32 $6.281250000e+00, v33;
	v7 =	vmul.f32 v32, v22  }
0x2f6: {  	v8 =	vmul.f32 v9, v16;
	v0 =	vmul.f32 v0, v26  }
0x2f7: {  	v3 =	vadd.f32 v11, v3;
	v31 =	vmul.f32 v6, v6;
	v47 =	vmul.f32 v4, v26  }
0x2f8: {  	v5 =	vsub.f32 v10, v5;
	v40 =	vmul.f32 $1.591549370e-01, v7;
	v10 =	vmul.f32 v49, v22  }
0x2f9: {  	v27 =	vld [tilespmem:s26+$0x4180];
	v2 =	vmul.f32 v3, v2;
	v34 =	vmul.f32 v31, v31  }
0x2fa: {  	v1 =	vsub.f32 $9.999710910e-01, v1;
	v36 =	vmul.f32 $1.658384350e-01, v31;
	v37 =	vmul.f32 $1.477404440e-04, v31  }
0x2fb: {  	v38 =	vmul.f32 $1.344106860e-03, v31;
	v3 =	vmul.f32 $1.935307170e-03, v33  }
0x2fc: {  	v30 =	vadd.f32 v8, v1;
	v1 =	vmul.f32 $4.998376070e-01, v31;
	v58 =	vmul.f32 $1.591549370e-01, v10  }
0x2fd: {  	v8 =	vsub.f32 $7.998575460e-03, v37;
	v9 =	vsub.f32 $4.152230550e-02, v38;
	v39 =	vmul.f32 $1.906521540e-05, v34  }
0x2fe: {  	v46 =	vmul.f32 v30, v27;
	v4 =	vsub.f32 $9.994501470e-01, v36;
	v3 =	vsub.f32 v5, v3  }
0x2ff: {  	v2 =	vmul.f32 v2, v27;
	v5 =	vadd.f32 $1.258291200e+07, v40;
	v9 =	vadd.f32 v39, v9  }
0x300: {  	v1 =	vsub.f32 $9.999710910e-01, v1;
	v59 =	vadd.f32 $1.258291200e+07, v58;
	v48 =	vmul.f32 v3, v3  }
0x301: {  	[tilespmem:$0x1F980] =	vst v0;
	v8 =	vmul.f32 v8, v34;
	v5 =	vadd.f32 $-1.258291200e+07, v5;
	v0 =	vmul.f32 v9, v34  }
0x302: {  	v56 =	vld [tilespmem:s26+$0x4190];
	v63 =	vadd.f32 $-1.258291200e+07, v59;
	v50 =	vmul.f32 v48, v48;
	v51 =	vmul.f32 $1.344106860e-03, v48  }
0x303: {  	v62 =	vld [tilespmem:s26+$0x4250];
	v4 =	vadd.f32 v8, v4;
	v52 =	vmul.f32 $1.658384350e-01, v48;
	v53 =	vmul.f32 $1.477404440e-04, v48  }
0x304: {  	v24 =	vld [tilespmem:s26+$0x4260];
	[tilespmem:$0x1F990] =	vst v2;
	v55 =	vmul.f32 $6.281250000e+00, v5;
	v2 =	vmul.f32 $4.998376070e-01, v48;
	v0 =	vadd.f32 v0, v1  }
0x305: {  	v9 =	vsub.f32 $4.152230550e-02, v51;
	v54 =	vmul.f32 $1.906521540e-05, v50;
	v11 =	vsub.f32 $7.998575460e-03, v53  }
0x306: {  	v5 =	vmul.f32 $1.935307170e-03, v5;
	v7 =	vsub.f32 v7, v55;
	v1 =	vsub.f32 $9.994501470e-01, v52  }
0x307: {  	v4 =	vmul.f32 v4, v6;
	v6 =	vmul.f32 $6.281250000e+00, v63;
	v9 =	vadd.f32 v54, v9  }
0x308: {  	v11 =	vmul.f32 v11, v50;
	v5 =	vsub.f32 v7, v5;
	v0 =	vmul.f32 v0, v56  }
0x309: {  	v4 =	vmul.f32 v4, v56;
	v6 =	vsub.f32 v10, v6;
	v7 =	vmul.f32 v62, v22  }
0x30a: {  	v10 =	vmul.f32 v24, v22;
	v8 =	vmul.f32 v9, v50;
	v1 =	vadd.f32 v11, v1  }
0x30b: {  	v61 =	vmul.f32 v5, v5;
	v18 =	vmul.f32 $1.591549370e-01, v7  }
0x30c: {  	v57 =	vld [tilespmem:s26+$0x41A0];
	v33 =	vmul.f32 $1.591549370e-01, v10;
	v1 =	vmul.f32 v1, v3  }
0x30d: {  	v2 =	vsub.f32 $9.999710910e-01, v2;
	v13 =	vmul.f32 v61, v61;
	v14 =	vmul.f32 $1.658384350e-01, v61  }
0x30e: {  	v15 =	vmul.f32 $1.477404440e-04, v61;
	v16 =	vmul.f32 $1.344106860e-03, v61  }
0x30f: {  	v60 =	vadd.f32 v8, v2;
	v3 =	vmul.f32 $1.935307170e-03, v63;
	v2 =	vmul.f32 $4.998376070e-01, v61  }
0x310: {  	v34 =	vadd.f32 $1.258291200e+07, v33;
	v9 =	vsub.f32 $4.152230550e-02, v16;
	v17 =	vmul.f32 $1.906521540e-05, v13  }
0x311: {  	[tilespmem:$0x1F9A0] =	vst v0;
	v0 =	vmul.f32 v60, v57;
	v8 =	vsub.f32 $7.998575460e-03, v15;
	v3 =	vsub.f32 v6, v3  }
0x312: {  	[tilespmem:$0x1F9B0] =	vst v4;
	v4 =	vsub.f32 $9.994501470e-01, v14;
	v1 =	vmul.f32 v1, v57;
	v9 =	vadd.f32 v17, v9  }
0x313: {  	v6 =	vadd.f32 $1.258291200e+07, v18;
	v2 =	vsub.f32 $9.999710910e-01, v2;
	v19 =	vmul.f32 v3, v3  }
0x314: {  	v39 =	vadd.f32 $-1.258291200e+07, v34;
	[tilespmem:$0x1F9C0] =	vst v0;
	v8 =	vmul.f32 v8, v13;
	v0 =	vmul.f32 v9, v13  }
0x315: {  	v31 =	vld [tilespmem:s26+$0x41B0];
	v6 =	vadd.f32 $-1.258291200e+07, v6;
	v25 =	vmul.f32 v19, v19;
	v26 =	vmul.f32 $1.344106860e-03, v19  }
0x316: {  	v38 =	vld [tilespmem:s26+$0x4270];
	v4 =	vadd.f32 v8, v4;
	v27 =	vmul.f32 $1.658384350e-01, v19;
	v28 =	vmul.f32 $1.477404440e-04, v19  }
0x317: {  	v54 =	vld [tilespmem:s26+$0x42C0];
	[tilespmem:$0x1F9D0] =	vst v1;
	v30 =	vmul.f32 $6.281250000e+00, v6;
	v1 =	vmul.f32 $4.998376070e-01, v19;
	v0 =	vadd.f32 v0, v2  }
0x318: {  	v9 =	vsub.f32 $4.152230550e-02, v26;
	v29 =	vmul.f32 $1.906521540e-05, v25;
	v11 =	vsub.f32 $7.998575460e-03, v28  }
0x319: {  	v6 =	vmul.f32 $1.935307170e-03, v6;
	v7 =	vsub.f32 v7, v30;
	v2 =	vsub.f32 $9.994501470e-01, v27  }
0x31a: {  	v4 =	vmul.f32 v4, v5;
	v5 =	vmul.f32 $6.281250000e+00, v39;
	v9 =	vadd.f32 v29, v9  }
0x31b: {  	v11 =	vmul.f32 v11, v25;
	v6 =	vsub.f32 v7, v6;
	v0 =	vmul.f32 v0, v31  }
0x31c: {  	v4 =	vmul.f32 v4, v31;
	v5 =	vsub.f32 v10, v5;
	v7 =	vmul.f32 v38, v22  }
0x31d: {  	v10 =	vmul.f32 v54, v22;
	v8 =	vmul.f32 v9, v25;
	v2 =	vadd.f32 v11, v2  }
0x31e: {  	v37 =	vmul.f32 v6, v6;
	v52 =	vmul.f32 $1.591549370e-01, v7  }
0x31f: {  	v32 =	vld [tilespmem:s26+$0x4200];
	v63 =	vmul.f32 $1.591549370e-01, v10;
	v2 =	vmul.f32 v2, v3  }
0x320: {  	v1 =	vsub.f32 $9.999710910e-01, v1;
	v40 =	vmul.f32 v37, v37;
	v48 =	vmul.f32 $1.658384350e-01, v37  }
0x321: {  	v49 =	vmul.f32 $1.477404440e-04, v37;
	v50 =	vmul.f32 $1.344106860e-03, v37  }
0x322: {  	v36 =	vadd.f32 v8, v1;
	v3 =	vmul.f32 $1.935307170e-03, v39;
	v1 =	vmul.f32 $4.998376070e-01, v37  }
0x323: {  	v13 =	vadd.f32 $1.258291200e+07, v63;
	v9 =	vsub.f32 $4.152230550e-02, v50;
	v51 =	vmul.f32 $1.906521540e-05, v40  }
0x324: {  	[tilespmem:$0x1F9E0] =	vst v0;
	v0 =	vmul.f32 v36, v32;
	v8 =	vsub.f32 $7.998575460e-03, v49;
	v3 =	vsub.f32 v5, v3  }
0x325: {  	[tilespmem:$0x1F9F0] =	vst v4;
	v4 =	vsub.f32 $9.994501470e-01, v48;
	v2 =	vmul.f32 v2, v32;
	v9 =	vadd.f32 v51, v9  }
0x326: {  	v5 =	vadd.f32 $1.258291200e+07, v52;
	v1 =	vsub.f32 $9.999710910e-01, v1;
	v53 =	vmul.f32 v3, v3  }
0x327: {  	v18 =	vadd.f32 $-1.258291200e+07, v13;
	[tilespmem:$0x1FA00] =	vst v0;
	v8 =	vmul.f32 v8, v40;
	v0 =	vmul.f32 v9, v40  }
0x328: {  	v61 =	vld [tilespmem:s26+$0x4210];
	v5 =	vadd.f32 $-1.258291200e+07, v5;
	v55 =	vmul.f32 v53, v53;
	v56 =	vmul.f32 $1.344106860e-03, v53  }
0x329: {  	v17 =	vld [tilespmem:s26+$0x42D0];
	v4 =	vadd.f32 v8, v4;
	v57 =	vmul.f32 $1.658384350e-01, v53;
	v58 =	vmul.f32 $1.477404440e-04, v53  }
0x32a: {  	v30 =	vld [tilespmem:s26+$0x42E0];
	[tilespmem:$0x1FA10] =	vst v2;
	v60 =	vmul.f32 $6.281250000e+00, v5;
	v2 =	vmul.f32 $4.998376070e-01, v53;
	v0 =	vadd.f32 v0, v1  }
0x32b: {  	v9 =	vsub.f32 $4.152230550e-02, v56;
	v59 =	vmul.f32 $1.906521540e-05, v55;
	v11 =	vsub.f32 $7.998575460e-03, v58  }
0x32c: {  	v5 =	vmul.f32 $1.935307170e-03, v5;
	v7 =	vsub.f32 v7, v60;
	v1 =	vsub.f32 $9.994501470e-01, v57  }
0x32d: {  	v4 =	vmul.f32 v4, v6;
	v6 =	vmul.f32 $6.281250000e+00, v18;
	v9 =	vadd.f32 v59, v9  }
0x32e: {  	v11 =	vmul.f32 v11, v55;
	v5 =	vsub.f32 v7, v5;
	v0 =	vmul.f32 v0, v61  }
0x32f: {  	v4 =	vmul.f32 v4, v61;
	v6 =	vsub.f32 v10, v6;
	v7 =	vmul.f32 v17, v22  }
0x330: {  	v10 =	vmul.f32 v30, v22;
	v8 =	vmul.f32 v9, v55;
	v1 =	vadd.f32 v11, v1  }
0x331: {  	v16 =	vmul.f32 v5, v5;
	v28 =	vmul.f32 $1.591549370e-01, v7  }
0x332: {  	v62 =	vld [tilespmem:s26+$0x4220];
	v40 =	vmul.f32 $1.591549370e-01, v10;
	v1 =	vmul.f32 v1, v3  }
0x333: {  	v2 =	vsub.f32 $9.999710910e-01, v2;
	v19 =	vmul.f32 v16, v16;
	v24 =	vmul.f32 $1.658384350e-01, v16  }
0x334: {  	v25 =	vmul.f32 $1.477404440e-04, v16;
	v26 =	vmul.f32 $1.344106860e-03, v16  }
0x335: {  	v15 =	vadd.f32 v8, v2;
	v3 =	vmul.f32 $1.935307170e-03, v18;
	v2 =	vmul.f32 $4.998376070e-01, v16  }
0x336: {  	v48 =	vadd.f32 $1.258291200e+07, v40;
	v9 =	vsub.f32 $4.152230550e-02, v26;
	v27 =	vmul.f32 $1.906521540e-05, v19  }
0x337: {  	[tilespmem:$0x1FA20] =	vst v0;
	v0 =	vmul.f32 v15, v62;
	v8 =	vsub.f32 $7.998575460e-03, v25;
	v3 =	vsub.f32 v6, v3  }
0x338: {  	[tilespmem:$0x1FA30] =	vst v4;
	v4 =	vsub.f32 $9.994501470e-01, v24;
	v1 =	vmul.f32 v1, v62;
	v9 =	vadd.f32 v27, v9  }
0x339: {  	v6 =	vadd.f32 $1.258291200e+07, v28;
	v2 =	vsub.f32 $9.999710910e-01, v2;
	v29 =	vmul.f32 v3, v3  }
0x33a: {  	v52 =	vadd.f32 $-1.258291200e+07, v48;
	[tilespmem:$0x1FA40] =	vst v0;
	v8 =	vmul.f32 v8, v19;
	v0 =	vmul.f32 v9, v19  }
0x33b: {  	v38 =	vld [tilespmem:s26+$0x4230];
	v6 =	vadd.f32 $-1.258291200e+07, v6;
	v31 =	vmul.f32 v29, v29;
	v32 =	vmul.f32 $1.344106860e-03, v29  }
0x33c: {  	v51 =	vld [tilespmem:s26+$0x42F0];
	v4 =	vadd.f32 v8, v4;
	v33 =	vmul.f32 $1.658384350e-01, v29;
	v34 =	vmul.f32 $1.477404440e-04, v29  }
0x33d: {  	v60 =	vld [tilespmem:s26+$0x4340];
	[tilespmem:$0x1FA50] =	vst v1;
	v37 =	vmul.f32 $6.281250000e+00, v6;
	v1 =	vmul.f32 $4.998376070e-01, v29;
	v0 =	vadd.f32 v0, v2  }
0x33e: {  	v9 =	vsub.f32 $4.152230550e-02, v32;
	v36 =	vmul.f32 $1.906521540e-05, v31;
	v11 =	vsub.f32 $7.998575460e-03, v34  }
0x33f: {  	v6 =	vmul.f32 $1.935307170e-03, v6;
	v7 =	vsub.f32 v7, v37;
	v2 =	vsub.f32 $9.994501470e-01, v33  }
0x340: {  	v4 =	vmul.f32 v4, v5;
	v5 =	vmul.f32 $6.281250000e+00, v52;
	v9 =	vadd.f32 v36, v9  }
0x341: {  	v11 =	vmul.f32 v11, v31;
	v6 =	vsub.f32 v7, v6;
	v0 =	vmul.f32 v0, v38  }
0x342: {  	v4 =	vmul.f32 v4, v38;
	v5 =	vsub.f32 v10, v5;
	v7 =	vmul.f32 v51, v22  }
0x343: {  	v10 =	vmul.f32 v60, v22;
	v8 =	vmul.f32 v9, v31;
	v2 =	vadd.f32 v11, v2  }
0x344: {  	v50 =	vmul.f32 v6, v6;
	v58 =	vmul.f32 $1.591549370e-01, v7  }
0x345: {  	v39 =	vld [tilespmem:s26+$0x4280];
	v25 =	vmul.f32 $1.591549370e-01, v10;
	v2 =	vmul.f32 v2, v3  }
0x346: {  	v1 =	vsub.f32 $9.999710910e-01, v1;
	v53 =	vmul.f32 v50, v50;
	v54 =	vmul.f32 $1.658384350e-01, v50  }
0x347: {  	v55 =	vmul.f32 $1.477404440e-04, v50;
	v56 =	vmul.f32 $1.344106860e-03, v50  }
0x348: {  	v49 =	vadd.f32 v8, v1;
	v3 =	vmul.f32 $1.935307170e-03, v52;
	v1 =	vmul.f32 $4.998376070e-01, v50  }
0x349: {  	v26 =	vadd.f32 $1.258291200e+07, v25;
	v9 =	vsub.f32 $4.152230550e-02, v56;
	v57 =	vmul.f32 $1.906521540e-05, v53  }
0x34a: {  	[tilespmem:$0x1FA60] =	vst v0;
	v0 =	vmul.f32 v49, v39;
	v8 =	vsub.f32 $7.998575460e-03, v55;
	v3 =	vsub.f32 v5, v3  }
0x34b: {  	[tilespmem:$0x1FA70] =	vst v4;
	v4 =	vsub.f32 $9.994501470e-01, v54;
	v2 =	vmul.f32 v2, v39;
	v9 =	vadd.f32 v57, v9  }
0x34c: {  	v5 =	vadd.f32 $1.258291200e+07, v58;
	v1 =	vsub.f32 $9.999710910e-01, v1;
	v59 =	vmul.f32 v3, v3  }
0x34d: {  	v30 =	vadd.f32 $-1.258291200e+07, v26;
	[tilespmem:$0x1FA80] =	vst v0;
	v8 =	vmul.f32 v8, v53;
	v0 =	vmul.f32 v9, v53  }
0x34e: {  	v19 =	vld [tilespmem:s26+$0x4290];
	v5 =	vadd.f32 $-1.258291200e+07, v5;
	v61 =	vmul.f32 v59, v59;
	v62 =	vmul.f32 $1.344106860e-03, v59  }
0x34f: {  	v29 =	vld [tilespmem:s26+$0x4350];
	v4 =	vadd.f32 v8, v4;
	v63 =	vmul.f32 $1.658384350e-01, v59;
	v16 =	vmul.f32 $1.477404440e-04, v59  }
0x350: {  	v39 =	vld [tilespmem:s26+$0x4360];
	[tilespmem:$0x1FA90] =	vst v2;
	v18 =	vmul.f32 $6.281250000e+00, v5;
	v2 =	vmul.f32 $4.998376070e-01, v59;
	v0 =	vadd.f32 v0, v1  }
0x351: {  	v9 =	vsub.f32 $4.152230550e-02, v62;
	v17 =	vmul.f32 $1.906521540e-05, v61;
	v11 =	vsub.f32 $7.998575460e-03, v16  }
0x352: {  	v5 =	vmul.f32 $1.935307170e-03, v5;
	v7 =	vsub.f32 v7, v18;
	v1 =	vsub.f32 $9.994501470e-01, v63  }
0x353: {  	v4 =	vmul.f32 v4, v6;
	v6 =	vmul.f32 $6.281250000e+00, v30;
	v9 =	vadd.f32 v17, v9  }
0x354: {  	v11 =	vmul.f32 v11, v61;
	v5 =	vsub.f32 v7, v5;
	v0 =	vmul.f32 v0, v19  }
0x355: {  	v4 =	vmul.f32 v4, v19;
	v6 =	vsub.f32 v10, v6;
	v7 =	vmul.f32 v29, v22  }
0x356: {  	v10 =	vmul.f32 v39, v22;
	v8 =	vmul.f32 v9, v61;
	v1 =	vadd.f32 v11, v1  }
0x357: {  	v28 =	vmul.f32 v5, v5;
	v37 =	vmul.f32 $1.591549370e-01, v7  }
0x358: {  	v24 =	vld [tilespmem:s26+$0x42A0];
	v2 =	vsub.f32 $9.999710910e-01, v2;
	v55 =	vmul.f32 $1.591549370e-01, v10;
	v1 =	vmul.f32 v1, v3  }
0x359: {  	v31 =	vmul.f32 v28, v28;
	v32 =	vmul.f32 $1.658384350e-01, v28  }
0x35a: {  	v27 =	vadd.f32 v8, v2;
	v34 =	vmul.f32 $1.344106860e-03, v28;
	v3 =	vmul.f32 $1.935307170e-03, v30  }
0x35b: {  	v33 =	vmul.f32 $1.477404440e-04, v28;
	v2 =	vmul.f32 $4.998376070e-01, v28;
	v56 =	vadd.f32 $1.258291200e+07, v55  }
0x35c: {  	[tilespmem:$0x1FAA0] =	vst v0;
	v9 =	vsub.f32 $4.152230550e-02, v34;
	v36 =	vmul.f32 $1.906521540e-05, v31;
	v3 =	vsub.f32 v6, v3  }
0x35d: {  	[tilespmem:$0x1FAB0] =	vst v4;
	v0 =	vmul.f32 v27, v24;
	v8 =	vsub.f32 $7.998575460e-03, v33;
	v4 =	vsub.f32 $9.994501470e-01, v32  }
0x35e: {  	v6 =	vadd.f32 $1.258291200e+07, v37;
	v9 =	vadd.f32 v36, v9;
	v38 =	vmul.f32 v3, v3  }
0x35f: {  	v1 =	vmul.f32 v1, v24;
	v2 =	vsub.f32 $9.999710910e-01, v2;
	v8 =	vmul.f32 v8, v31  }
0x360: {  	[tilespmem:$0x1FAC0] =	vst v0;
	v6 =	vadd.f32 $-1.258291200e+07, v6;
	v0 =	vmul.f32 v9, v31;
	v40 =	vmul.f32 v38, v38  }
0x361: {  	v53 =	vld [tilespmem:s26+$0x42B0];
	v60 =	vadd.f32 $-1.258291200e+07, v56;
	v48 =	vmul.f32 $1.344106860e-03, v38;
	v49 =	vmul.f32 $1.658384350e-01, v38  }
0x362: {  	v59 =	vld [tilespmem:s26+$0x4370];
	v4 =	vadd.f32 v8, v4;
	v50 =	vmul.f32 $1.477404440e-04, v38;
	v52 =	vmul.f32 $6.281250000e+00, v6  }
0x363: {  	v17 =	vld [tilespmem:s26+$0x43C0];
	[tilespmem:$0x1FAD0] =	vst v1;
	v1 =	vmul.f32 $4.998376070e-01, v38;
	v6 =	vmul.f32 $1.935307170e-03, v6;
	v0 =	vadd.f32 v0, v2  }
0x364: {  	v9 =	vsub.f32 $4.152230550e-02, v48;
	v51 =	vmul.f32 $1.906521540e-05, v40;
	v11 =	vsub.f32 $7.998575460e-03, v50  }
0x365: {  	v7 =	vsub.f32 v7, v52;
	v2 =	vsub.f32 $9.994501470e-01, v49;
	v4 =	vmul.f32 v4, v5  }
0x366: {  	v5 =	vmul.f32 $6.281250000e+00, v60;
	v9 =	vadd.f32 v51, v9;
	v11 =	vmul.f32 v11, v40  }
0x367: {  	v6 =	vsub.f32 v7, v6;
	v0 =	vmul.f32 v0, v53;
	v4 =	vmul.f32 v4, v53  }
0x368: {  	v5 =	vsub.f32 v10, v5;
	v7 =	vmul.f32 v59, v22;
	v10 =	vmul.f32 v17, v22  }
0x369: {  	v54 =	vld [tilespmem:s26+$0x4300];
	v8 =	vmul.f32 v9, v40;
	v2 =	vadd.f32 v11, v2;
	v58 =	vmul.f32 v6, v6  }
0x36a: {  	v1 =	vsub.f32 $9.999710910e-01, v1;
	v15 =	vmul.f32 $1.591549370e-01, v7;
	v30 =	vmul.f32 $1.591549370e-01, v10  }
0x36b: {  	v2 =	vmul.f32 v2, v3;
	v61 =	vmul.f32 v58, v58  }
0x36c: {  	v57 =	vadd.f32 v8, v1;
	v62 =	vmul.f32 $1.658384350e-01, v58;
	v63 =	vmul.f32 $1.477404440e-04, v58  }
0x36d: {  	v13 =	vmul.f32 $1.344106860e-03, v58;
	v3 =	vmul.f32 $1.935307170e-03, v60  }
0x36e: {  	[tilespmem:$0x1FAE0] =	vst v0;
	v1 =	vmul.f32 $4.998376070e-01, v58;
	v31 =	vadd.f32 $1.258291200e+07, v30;
	v0 =	vmul.f32 v57, v54  }
0x36f: {  	v9 =	vsub.f32 $4.152230550e-02, v13;
	v14 =	vmul.f32 $1.906521540e-05, v61;
	v3 =	vsub.f32 v5, v3  }
0x370: {  	v8 =	vsub.f32 $7.998575460e-03, v63;
	v2 =	vmul.f32 v2, v54;
	v34 =	vadd.f32 $-1.258291200e+07, v31  }
0x371: {  	v5 =	vadd.f32 $1.258291200e+07, v15;
	v9 =	vadd.f32 v14, v9;
	v16 =	vmul.f32 v3, v3  }
0x372: {  	[tilespmem:$0x1FAF0] =	vst v4;
	v4 =	vsub.f32 $9.994501470e-01, v62;
	v8 =	vmul.f32 v8, v61;
	v39 =	vmul.f32 $6.281250000e+00, v34  }
0x373: {  	[tilespmem:$0x1FB00] =	vst v0;
	v5 =	vadd.f32 $-1.258291200e+07, v5;
	v0 =	vmul.f32 v9, v61;
	v18 =	vmul.f32 v16, v16  }
0x374: {  	v1 =	vsub.f32 $9.999710910e-01, v1;
	v19 =	vmul.f32 $1.344106860e-03, v16;
	v25 =	vmul.f32 $1.477404440e-04, v16  }
0x375: {  	v28 =	vld [tilespmem:s26+$0x4310];
	v4 =	vadd.f32 v8, v4;
	v24 =	vmul.f32 $1.658384350e-01, v16;
	v27 =	vmul.f32 $6.281250000e+00, v5  }
0x376: {  	v5 =	vmul.f32 $1.935307170e-03, v5;
	v0 =	vadd.f32 v0, v1;
	v11 =	vsub.f32 $7.998575460e-03, v25  }
0x377: {  	v36 =	vld [tilespmem:s26+$0x43D0];
	v9 =	vsub.f32 $4.152230550e-02, v19;
	v26 =	vmul.f32 $1.906521540e-05, v18;
	v7 =	vsub.f32 v7, v27  }
0x378: {  	v1 =	vsub.f32 $9.994501470e-01, v24;
	v4 =	vmul.f32 v4, v6;
	v11 =	vmul.f32 v11, v18  }
0x379: {  	[tilespmem:$0x1FB10] =	vst v2;
	v2 =	vmul.f32 $4.998376070e-01, v16;
	v9 =	vadd.f32 v26, v9;
	v5 =	vsub.f32 v7, v5  }
0x37a: {  	v0 =	vmul.f32 v0, v28;
	v4 =	vmul.f32 v4, v28;
	v1 =	vadd.f32 v11, v1  }
0x37b: {  	v29 =	vld [tilespmem:s26+$0x4320];
	v8 =	vmul.f32 v9, v18;
	v33 =	vmul.f32 v5, v5  }
0x37c: {  	v2 =	vsub.f32 $9.999710910e-01, v2;
	[tilespmem:$0x1FB30] =	vst v4;
	v4 =	vmul.f32 v36, v22;
	v1 =	vmul.f32 v1, v3  }
0x37d: {  	v55 =	vld [tilespmem:s26+$0x43E0];
	v37 =	vmul.f32 v33, v33;
	v38 =	vmul.f32 $1.477404440e-04, v33  }
0x37e: {  	v32 =	vadd.f32 v8, v2;
	v40 =	vmul.f32 $1.658384350e-01, v33;
	v48 =	vmul.f32 $1.344106860e-03, v33  }
0x37f: {  	v7 =	vsub.f32 v10, v39;
	v3 =	vmul.f32 $1.935307170e-03, v34;
	v52 =	vmul.f32 $1.591549370e-01, v4  }
0x380: {  	[tilespmem:$0x1FB20] =	vst v0;
	v2 =	vmul.f32 $4.998376070e-01, v33;
	v0 =	vmul.f32 v32, v29  }
0x381: {  	v9 =	vsub.f32 $4.152230550e-02, v48;
	v49 =	vmul.f32 $1.906521540e-05, v37;
	v3 =	vsub.f32 v7, v3  }
0x382: {  	v6 =	vsub.f32 $7.998575460e-03, v38;
	v1 =	vmul.f32 v1, v29;
	v7 =	vmul.f32 v55, v22  }
0x383: {  	v50 =	vsub.f32 $9.994501470e-01, v40;
	v51 =	vadd.f32 v49, v9;
	v53 =	vmul.f32 v3, v3  }
0x384: {  	v54 =	vadd.f32 $1.258291200e+07, v52;
	v6 =	vmul.f32 v6, v37;
	v17 =	vmul.f32 $1.591549370e-01, v7  }
0x385: {  	v2 =	vsub.f32 $9.999710910e-01, v2;
	[tilespmem:$0x1FB40] =	vst v0;
	v0 =	vmul.f32 v51, v37;
	v56 =	vmul.f32 v53, v53  }
0x386: {  	[tilespmem:$0x1FB50] =	vst v1;
	v1 =	vadd.f32 v6, v50;
	v57 =	vmul.f32 $1.344106860e-03, v53;
	v58 =	vmul.f32 $1.658384350e-01, v53  }
0x387: {  	v62 =	vld [tilespmem:s26+$0x4330];
	v59 =	vmul.f32 $1.477404440e-04, v53;
	v6 =	vadd.f32 $-1.258291200e+07, v54;
	v24 =	vadd.f32 $1.258291200e+07, v17  }
0x388: {  	v25 =	vld [tilespmem:s26+$0x43F0];
	v9 =	vmul.f32 $4.998376070e-01, v53;
	v0 =	vadd.f32 v0, v2;
	v60 =	vsub.f32 $4.152230550e-02, v57  }
0x389: {  	v39 =	vld [tilespmem:s26+$0x4440];
	v61 =	vmul.f32 $1.906521540e-05, v56;
	v11 =	vsub.f32 $9.994501470e-01, v58;
	v63 =	vmul.f32 $6.281250000e+00, v6  }
0x38a: {  	v12 =	vsub.f32 $7.998575460e-03, v59;
	v6 =	vmul.f32 $1.935307170e-03, v6;
	v9 =	vsub.f32 $9.999710910e-01, v9  }
0x38b: {  	v1 =	vmul.f32 v1, v5;
	v2 =	vadd.f32 v61, v60;
	v4 =	vsub.f32 v4, v63  }
0x38c: {  	v16 =	vld [tilespmem:s26+$0x4380];
	v27 =	vadd.f32 $-1.258291200e+07, v24;
	v12 =	vmul.f32 v12, v56;
	v0 =	vmul.f32 v0, v62  }
0x38d: {  	v1 =	vmul.f32 v1, v62;
	v2 =	vmul.f32 v2, v56;
	v4 =	vsub.f32 v4, v6  }
0x38e: {  	v31 =	vmul.f32 $6.281250000e+00, v27;
	v18 =	vadd.f32 v12, v11;
	v6 =	vmul.f32 v25, v22  }
0x38f: {  	v11 =	vmul.f32 v39, v22;
	v19 =	vadd.f32 v2, v9;
	v26 =	vmul.f32 v4, v4  }
0x390: {  	v61 =	vld [tilespmem:s26+$0x4450];
	v3 =	vmul.f32 v18, v3;
	v36 =	vmul.f32 $1.591549370e-01, v6  }
0x391: {  	[tilespmem:$0x1FB60] =	vst v0;
	v56 =	vmul.f32 $1.591549370e-01, v11;
	v0 =	vmul.f32 v19, v16  }
0x392: {  	v28 =	vmul.f32 v26, v26;
	v29 =	vmul.f32 $1.658384350e-01, v26  }
0x393: {  	v7 =	vsub.f32 v7, v31;
	v30 =	vmul.f32 $1.477404440e-04, v26;
	v32 =	vmul.f32 $1.344106860e-03, v26  }
0x394: {  	[tilespmem:$0x1FB70] =	vst v1;
	v1 =	vmul.f32 $4.998376070e-01, v26;
	v38 =	vadd.f32 $1.258291200e+07, v36;
	v3 =	vmul.f32 v3, v16  }
0x395: {  	v58 =	vadd.f32 $1.258291200e+07, v56;
	v26 =	vmul.f32 v61, v22;
	[tilespmem:$0x1FB80] =	vst v0;
	v8 =	vsub.f32 $7.998575460e-03, v30  }
0x396: {  	v0 =	vmul.f32 $1.935307170e-03, v27;
	v33 =	vsub.f32 $4.152230550e-02, v32;
	v5 =	vsub.f32 $9.994501470e-01, v29  }
0x397: {  	v34 =	vmul.f32 $1.906521540e-05, v28;
	v1 =	vsub.f32 $9.999710910e-01, v1;
	v49 =	vadd.f32 $-1.258291200e+07, v38;
	v32 =	vld [tilespmem:s26+$0x4460]  }
0x398: {  	v63 =	vadd.f32 $-1.258291200e+07, v58;
	v29 =	vmul.f32 $1.591549370e-01, v26;
	v8 =	vmul.f32 v8, v28  }
0x399: {  	v0 =	vsub.f32 v7, v0;
	v37 =	vadd.f32 v34, v33;
	v9 =	vmul.f32 $6.281250000e+00, v49  }
0x39a: {  	v7 =	vmul.f32 $1.935307170e-03, v49;
	v18 =	vmul.f32 $6.281250000e+00, v63;
	v40 =	vadd.f32 v8, v5  }
0x39b: {  	v51 =	vld [tilespmem:s26+$0x4390];
	v48 =	vmul.f32 v0, v0;
	v2 =	vmul.f32 v37, v28;
	v6 =	vsub.f32 v6, v9  }
0x39c: {  	[tilespmem:$0x1FB90] =	vst v3;
	v8 =	vsub.f32 v11, v18;
	v13 =	vmul.f32 v32, v22;
	v3 =	vmul.f32 v40, v4  }
0x39d: {  	v50 =	vmul.f32 $1.477404440e-04, v48;
	v1 =	vadd.f32 v2, v1;
	v52 =	vmul.f32 v48, v48  }
0x39e: {  	v53 =	vmul.f32 $1.658384350e-01, v48;
	v54 =	vmul.f32 $1.344106860e-03, v48;
	v6 =	vsub.f32 v6, v7  }
0x39f: {  	v5 =	vmul.f32 $4.998376070e-01, v48;
	v4 =	vsub.f32 $7.998575460e-03, v50;
	v57 =	vmul.f32 $1.906521540e-05, v52  }
0x3a0: {  	v55 =	vsub.f32 $9.994501470e-01, v53;
	v1 =	vmul.f32 v1, v51;
	v60 =	vmul.f32 v6, v6  }
0x3a1: {  	v12 =	vsub.f32 $4.152230550e-02, v54;
	v62 =	vmul.f32 v3, v51;
	v3 =	vmul.f32 $1.935307170e-03, v63  }
0x3a2: {  	v15 =	vsub.f32 $9.999710910e-01, v5;
	v4 =	vmul.f32 v4, v52;
	v16 =	vmul.f32 v60, v60  }
0x3a3: {  	v17 =	vmul.f32 $1.658384350e-01, v60;
	v24 =	vmul.f32 $1.477404440e-04, v60;
	v3 =	vsub.f32 v8, v3  }
0x3a4: {  	v59 =	vadd.f32 v57, v12;
	v25 =	vmul.f32 $1.344106860e-03, v60;
	v10 =	vmul.f32 $4.998376070e-01, v60  }
0x3a5: {  	v8 =	vadd.f32 $1.258291200e+07, v29;
	v4 =	vadd.f32 v4, v55;
	v31 =	vmul.f32 v3, v3  }
0x3a6: {  	v57 =	vld [tilespmem:s26+$0x4470];
	v2 =	vmul.f32 v59, v52;
	v27 =	vsub.f32 $4.152230550e-02, v25;
	v28 =	vmul.f32 $1.906521540e-05, v16  }
0x3a7: {  	v19 =	vld [tilespmem:s26+$0x43A0];
	v8 =	vadd.f32 $-1.258291200e+07, v8;
	v0 =	vmul.f32 v4, v0;
	v34 =	vmul.f32 $1.477404440e-04, v31  }
0x3a8: {  	v2 =	vadd.f32 v2, v15;
	v37 =	vmul.f32 $1.658384350e-01, v31;
	v38 =	vmul.f32 v31, v31  }
0x3a9: {  	v4 =	vsub.f32 $7.998575460e-03, v24;
	v39 =	vmul.f32 $6.281250000e+00, v8;
	v40 =	vmul.f32 $1.344106860e-03, v31  }
0x3aa: {  	v12 =	vadd.f32 v28, v27;
	v8 =	vmul.f32 $1.935307170e-03, v8;
	v15 =	vmul.f32 $1.591549370e-01, v13  }
0x3ab: {  	v7 =	vsub.f32 $9.994501470e-01, v17;
	v9 =	vmul.f32 v57, v22;
	v4 =	vmul.f32 v4, v16  }
0x3ac: {  	v32 =	vld [tilespmem:s26+$0x44C0];
	v33 =	vsub.f32 $9.999710910e-01, v10;
	v30 =	vmul.f32 v2, v19;
	v5 =	vmul.f32 v12, v16  }
0x3ad: {  	v36 =	vld [tilespmem:s26+$0x43B0];
	v0 =	vmul.f32 v0, v19;
	v10 =	vsub.f32 v26, v39;
	v49 =	vsub.f32 $4.152230550e-02, v40  }
0x3ae: {  	v50 =	vmul.f32 $1.906521540e-05, v38;
	v56 =	vadd.f32 $1.258291200e+07, v15;
	v4 =	vadd.f32 v4, v7  }
0x3af: {  	v2 =	vmul.f32 $4.998376070e-01, v31;
	[tilespmem:$0x1FBD0] =	vst v0;
	v5 =	vadd.f32 v5, v33;
	v0 =	vsub.f32 $7.998575460e-03, v34  }
0x3b0: {  	v24 =	vmul.f32 $1.591549370e-01, v9;
	v53 =	vsub.f32 v10, v8;
	v55 =	vadd.f32 v50, v49  }
0x3b1: {  	v58 =	vadd.f32 $-1.258291200e+07, v56;
	v50 =	vmul.f32 v32, v22;
	v4 =	vmul.f32 v4, v6  }
0x3b2: {  	v2 =	vsub.f32 $9.999710910e-01, v2;
	v48 =	vmul.f32 v0, v38;
	v51 =	vmul.f32 v5, v36  }
0x3b3: {  	[tilespmem:$0x1FBB0] =	vst v62;
	v25 =	vadd.f32 $1.258291200e+07, v24;
	v10 =	vmul.f32 v53, v53;
	v62 =	vmul.f32 $6.281250000e+00, v58  }
0x3b4: {  	v6 =	vsub.f32 $9.994501470e-01, v37;
	v5 =	vmul.f32 $1.935307170e-03, v58;
	v54 =	vmul.f32 v4, v36  }
0x3b5: {  	v29 =	vadd.f32 $-1.258291200e+07, v25;
	v4 =	vmul.f32 v55, v38;
	v59 =	vmul.f32 v10, v10  }
0x3b6: {  	v52 =	vadd.f32 v48, v6;
	v60 =	vmul.f32 $1.658384350e-01, v10;
	v61 =	vmul.f32 $1.477404440e-04, v10  }
0x3b7: {  	v63 =	vld [tilespmem:s26+$0x4400];
	v18 =	vmul.f32 $1.344106860e-03, v10;
	v12 =	vsub.f32 v13, v62;
	v10 =	vmul.f32 $4.998376070e-01, v10  }
0x3b8: {  	v33 =	vmul.f32 $6.281250000e+00, v29;
	v7 =	vmul.f32 $1.935307170e-03, v29;
	v2 =	vadd.f32 v4, v2  }
0x3b9: {  	v11 =	vsub.f32 $7.998575460e-03, v61;
	v4 =	vsub.f32 $4.152230550e-02, v18;
	v19 =	vmul.f32 $1.906521540e-05, v59  }
0x3ba: {  	v3 =	vmul.f32 v52, v3;
	v8 =	vsub.f32 $9.994501470e-01, v60;
	v5 =	vsub.f32 v12, v5  }
0x3bb: {  	v12 =	vmul.f32 $1.591549370e-01, v50;
	v11 =	vmul.f32 v11, v59;
	v4 =	vadd.f32 v19, v4  }
0x3bc: {  	v38 =	vsub.f32 v9, v33;
	v26 =	vmul.f32 v2, v63;
	v28 =	vmul.f32 v5, v5  }
0x3bd: {  	[tilespmem:$0x1FBC0] =	vst v30;
	v30 =	vmul.f32 v3, v63;
	v12 =	vadd.f32 $1.258291200e+07, v12;
	v4 =	vmul.f32 v4, v59  }
0x3be: {  	v49 =	vsub.f32 v38, v7;
	v31 =	vmul.f32 $1.477404440e-04, v28;
	v34 =	vmul.f32 v28, v28  }
0x3bf: {  	v8 =	vadd.f32 v11, v8;
	v36 =	vmul.f32 $1.658384350e-01, v28;
	v40 =	vmul.f32 $1.344106860e-03, v28  }
0x3c0: {  	v27 =	vld [tilespmem:s26+$0x4410];
	[tilespmem:$0x1FBF0] =	vst v54;
	v55 =	vmul.f32 $4.998376070e-01, v28;
	v12 =	vadd.f32 $-1.258291200e+07, v12;
	v54 =	vmul.f32 v49, v49  }
0x3c1: {  	v10 =	vsub.f32 $9.999710910e-01, v10;
	v6 =	vmul.f32 v8, v53;
	v53 =	vmul.f32 $1.906521540e-05, v34  }
0x3c2: {  	[tilespmem:$0x1FBE0] =	vst v51;
	v51 =	vld [tilespmem:s26+$0x44D0];
	v18 =	vmul.f32 $6.281250000e+00, v12;
	v24 =	vmul.f32 $1.935307170e-03, v12  }
0x3c3: {  	v4 =	vadd.f32 v4, v10;
	v56 =	vmul.f32 v54, v54;
	v57 =	vmul.f32 $1.344106860e-03, v54  }
0x3c4: {  	v3 =	vsub.f32 $7.998575460e-03, v31;
	v60 =	vmul.f32 $1.477404440e-04, v54;
	v19 =	vmul.f32 $1.658384350e-01, v54  }
0x3c5: {  	v52 =	vsub.f32 $4.152230550e-02, v40;
	v9 =	vmul.f32 $4.998376070e-01, v54;
	v37 =	vmul.f32 v4, v27  }
0x3c6: {  	v39 =	vsub.f32 $9.994501470e-01, v36;
	v3 =	vmul.f32 v3, v34;
	v48 =	vmul.f32 v6, v27  }
0x3c7: {  	v7 =	vadd.f32 v53, v52;
	v6 =	vmul.f32 v51, v22;
	v4 =	vsub.f32 v50, v18  }
0x3c8: {  	v63 =	vld [tilespmem:s26+$0x4420];
	v58 =	vsub.f32 $4.152230550e-02, v57;
	v59 =	vmul.f32 $1.906521540e-05, v56;
	v3 =	vadd.f32 v3, v39  }
0x3c9: {  	v13 =	vsub.f32 $7.998575460e-03, v60;
	v7 =	vmul.f32 v7, v34;
	v4 =	vsub.f32 v4, v24  }
0x3ca: {  	v54 =	vld [tilespmem:s26+$0x44F0];
	v62 =	vadd.f32 v59, v58;
	v3 =	vmul.f32 v3, v5;
	v5 =	vsub.f32 $9.999710910e-01, v55  }
0x3cb: {  	v31 =	vld [tilespmem:s26+$0x44E0];
	v25 =	vsub.f32 $9.994501470e-01, v19;
	v61 =	vmul.f32 $1.591549370e-01, v6;
	v34 =	vmul.f32 v4, v4  }
0x3cc: {  	v13 =	vmul.f32 v13, v56;
	v5 =	vadd.f32 v7, v5;
	v7 =	vmul.f32 v62, v56  }
0x3cd: {  	v14 =	vadd.f32 $1.258291200e+07, v61;
	v32 =	vmul.f32 v3, v63;
	v39 =	vmul.f32 $1.477404440e-04, v34  }
0x3ce: {  	[tilespmem:$0x1FC30] =	vst v48;
	v29 =	vadd.f32 v13, v25;
	v40 =	vmul.f32 v34, v34;
	v48 =	vmul.f32 $1.344106860e-03, v34  }
0x3cf: {  	[tilespmem:$0x1FC00] =	vst v26;
	v26 =	vld [tilespmem:s26+$0x4430];
	v14 =	vadd.f32 $-1.258291200e+07, v14;
	v50 =	vmul.f32 $1.658384350e-01, v34;
	v62 =	vmul.f32 v54, v22  }
0x3d0: {  	v27 =	vsub.f32 $9.999710910e-01, v9;
	v2 =	vmul.f32 v29, v49;
	v49 =	vmul.f32 v31, v22  }
0x3d1: {  	[tilespmem:$0x1FC10] =	vst v30;
	v18 =	vld [tilespmem:s26+$0x4570];
	v28 =	vmul.f32 v5, v63;
	v30 =	vmul.f32 $6.281250000e+00, v14  }
0x3d2: {  	[tilespmem:$0x1FC20] =	vst v37;
	v25 =	vld [tilespmem:s26+$0x4540];
	v33 =	vadd.f32 v7, v27;
	v37 =	vmul.f32 $1.935307170e-03, v14;
	v51 =	vmul.f32 $1.906521540e-05, v40  }
0x3d3: {  	v3 =	vsub.f32 $7.998575460e-03, v39;
	v7 =	vmul.f32 $4.998376070e-01, v34;
	v17 =	vmul.f32 $1.591549370e-01, v62  }
0x3d4: {  	v10 =	vsub.f32 $9.994501470e-01, v50;
	v53 =	vmul.f32 $1.591549370e-01, v49;
	v56 =	vmul.f32 v2, v26  }
0x3d5: {  	v36 =	vsub.f32 v6, v30;
	v38 =	vmul.f32 v33, v26;
	v6 =	vsub.f32 $4.152230550e-02, v48  }
0x3d6: {  	v3 =	vmul.f32 v3, v40;
	v27 =	vadd.f32 $1.258291200e+07, v17;
	v58 =	vadd.f32 $1.258291200e+07, v53  }
0x3d7: {  	v34 =	vmul.f32 v25, v22;
	v5 =	vsub.f32 v36, v37;
	v6 =	vadd.f32 v51, v6  }
0x3d8: {  	[tilespmem:$0x1FC50] =	vst v32;
	v57 =	vadd.f32 v3, v10;
	v32 =	vadd.f32 $-1.258291200e+07, v27;
	v10 =	vmul.f32 v18, v22  }
0x3d9: {  	v3 =	vadd.f32 $-1.258291200e+07, v58;
	v52 =	vmul.f32 v5, v5;
	v6 =	vmul.f32 v6, v40  }
0x3da: {  	v2 =	vmul.f32 v57, v4;
	v37 =	vmul.f32 $6.281250000e+00, v32  }
0x3db: {  	v63 =	vld [tilespmem:s26+$0x4480];
	v24 =	vmul.f32 $6.281250000e+00, v3;
	v3 =	vmul.f32 $1.935307170e-03, v3  }
0x3dc: {  	v7 =	vsub.f32 $9.999710910e-01, v7;
	v55 =	vmul.f32 $1.477404440e-04, v52;
	v60 =	vmul.f32 v52, v52  }
0x3dd: {  	v61 =	vmul.f32 $1.658384350e-01, v52;
	v19 =	vmul.f32 $1.344106860e-03, v52  }
0x3de: {  	v6 =	vadd.f32 v6, v7;
	v29 =	vmul.f32 $4.998376070e-01, v52;
	v52 =	vld [tilespmem:s26+$0x4550];
	v9 =	vsub.f32 v49, v24  }
0x3df: {  	v7 =	vsub.f32 v62, v37;
	v14 =	vsub.f32 $4.152230550e-02, v19;
	v16 =	vmul.f32 $1.906521540e-05, v60  }
0x3e0: {  	v30 =	vmul.f32 v2, v63;
	v59 =	vsub.f32 $7.998575460e-03, v55;
	v3 =	vsub.f32 v9, v3  }
0x3e1: {  	[tilespmem:$0x1FC40] =	vst v28;
	v49 =	vmul.f32 $1.591549370e-01, v34;
	v28 =	vmul.f32 v6, v63;
	v26 =	vadd.f32 v16, v14  }
0x3e2: {  	v11 =	vsub.f32 $9.994501470e-01, v61;
	v8 =	vmul.f32 v59, v60;
	v33 =	vmul.f32 v3, v3  }
0x3e3: {  	v6 =	vsub.f32 $9.999710910e-01, v29;
	v4 =	vmul.f32 v26, v60;
	v60 =	vmul.f32 v52, v22  }
0x3e4: {  	[tilespmem:$0x1FC60] =	vst v38;
	v36 =	vld [tilespmem:s26+$0x4490];
	v8 =	vadd.f32 v8, v11;
	v38 =	vmul.f32 v33, v33;
	v39 =	vmul.f32 $1.344106860e-03, v33  }
0x3e5: {  	v54 =	vadd.f32 $1.258291200e+07, v49;
	v40 =	vmul.f32 $1.477404440e-04, v33;
	v51 =	vmul.f32 $1.658384350e-01, v33  }
0x3e6: {  	v58 =	vmul.f32 $4.998376070e-01, v33;
	v31 =	vmul.f32 v8, v5;
	v4 =	vadd.f32 v4, v6  }
0x3e7: {  	v5 =	vmul.f32 $1.935307170e-03, v32;
	v27 =	vmul.f32 $1.591549370e-01, v60;
	v12 =	vsub.f32 $4.152230550e-02, v39  }
0x3e8: {  	v48 =	vmul.f32 $1.906521540e-05, v38;
	v50 =	vsub.f32 $7.998575460e-03, v40;
	v11 =	vsub.f32 $9.994501470e-01, v51  }
0x3e9: {  	v5 =	vsub.f32 v7, v5;
	v53 =	vmul.f32 v4, v36;
	v4 =	vadd.f32 $-1.258291200e+07, v54  }
0x3ea: {  	v57 =	vmul.f32 v31, v36;
	v12 =	vadd.f32 v48, v12;
	v7 =	vmul.f32 v50, v38  }
0x3eb: {  	[tilespmem:$0x1FC90] =	vst v30;
	v30 =	vadd.f32 $1.258291200e+07, v27;
	v55 =	vmul.f32 v5, v5;
	v61 =	vmul.f32 $6.281250000e+00, v4  }
0x3ec: {  	v2 =	vsub.f32 $9.999710910e-01, v58;
	v4 =	vmul.f32 $1.935307170e-03, v4;
	v6 =	vmul.f32 v12, v38  }
0x3ed: {  	v62 =	vld [tilespmem:s26+$0x44A0];
	v33 =	vadd.f32 $-1.258291200e+07, v30;
	v59 =	vmul.f32 $1.477404440e-04, v55;
	v63 =	vmul.f32 v55, v55  }
0x3ee: {  	v7 =	vadd.f32 v7, v11;
	v19 =	vmul.f32 $1.658384350e-01, v55;
	v25 =	vmul.f32 $1.344106860e-03, v55  }
0x3ef: {  	v24 =	vsub.f32 v34, v61;
	v38 =	vmul.f32 $4.998376070e-01, v55;
	v2 =	vadd.f32 v6, v2  }
0x3f0: {  	[tilespmem:$0x1FC80] =	vst v28;
	v3 =	vmul.f32 v7, v3;
	v9 =	vsub.f32 $4.152230550e-02, v25;
	v28 =	vmul.f32 $1.906521540e-05, v63  }
0x3f1: {  	v39 =	vmul.f32 $6.281250000e+00, v33;
	v8 =	vsub.f32 $7.998575460e-03, v59;
	v4 =	vsub.f32 v24, v4  }
0x3f2: {  	v58 =	vmul.f32 v2, v62;
	v31 =	vmul.f32 v3, v62;
	v9 =	vadd.f32 v28, v9  }
0x3f3: {  	v34 =	vld [tilespmem:s26+$0x4560];
	v26 =	vsub.f32 $9.994501470e-01, v19;
	v8 =	vmul.f32 v8, v63;
	v37 =	vmul.f32 v4, v4  }
0x3f4: {  	v3 =	vmul.f32 $1.935307170e-03, v33;
	v36 =	vmul.f32 v9, v63  }
0x3f5: {  	v33 =	vld [tilespmem:s26+$0x45C0];
	v29 =	vadd.f32 v8, v26;
	v40 =	vmul.f32 v37, v37;
	v48 =	vmul.f32 $1.344106860e-03, v37  }
0x3f6: {  	v49 =	vld [tilespmem:s26+$0x44B0];
	v9 =	vsub.f32 v60, v39;
	v50 =	vmul.f32 $1.477404440e-04, v37;
	v52 =	vmul.f32 $1.658384350e-01, v37  }
0x3f7: {  	[tilespmem:$0x1FC70] =	vst v56;
	v8 =	vsub.f32 $9.999710910e-01, v38;
	v56 =	vmul.f32 $4.998376070e-01, v37;
	v32 =	vmul.f32 v29, v5  }
0x3f8: {  	v12 =	vsub.f32 $4.152230550e-02, v48;
	v5 =	vmul.f32 v34, v22;
	v13 =	vsub.f32 $7.998575460e-03, v50  }
0x3f9: {  	v51 =	vmul.f32 $1.906521540e-05, v40;
	v6 =	vadd.f32 v36, v8;
	v3 =	vsub.f32 v9, v3  }
0x3fa: {  	[tilespmem:$0x1FCA0] =	vst v53;
	v55 =	vsub.f32 $9.994501470e-01, v52;
	v48 =	vmul.f32 v33, v22;
	v54 =	vmul.f32 $1.591549370e-01, v5  }
0x3fb: {  	[tilespmem:$0x1FCB0] =	vst v57;
	v53 =	vadd.f32 v51, v12;
	v13 =	vmul.f32 v13, v40;
	v57 =	vmul.f32 v6, v49  }
0x3fc: {  	v60 =	vmul.f32 v32, v49;
	v63 =	vmul.f32 v3, v3;
	v6 =	vsub.f32 $9.999710910e-01, v56  }
0x3fd: {  	v32 =	vmul.f32 $1.591549370e-01, v10;
	v59 =	vadd.f32 $1.258291200e+07, v54;
	v8 =	vmul.f32 v53, v40  }
0x3fe: {  	v62 =	vadd.f32 v13, v55;
	v19 =	vmul.f32 $1.477404440e-04, v63;
	v25 =	vmul.f32 v63, v63  }
0x3ff: {  	v24 =	vld [tilespmem:s26+$0x4500];
	v27 =	vmul.f32 $1.658384350e-01, v63;
	v28 =	vmul.f32 $1.344106860e-03, v63;
	v37 =	vadd.f32 $1.258291200e+07, v32  }
0x400: {  	[tilespmem:$0x1FCC0] =	vst v31;
	v39 =	vmul.f32 $4.998376070e-01, v63;
	v7 =	vadd.f32 $-1.258291200e+07, v59;
	v2 =	vmul.f32 v62, v4  }
0x401: {  	v4 =	vsub.f32 $7.998575460e-03, v19;
	v30 =	vsub.f32 $4.152230550e-02, v28;
	v31 =	vmul.f32 $1.906521540e-05, v25  }
0x402: {  	v63 =	vld [tilespmem:s26+$0x45D0];
	v6 =	vadd.f32 v8, v6;
	v29 =	vsub.f32 $9.994501470e-01, v27;
	v26 =	vmul.f32 $6.281250000e+00, v7  }
0x403: {  	v7 =	vmul.f32 $1.935307170e-03, v7;
	v4 =	vmul.f32 v4, v25;
	v36 =	vadd.f32 v31, v30  }
0x404: {  	v50 =	vld [tilespmem:s26+$0x4510];
	v55 =	vmul.f32 v6, v24;
	v6 =	vadd.f32 $-1.258291200e+07, v37;
	v5 =	vsub.f32 v5, v26  }
0x405: {  	v15 =	vmul.f32 $1.591549370e-01, v48;
	v56 =	vmul.f32 v2, v24;
	v34 =	vadd.f32 v4, v29  }
0x406: {  	v4 =	vmul.f32 v36, v25;
	v61 =	vmul.f32 $6.281250000e+00, v6;
	v5 =	vsub.f32 v5, v7  }
0x407: {  	v26 =	vmul.f32 v63, v22;
	v2 =	vmul.f32 v34, v3;
	v3 =	vsub.f32 $9.999710910e-01, v39  }
0x408: {  	v6 =	vmul.f32 $1.935307170e-03, v6;
	v10 =	vsub.f32 v10, v61;
	v38 =	vmul.f32 v5, v5  }
0x409: {  	v30 =	vmul.f32 $1.591549370e-01, v26;
	v3 =	vadd.f32 v4, v3;
	v52 =	vmul.f32 v2, v50  }
0x40a: {  	v6 =	vsub.f32 v10, v6;
	v40 =	vmul.f32 $1.344106860e-03, v38;
	v49 =	vmul.f32 v38, v38  }
0x40b: {  	v34 =	vadd.f32 $1.258291200e+07, v30;
	v59 =	vmul.f32 $1.477404440e-04, v38;
	v17 =	vmul.f32 $1.658384350e-01, v38  }
0x40c: {  	[tilespmem:$0x1FBA0] =	vst v1;
	v1 =	vadd.f32 $1.258291200e+07, v15;
	v7 =	vmul.f32 $4.998376070e-01, v38;
	v27 =	vmul.f32 v6, v6  }
0x40d: {  	v37 =	vld [tilespmem:s26+$0x45E0];
	v53 =	vmul.f32 v3, v50;
	v2 =	vadd.f32 $-1.258291200e+07, v34;
	v8 =	vsub.f32 $4.152230550e-02, v40  }
0x40e: {  	v62 =	vmul.f32 $1.906521540e-05, v49;
	v13 =	vsub.f32 $7.998575460e-03, v59;
	v33 =	vmul.f32 $1.477404440e-04, v27  }
0x40f: {  	v19 =	vsub.f32 $9.994501470e-01, v17;
	v36 =	vmul.f32 $1.658384350e-01, v27;
	v38 =	vmul.f32 v27, v27  }
0x410: {  	v25 =	vsub.f32 $9.999710910e-01, v7;
	v39 =	vmul.f32 $1.344106860e-03, v27;
	v59 =	vmul.f32 $6.281250000e+00, v2  }
0x411: {  	v2 =	vmul.f32 $1.935307170e-03, v2;
	v11 =	vmul.f32 $4.998376070e-01, v27;
	v4 =	vadd.f32 v62, v8  }
0x412: {  	v18 =	vmul.f32 v13, v49;
	v8 =	vadd.f32 $-1.258291200e+07, v1;
	v9 =	vsub.f32 $7.998575460e-03, v33  }
0x413: {  	v3 =	vsub.f32 $9.994501470e-01, v36;
	v40 =	vmul.f32 $1.906521540e-05, v38;
	v62 =	vmul.f32 v37, v22;
	v33 =	vld [tilespmem:s26+$0x45F0]  }
0x414: {  	v24 =	vld [tilespmem:s26+$0x4520];
	v14 =	vsub.f32 $4.152230550e-02, v39;
	v4 =	vmul.f32 v4, v49;
	v28 =	vmul.f32 $6.281250000e+00, v8  }
0x415: {  	v10 =	vadd.f32 v18, v19;
	v8 =	vmul.f32 $1.935307170e-03, v8;
	v9 =	vmul.f32 v9, v38  }
0x416: {  	v61 =	vadd.f32 v40, v14;
	v19 =	vmul.f32 $1.591549370e-01, v62;
	v32 =	vsub.f32 v48, v28  }
0x417: {  	v29 =	vadd.f32 v4, v25;
	v31 =	vmul.f32 v10, v5;
	v5 =	vsub.f32 v26, v59;
	v28 =	vld [tilespmem:s26+$0x4530]  }
0x418: {  	v3 =	vadd.f32 v9, v3;
	v59 =	vmul.f32 v33, v22;
	v54 =	vsub.f32 v32, v8  }
0x419: {  	v51 =	vmul.f32 v29, v24;
	v50 =	vmul.f32 v31, v24;
	v2 =	vsub.f32 v5, v2  }
0x41a: {  	v3 =	vmul.f32 v3, v6;
	v6 =	vadd.f32 $1.258291200e+07, v19;
	v63 =	vmul.f32 v54, v54  }
0x41b: {  	v11 =	vsub.f32 $9.999710910e-01, v11;
	v8 =	vmul.f32 v61, v38;
	v30 =	vmul.f32 v2, v2  }
0x41c: {  	v6 =	vadd.f32 $-1.258291200e+07, v6;
	v48 =	vmul.f32 v3, v28;
	v24 =	vmul.f32 $1.477404440e-04, v63  }
0x41d: {  	v25 =	vmul.f32 v63, v63;
	v26 =	vmul.f32 $1.344106860e-03, v63  }
0x41e: {  	v8 =	vadd.f32 v8, v11;
	v27 =	vmul.f32 $1.658384350e-01, v63;
	v31 =	vmul.f32 $6.281250000e+00, v6  }
0x41f: {  	v7 =	vmul.f32 $4.998376070e-01, v63;
	v32 =	vmul.f32 $1.477404440e-04, v30  }
0x420: {  	v49 =	vmul.f32 v8, v28;
	v6 =	vmul.f32 $1.935307170e-03, v6;
	v5 =	vsub.f32 $7.998575460e-03, v24  }
0x421: {  	v12 =	vsub.f32 $4.152230550e-02, v26;
	v29 =	vmul.f32 $1.906521540e-05, v25;
	v9 =	vsub.f32 v62, v31;
	v62 =	vld [tilespmem:s26+$0x4640]  }
0x422: {  	v36 =	vmul.f32 v30, v30;
	v37 =	vmul.f32 $1.658384350e-01, v30;
	v13 =	vsub.f32 $9.994501470e-01, v27  }
0x423: {  	v7 =	vsub.f32 $9.999710910e-01, v7;
	v5 =	vmul.f32 v5, v25;
	v12 =	vadd.f32 v29, v12  }
0x424: {  	v61 =	vmul.f32 $1.344106860e-03, v30;
	v11 =	vsub.f32 $7.998575460e-03, v32;
	v40 =	vsub.f32 $9.994501470e-01, v37  }
0x425: {  	v34 =	vld [tilespmem:s26+$0x4580];
	v17 =	vmul.f32 $1.906521540e-05, v36;
	v5 =	vadd.f32 v5, v13;
	v10 =	vmul.f32 v12, v25  }
0x426: {  	v16 =	vsub.f32 $4.152230550e-02, v61;
	v12 =	vmul.f32 $1.591549370e-01, v59;
	v26 =	vmul.f32 v62, v22  }
0x427: {  	v38 =	vmul.f32 v5, v54;
	v5 =	vsub.f32 v9, v6;
	v54 =	vmul.f32 v11, v36  }
0x428: {  	v25 =	vmul.f32 $4.998376070e-01, v30;
	v39 =	vadd.f32 v10, v7;
	v24 =	vadd.f32 $1.258291200e+07, v12  }
0x429: {  	v30 =	vmul.f32 $1.591549370e-01, v26;
	v6 =	vadd.f32 v54, v40;
	v63 =	vmul.f32 v5, v5  }
0x42a: {  	v19 =	vadd.f32 v17, v16;
	v54 =	vmul.f32 v39, v34;
	v40 =	vmul.f32 v38, v34  }
0x42b: {  	v29 =	vld [tilespmem:s26+$0x4590];
	v7 =	vadd.f32 $-1.258291200e+07, v24;
	v18 =	vmul.f32 $1.477404440e-04, v63;
	v2 =	vmul.f32 v6, v2  }
0x42c: {  	v34 =	vld [tilespmem:s26+$0x4650];
	v27 =	vmul.f32 v63, v63;
	v28 =	vmul.f32 $1.658384350e-01, v63  }
0x42d: {  	v8 =	vsub.f32 $9.999710910e-01, v25;
	v6 =	vmul.f32 v19, v36;
	v31 =	vmul.f32 $6.281250000e+00, v7  }
0x42e: {  	v32 =	vadd.f32 $1.258291200e+07, v30;
	v33 =	vmul.f32 $1.344106860e-03, v63;
	v7 =	vmul.f32 $1.935307170e-03, v7  }
0x42f: {  	v4 =	vmul.f32 $4.998376070e-01, v63;
	v3 =	vsub.f32 $7.998575460e-03, v18;
	v6 =	vadd.f32 v6, v8  }
0x430: {  	v9 =	vsub.f32 v59, v31;
	v14 =	vsub.f32 $4.152230550e-02, v33;
	v59 =	vmul.f32 $1.906521540e-05, v27;
	v31 =	vld [tilespmem:s26+$0x4660]  }
0x431: {  	v8 =	vadd.f32 $-1.258291200e+07, v32;
	v39 =	vmul.f32 v2, v29;
	v63 =	vmul.f32 v34, v22  }
0x432: {  	v12 =	vsub.f32 $9.994501470e-01, v28;
	v3 =	vmul.f32 v3, v27;
	v38 =	vmul.f32 v6, v29  }
0x433: {  	v2 =	vsub.f32 v9, v7;
	v61 =	vadd.f32 v59, v14;
	v62 =	vmul.f32 $6.281250000e+00, v8  }
0x434: {  	v8 =	vmul.f32 $1.935307170e-03, v8;
	v18 =	vmul.f32 $1.591549370e-01, v63;
	v3 =	vadd.f32 v3, v12  }
0x435: {  	v1 =	vld [tilespmem:s26+$0x45A0];
	v4 =	vsub.f32 $9.999710910e-01, v4;
	v7 =	vmul.f32 v2, v2;
	v12 =	vmul.f32 v31, v22  }
0x436: {  	v25 =	vadd.f32 $1.258291200e+07, v18;
	v3 =	vmul.f32 v3, v5;
	v5 =	vmul.f32 v61, v27  }
0x437: {  	v6 =	vsub.f32 v26, v62;
	v16 =	vmul.f32 v7, v7;
	v17 =	vmul.f32 $1.344106860e-03, v7  }
0x438: {  	v19 =	vmul.f32 $1.477404440e-04, v7;
	v28 =	vmul.f32 $1.658384350e-01, v7;
	v30 =	vadd.f32 $-1.258291200e+07, v25  }
0x439: {  	v7 =	vmul.f32 $4.998376070e-01, v7;
	v4 =	vadd.f32 v5, v4;
	v5 =	vsub.f32 v6, v8  }
0x43a: {  	v24 =	vsub.f32 $4.152230550e-02, v17;
	v26 =	vmul.f32 $1.906521540e-05, v16;
	v37 =	vmul.f32 v3, v1  }
0x43b: {  	v27 =	vsub.f32 $7.998575460e-03, v19;
	v17 =	vmul.f32 $1.591549370e-01, v12;
	v32 =	vmul.f32 $6.281250000e+00, v30  }
0x43c: {  	v8 =	vmul.f32 $1.935307170e-03, v30;
	v29 =	vadd.f32 v26, v24;
	v10 =	vmul.f32 v5, v5  }
0x43d: {  	v6 =	vsub.f32 $9.994501470e-01, v28;
	v36 =	vmul.f32 v4, v1;
	v4 =	vmul.f32 v27, v16  }
0x43e: {  	v7 =	vsub.f32 $9.999710910e-01, v7;
	v26 =	vld [tilespmem:s26+$0x4670];
	v3 =	vmul.f32 v29, v16;
	v33 =	vmul.f32 $1.477404440e-04, v10  }
0x43f: {  	v59 =	vld [tilespmem:s26+$0x45B0];
	v9 =	vsub.f32 v63, v32;
	v61 =	vmul.f32 v10, v10;
	v62 =	vmul.f32 $1.344106860e-03, v10  }
0x440: {  	v4 =	vadd.f32 v4, v6;
	v34 =	vmul.f32 $1.658384350e-01, v10;
	v10 =	vmul.f32 $4.998376070e-01, v10  }
0x441: {  	v6 =	vsub.f32 $7.998575460e-03, v33;
	v15 =	vsub.f32 $4.152230550e-02, v62;
	v63 =	vmul.f32 $1.906521540e-05, v61  }
0x442: {  	v3 =	vadd.f32 v3, v7;
	v7 =	vsub.f32 v9, v8;
	v2 =	vmul.f32 v4, v2  }
0x443: {  	v24 =	vadd.f32 $1.258291200e+07, v17;
	v9 =	vmul.f32 v26, v22;
	v6 =	vmul.f32 v6, v61  }
0x444: {  	v19 =	vadd.f32 v63, v15;
	v33 =	vmul.f32 v3, v59;
	v25 =	vmul.f32 v7, v7  }
0x445: {  	v11 =	vsub.f32 $9.994501470e-01, v34;
	v34 =	vmul.f32 v2, v59;
	v63 =	vmul.f32 $1.591549370e-01, v9  }
0x446: {  	v3 =	vadd.f32 $-1.258291200e+07, v24;
	v28 =	vmul.f32 v19, v61;
	v29 =	vmul.f32 $1.477404440e-04, v25  }
0x447: {  	v10 =	vsub.f32 $9.999710910e-01, v10;
	v30 =	vmul.f32 v25, v25;
	v31 =	vmul.f32 $1.344106860e-03, v25  }
0x448: {  	v18 =	vadd.f32 v6, v11;
	v32 =	vmul.f32 $6.281250000e+00, v3;
	v3 =	vmul.f32 $1.935307170e-03, v3  }
0x449: {  	v61 =	vld [tilespmem:s26+$0x4600];
	v62 =	vmul.f32 $1.658384350e-01, v25;
	v8 =	vmul.f32 $4.998376070e-01, v25;
	v1 =	vadd.f32 $1.258291200e+07, v63  }
0x44a: {  	v27 =	vmul.f32 v18, v5;
	v5 =	vsub.f32 $7.998575460e-03, v29;
	v11 =	vsub.f32 $4.152230550e-02, v31  }
0x44b: {  	v59 =	vmul.f32 $1.906521540e-05, v30;
	v12 =	vsub.f32 v12, v32;
	v0 =	vsub.f32 $9.994501470e-01, v62  }
0x44c: {  	v4 =	vadd.f32 v28, v10;
	v17 =	vsub.f32 $9.999710910e-01, v8  }
0x44d: {  	v11 =	vadd.f32 v59, v11;
	v3 =	vsub.f32 v12, v3;
	v5 =	vmul.f32 v5, v30  }
0x44e: {  	v16 =	vld [tilespmem:s26+$0x4610];
	v18 =	vadd.f32 $-1.258291200e+07, v1;
	v31 =	vmul.f32 v4, v61;
	v32 =	vmul.f32 v27, v61  }
0x44f: {  	v24 =	vld [tilespmem:s26+$0x46C0];
	v5 =	vadd.f32 v5, v0;
	v6 =	vmul.f32 v11, v30;
	v12 =	vmul.f32 v3, v3  }
0x450: {  	v25 =	vmul.f32 $6.281250000e+00, v18;
	v59 =	vmul.f32 $1.935307170e-03, v18  }
0x451: {  	v63 =	vld [tilespmem:s26+$0x46D0];
	v19 =	vmul.f32 $1.477404440e-04, v12;
	v5 =	vmul.f32 v5, v7;
	v4 =	vadd.f32 v6, v17  }
0x452: {  	v7 =	vmul.f32 v12, v12;
	v26 =	vmul.f32 $1.658384350e-01, v12;
	v6 =	vsub.f32 v9, v25  }
0x453: {  	v62 =	vmul.f32 $1.344106860e-03, v12;
	v2 =	vsub.f32 $7.998575460e-03, v19;
	v29 =	vmul.f32 v4, v16  }
0x454: {  	v61 =	vsub.f32 $9.994501470e-01, v26;
	v30 =	vmul.f32 v5, v16;
	v5 =	vmul.f32 v24, v22  }
0x455: {  	v4 =	vsub.f32 v6, v59;
	v17 =	vmul.f32 $1.906521540e-05, v7;
	v24 =	vmul.f32 $4.998376070e-01, v12  }
0x456: {  	v16 =	vsub.f32 $4.152230550e-02, v62;
	v6 =	vmul.f32 v63, v22;
	v2 =	vmul.f32 v2, v7  }
0x457: {  	v10 =	vmul.f32 v4, v4;
	v18 =	vmul.f32 $1.591549370e-01, v5  }
0x458: {  	v19 =	vadd.f32 v17, v16;
	v17 =	vmul.f32 $1.591549370e-01, v6;
	v2 =	vadd.f32 v2, v61  }
0x459: {  	v25 =	vadd.f32 $1.258291200e+07, v18;
	v26 =	vmul.f32 v10, v10;
	v59 =	vmul.f32 $1.344106860e-03, v10  }
0x45a: {  	v61 =	vsub.f32 $9.999710910e-01, v24;
	v16 =	vmul.f32 $1.477404440e-04, v10;
	v14 =	vadd.f32 $1.258291200e+07, v17  }
0x45b: {  	v28 =	vmul.f32 $1.658384350e-01, v10;
	v2 =	vmul.f32 v2, v3;
	v9 =	vadd.f32 $-1.258291200e+07, v25  }
0x45c: {  	v3 =	vmul.f32 v19, v7;
	v62 =	vsub.f32 $4.152230550e-02, v59;
	v63 =	vmul.f32 $1.906521540e-05, v26;
	v19 =	vld [tilespmem:s26+$0x4620]  }
0x45d: {  	v12 =	vld [tilespmem:s26+$0x46E0];
	v13 =	vsub.f32 $7.998575460e-03, v16;
	v14 =	vadd.f32 $-1.258291200e+07, v14;
	v27 =	vmul.f32 $6.281250000e+00, v9  }
0x45e: {  	v10 =	vmul.f32 $4.998376070e-01, v10;
	v3 =	vadd.f32 v3, v61;
	v18 =	vadd.f32 v63, v62  }
0x45f: {  	v9 =	vmul.f32 $1.935307170e-03, v9;
	v63 =	vmul.f32 $6.281250000e+00, v14;
	v5 =	vsub.f32 v5, v27  }
0x460: {  	v59 =	vsub.f32 $9.994501470e-01, v28;
	v13 =	vmul.f32 v13, v26;
	v17 =	vmul.f32 $1.935307170e-03, v14  }
0x461: {  	v25 =	vmul.f32 v3, v19;
	v3 =	vsub.f32 v6, v63;
	v5 =	vsub.f32 v5, v9  }
0x462: {  	v7 =	vmul.f32 v18, v26;
	v62 =	vadd.f32 v13, v59;
	v9 =	vmul.f32 v12, v22  }
0x463: {  	v28 =	vmul.f32 v2, v19;
	v3 =	vsub.f32 v3, v17;
	v16 =	vmul.f32 v5, v5  }
0x464: {  	v4 =	vmul.f32 v62, v4;
	v62 =	vmul.f32 $1.591549370e-01, v9  }
0x465: {  	v15 =	vld [tilespmem:s26+$0x4630];
	v61 =	vsub.f32 $9.999710910e-01, v10;
	v12 =	vmul.f32 v3, v3;
	v18 =	vmul.f32 $1.477404440e-04, v16  }
0x466: {  	v19 =	vmul.f32 v16, v16;
	v26 =	vmul.f32 $1.344106860e-03, v16  }
0x467: {  	v13 =	vadd.f32 v7, v61;
	v59 =	vmul.f32 $1.658384350e-01, v16;
	v7 =	vmul.f32 $4.998376070e-01, v16  }
0x468: {  	v17 =	vadd.f32 $1.258291200e+07, v62;
	v8 =	vsub.f32 $4.152230550e-02, v26;
	v61 =	vmul.f32 $1.906521540e-05, v19  }
0x469: {  	v16 =	vmul.f32 $1.477404440e-04, v12;
	v2 =	vsub.f32 $7.998575460e-03, v18;
	v10 =	vsub.f32 $9.994501470e-01, v59  }
0x46a: {  	v63 =	vld [tilespmem:s26+$0x46F0];
	v26 =	vmul.f32 v4, v15;
	v4 =	vadd.f32 $-1.258291200e+07, v17;
	v8 =	vadd.f32 v61, v8  }
0x46b: {  	v7 =	vsub.f32 $9.999710910e-01, v7;
	v59 =	vmul.f32 $1.344106860e-03, v12;
	v2 =	vmul.f32 v2, v19  }
0x46c: {  	v18 =	vsub.f32 $7.998575460e-03, v16;
	v61 =	vmul.f32 $6.281250000e+00, v4;
	v6 =	vmul.f32 v8, v19  }
0x46d: {  	v24 =	vld [tilespmem:s26+$0x4680];
	v2 =	vadd.f32 v2, v10;
	v10 =	vmul.f32 v12, v12;
	v19 =	vmul.f32 $1.658384350e-01, v12  }
0x46e: {  	v4 =	vmul.f32 $1.935307170e-03, v4;
	v9 =	vsub.f32 v9, v61;
	v6 =	vadd.f32 v6, v7  }
0x46f: {  	v7 =	vmul.f32 v63, v22;
	v11 =	vsub.f32 $9.994501470e-01, v19;
	v8 =	vmul.f32 v18, v10  }
0x470: {  	v14 =	vsub.f32 $4.152230550e-02, v59;
	v62 =	vmul.f32 $1.906521540e-05, v10;
	v19 =	vld [tilespmem:s26+$0x4740];
	v2 =	vmul.f32 v2, v5  }
0x471: {  	v4 =	vsub.f32 v9, v4;
	v63 =	vmul.f32 $1.591549370e-01, v7;
	v8 =	vadd.f32 v8, v11  }
0x472: {  	v59 =	vadd.f32 v62, v14;
	v23 =	vmul.f32 v6, v24;
	v62 =	vmul.f32 $4.998376070e-01, v12  }
0x473: {  	v24 =	vmul.f32 v2, v24;
	v61 =	vadd.f32 $1.258291200e+07, v63;
	v2 =	vmul.f32 v8, v3  }
0x474: {  	v5 =	vmul.f32 v59, v10;
	v6 =	vsub.f32 $9.999710910e-01, v62;
	v8 =	vmul.f32 v4, v4  }
0x475: {  	v27 =	vmul.f32 v13, v15;
	v9 =	vmul.f32 v19, v22;
	v63 =	vadd.f32 $-1.258291200e+07, v61  }
0x476: {  	v10 =	vld [tilespmem:s26+$0x4690];
	v5 =	vadd.f32 v5, v6;
	v6 =	vmul.f32 v8, v8;
	v17 =	vmul.f32 $1.344106860e-03, v8  }
0x477: {  	v18 =	vmul.f32 $1.477404440e-04, v8;
	v59 =	vmul.f32 $1.591549370e-01, v9  }
0x478: {  	v16 =	vmul.f32 $6.281250000e+00, v63;
	v3 =	vmul.f32 $1.935307170e-03, v63;
	v63 =	vld [tilespmem:s26+$0x4750]  }
0x479: {  	v62 =	vmul.f32 $1.658384350e-01, v8;
	v12 =	vsub.f32 $4.152230550e-02, v17;
	v61 =	vsub.f32 $7.998575460e-03, v18  }
0x47a: {  	v19 =	vmul.f32 $1.906521540e-05, v6;
	v17 =	vadd.f32 $1.258291200e+07, v59;
	v7 =	vsub.f32 v7, v16  }
0x47b: {  	v11 =	vsub.f32 $9.994501470e-01, v62;
	v18 =	vmul.f32 $4.998376070e-01, v8;
	v21 =	vmul.f32 v5, v10  }
0x47c: {  	v20 =	vmul.f32 v2, v10;
	v5 =	vadd.f32 $-1.258291200e+07, v17;
	v3 =	vsub.f32 v7, v3  }
0x47d: {  	v12 =	vadd.f32 v19, v12;
	v7 =	vmul.f32 v61, v6;
	v10 =	vmul.f32 v63, v22  }
0x47e: {  	v2 =	vsub.f32 $9.999710910e-01, v18;
	v59 =	vmul.f32 $6.281250000e+00, v5;
	v13 =	vmul.f32 v3, v3  }
0x47f: {  	v6 =	vmul.f32 v12, v6;
	v5 =	vmul.f32 $1.935307170e-03, v5;
	v7 =	vadd.f32 v7, v11  }
0x480: {  	v12 =	vld [tilespmem:s26+$0x46A0];
	v62 =	vsub.f32 v9, v59;
	v18 =	vmul.f32 $1.591549370e-01, v10;
	v19 =	vmul.f32 $1.477404440e-04, v13  }
0x481: {  	v2 =	vadd.f32 v6, v2;
	v0 =	vmul.f32 v13, v13;
	v61 =	vmul.f32 $1.658384350e-01, v13  }
0x482: {  	v63 =	vmul.f32 $1.344106860e-03, v13;
	v4 =	vmul.f32 v7, v4;
	v5 =	vsub.f32 v62, v5  }
0x483: {  	v15 =	vmul.f32 $4.998376070e-01, v13;
	v8 =	vsub.f32 $7.998575460e-03, v19;
	v1 =	vsub.f32 $9.994501470e-01, v61  }
0x484: {  	v9 =	vsub.f32 $4.152230550e-02, v63;
	v19 =	vmul.f32 $1.906521540e-05, v0;
	v63 =	vld [tilespmem:s26+$0x4760];
	v6 =	vmul.f32 v5, v5  }
0x485: {  	v61 =	vadd.f32 $1.258291200e+07, v18;
	v18 =	vmul.f32 v2, v12;
	v8 =	vmul.f32 v8, v0  }
0x486: {  	v9 =	vadd.f32 v19, v9;
	v19 =	vmul.f32 v4, v12;
	v16 =	vmul.f32 $1.344106860e-03, v6  }
0x487: {  	v62 =	vadd.f32 $-1.258291200e+07, v61;
	v17 =	vmul.f32 $1.477404440e-04, v6;
	v61 =	vmul.f32 $1.658384350e-01, v6  }
0x488: {  	v59 =	vadd.f32 v8, v1;
	v0 =	vmul.f32 v9, v0;
	v9 =	vmul.f32 v6, v6  }
0x489: {  	v7 =	vsub.f32 $9.999710910e-01, v15;
	v8 =	vmul.f32 $6.281250000e+00, v62;
	v4 =	vmul.f32 v63, v22  }
0x48a: {  	v11 =	vsub.f32 $4.152230550e-02, v16;
	v2 =	vmul.f32 v59, v3;
	v59 =	vmul.f32 $1.906521540e-05, v9  }
0x48b: {  	v12 =	vsub.f32 $7.998575460e-03, v17;
	v8 =	vsub.f32 v10, v8;
	v10 =	vld [tilespmem:s26+$0x46B0];
	v3 =	vmul.f32 $1.935307170e-03, v62  }
0x48c: {  	v0 =	vadd.f32 v0, v7;
	v14 =	vmul.f32 $1.591549370e-01, v4;
	v7 =	vadd.f32 v59, v11  }
0x48d: {  	v12 =	vmul.f32 v12, v9;
	v3 =	vsub.f32 v8, v3;
	v59 =	vsub.f32 $9.994501470e-01, v61  }
0x48e: {  	v13 =	vmul.f32 $4.998376070e-01, v6;
	v14 =	vadd.f32 $1.258291200e+07, v14  }
0x48f: {  	v15 =	vadd.f32 v12, v59;
	v8 =	vmul.f32 v3, v3;
	v7 =	vmul.f32 v7, v9  }
0x490: {  	v59 =	vld [tilespmem:s26+$0x4770];
	v16 =	vmul.f32 v0, v10;
	v17 =	vmul.f32 v2, v10;
	v0 =	vsub.f32 $9.999710910e-01, v13  }
0x491: {  	v1 =	vld [tilespmem:s26+$0x4700];
	v6 =	vadd.f32 $-1.258291200e+07, v14;
	v2 =	vmul.f32 v15, v5;
	v63 =	vmul.f32 $1.477404440e-04, v8  }
0x492: {  	v9 =	vmul.f32 v8, v8;
	v15 =	vmul.f32 $1.658384350e-01, v8  }
0x493: {  	[tilespmem:s26+$0xC120] =	vst v44;
	v44 =	vld [tilespmem:s26+$0x47D0];
	v62 =	vmul.f32 $1.344106860e-03, v8;
	v0 =	vadd.f32 v7, v0;
	v14 =	vmul.f32 $6.281250000e+00, v6  }
0x494: {  	v6 =	vmul.f32 $1.935307170e-03, v6;
	v5 =	vsub.f32 $7.998575460e-03, v63;
	v61 =	vsub.f32 $9.994501470e-01, v15  }
0x495: {  	[tilespmem:s26+$0xC100] =	vst v35;
	v35 =	vmul.f32 $1.906521540e-05, v9;
	v4 =	vsub.f32 v4, v14;
	v11 =	vmul.f32 v59, v22  }
0x496: {  	v62 =	vsub.f32 $4.152230550e-02, v62;
	v15 =	vmul.f32 v2, v1;
	v59 =	vld [tilespmem:s26+$0x47C0];
	v5 =	vmul.f32 v5, v9  }
0x497: {  	[tilespmem:s26+$0xC140] =	vst v41;
	v14 =	vmul.f32 v0, v1;
	v4 =	vsub.f32 v4, v6;
	v63 =	vmul.f32 $1.591549370e-01, v11  }
0x498: {  	[tilespmem:s26+$0xC110] =	vst v42;
	v42 =	vadd.f32 v35, v62;
	v62 =	vmul.f32 $4.998376070e-01, v8;
	v41 =	vadd.f32 v5, v61  }
0x499: {  	v1 =	vmul.f32 v44, v22;
	v61 =	vadd.f32 $1.258291200e+07, v63;
	v7 =	vmul.f32 v4, v4  }
0x49a: {  	v5 =	vmul.f32 v42, v9;
	v2 =	vmul.f32 v41, v3;
	v3 =	vsub.f32 $9.999710910e-01, v62  }
0x49b: {  	v59 =	vmul.f32 v59, v22;
	v6 =	vadd.f32 $-1.258291200e+07, v61;
	v63 =	vmul.f32 $1.344106860e-03, v7  }
0x49c: {  	v12 =	vmul.f32 v7, v7;
	v61 =	vld [tilespmem:s26+$0x4710];
	v13 =	vmul.f32 $1.477404440e-04, v7  }
0x49d: {  	[tilespmem:s26+$0xC160] =	vst v45;
	v45 =	vmul.f32 $1.658384350e-01, v7;
	v3 =	vadd.f32 v5, v3;
	v35 =	vmul.f32 $6.281250000e+00, v6  }
0x49e: {  	v8 =	vsub.f32 $4.152230550e-02, v63;
	v42 =	vmul.f32 $1.906521540e-05, v12;
	v62 =	vsub.f32 $7.998575460e-03, v13  }
0x49f: {  	[tilespmem:s26+$0xC150] =	vst v43;
	v43 =	vmul.f32 $1.591549370e-01, v59;
	v6 =	vmul.f32 $1.935307170e-03, v6;
	v63 =	vld [tilespmem:$0x1F9B0];
	v11 =	vsub.f32 v11, v35  }
0x4a0: {  	[tilespmem:s26+$0xC170] =	vst v47;
	v41 =	vld [tilespmem:$0x1F980];
	v5 =	vadd.f32 v42, v8;
	v47 =	vmul.f32 v62, v12;
	v8 =	vsub.f32 $9.994501470e-01, v45  }
0x4a1: {  	v7 =	vmul.f32 $4.998376070e-01, v7;
	v0 =	vadd.f32 $1.258291200e+07, v43;
	v62 =	vld [tilespmem:$0x1F9A0];
	v13 =	vmul.f32 v3, v61  }
0x4a2: {  	v11 =	vsub.f32 v11, v6;
	v6 =	vadd.f32 v47, v8;
	v47 =	vmul.f32 v2, v61;
	v61 =	vld [tilespmem:$0x1F9F0]  }
0x4a3: {  	[tilespmem:s26+$0xC180] =	vst v46;
	v46 =	vld [tilespmem:$0x1F990];
	v44 =	vmul.f32 $1.591549370e-01, v1;
	v0 =	vadd.f32 $-1.258291200e+07, v0  }
0x4a4: {  	v35 =	vld [tilespmem:$0x1F9C0];
	v5 =	vmul.f32 v5, v12;
	v12 =	vsub.f32 $9.999710910e-01, v7;
	[tilespmem:s26+$0xC1D0] =	vst v63;
	v63 =	vmul.f32 v11, v11  }
0x4a5: {  	[tilespmem:s26+$0xC130] =	vst v41;
	v42 =	vld [tilespmem:$0x1F9D0];
	v41 =	vmul.f32 $6.281250000e+00, v0  }
0x4a6: {  	v9 =	vadd.f32 $1.258291200e+07, v44;
	v43 =	vadd.f32 v5, v12;
	[tilespmem:s26+$0xC190] =	vst v62;
	v62 =	vld [tilespmem:s26+$0x4720];
	v12 =	vmul.f32 $1.658384350e-01, v63  }
0x4a7: {  	v45 =	vld [tilespmem:$0x1F9E0];
	v5 =	vsub.f32 v59, v41;
	v41 =	vmul.f32 $1.344106860e-03, v63;
	[tilespmem:s26+$0xC1F0] =	vst v61;
	v61 =	vmul.f32 v63, v63  }
0x4a8: {  	v2 =	vadd.f32 $-1.258291200e+07, v9;
	v9 =	vld [tilespmem:$0x1FA20]  }
0x4a9: {  	v3 =	vsub.f32 $9.994501470e-01, v12;
	v44 =	vsub.f32 $4.152230550e-02, v41;
	v12 =	vmul.f32 $1.906521540e-05, v61  }
0x4aa: {  	v59 =	vld [tilespmem:s26+$0x47E0]  }
0x4ab: {  	[tilespmem:s26+$0xC1C0] =	vst v46;
	v10 =	vmul.f32 v43, v62;
	v43 =	vadd.f32 v12, v44;
	v12 =	vld [tilespmem:$0x1FA80]  }
0x4ac: {  	[tilespmem:s26+$0xC1A0] =	vst v35;
	v35 =	vld [tilespmem:$0x1FA00]  }
0x4ad: {  	[tilespmem:s26+$0xC1E0] =	vst v42;
	v42 =	vld [tilespmem:$0x1FA40]  }
0x4ae: {  	[tilespmem:s26+$0xC1B0] =	vst v45;
	v45 =	vld [tilespmem:$0x1FA60];
	v46 =	vmul.f32 $1.477404440e-04, v63  }
0x4af: {  	[tilespmem:s26+$0xC210] =	vst v9;
	v9 =	vld [tilespmem:$0x1FA90]  }
0x4b0: {  	v0 =	vmul.f32 $1.935307170e-03, v0;
	v4 =	vmul.f32 v6, v4;
	v6 =	vsub.f32 $7.998575460e-03, v46;
	[tilespmem:s26+$0xC280] =	vst v12;
	v12 =	vld [tilespmem:$0x1FAA0]  }
0x4b1: {  	v46 =	vld [tilespmem:$0x1FA10];
	[tilespmem:s26+$0xC200] =	vst v35  }
0x4b2: {  	v0 =	vsub.f32 v5, v0;
	v6 =	vmul.f32 v6, v61;
	v35 =	vld [tilespmem:$0x1FA30];
	[tilespmem:s26+$0xC220] =	vst v42  }
0x4b3: {  	v41 =	vmul.f32 $6.281250000e+00, v2;
	v62 =	vmul.f32 v4, v62;
	[tilespmem:s26+$0xC230] =	vst v45;
	v44 =	vld [tilespmem:$0x1FA50]  }
0x4b4: {  	v4 =	vmul.f32 v0, v0;
	v3 =	vadd.f32 v6, v3;
	v6 =	vmul.f32 v59, v22;
	v59 =	vld [tilespmem:$0x1FA70];
	[tilespmem:s26+$0xC2C0] =	vst v9  }
0x4b5: {  	v2 =	vmul.f32 $1.935307170e-03, v2;
	v1 =	vsub.f32 v1, v41;
	v41 =	vmul.f32 $4.998376070e-01, v63;
	[tilespmem:s26+$0xC290] =	vst v12;
	v12 =	vld [tilespmem:$0x1FAE0]  }
0x4b6: {  	v42 =	vmul.f32 $1.658384350e-01, v4;
	[tilespmem:s26+$0xC240] =	vst v46;
	v5 =	vmul.f32 v43, v61  }
0x4b7: {  	v61 =	vmul.f32 $1.477404440e-04, v4;
	v46 =	vmul.f32 $1.591549370e-01, v6;
	[tilespmem:s26+$0xC250] =	vst v35  }
0x4b8: {  	v8 =	vld [tilespmem:$0x1FB20];
	v1 =	vsub.f32 v1, v2;
	v3 =	vmul.f32 v3, v11;
	v35 =	vmul.f32 $1.344106860e-03, v4;
	[tilespmem:s26+$0xC260] =	vst v44  }
0x4b9: {  	v63 =	vld [tilespmem:s26+$0x4730];
	v2 =	vsub.f32 $7.998575460e-03, v61;
	v11 =	vadd.f32 $1.258291200e+07, v46;
	v44 =	vmul.f32 v4, v4;
	[tilespmem:s26+$0xC270] =	vst v59  }
0x4ba: {  	v61 =	vsub.f32 $9.994501470e-01, v42;
	v59 =	vsub.f32 $9.999710910e-01, v41;
	[tilespmem:s26+$0xC2B0] =	vst v12;
	v12 =	vld [tilespmem:$0x1FB00]  }
0x4bb: {  	v9 =	vld [tilespmem:$0x1FAD0];
	v45 =	vsub.f32 $4.152230550e-02, v35;
	v11 =	vadd.f32 $-1.258291200e+07, v11;
	v43 =	vmul.f32 $1.906521540e-05, v44  }
0x4bc: {  	v46 =	vmul.f32 v1, v1;
	v2 =	vmul.f32 v2, v44;
	v5 =	vadd.f32 v5, v59;
	v59 =	vld [tilespmem:$0x1FAC0]  }
0x4bd: {  	v42 =	vld [tilespmem:s26+$0x4780];
	v45 =	vadd.f32 v43, v45;
	v35 =	vmul.f32 $6.281250000e+00, v11  }
0x4be: {  	v4 =	vmul.f32 $4.998376070e-01, v4;
	v43 =	vld [tilespmem:$0x1FAB0];
	v2 =	vadd.f32 v2, v61;
	v61 =	vmul.f32 $1.477404440e-04, v46  }
0x4bf: {  	v11 =	vmul.f32 $1.935307170e-03, v11;
	v44 =	vmul.f32 v45, v44;
	v6 =	vsub.f32 v6, v35;
	[tilespmem:s26+$0xC300] =	vst v12;
	v12 =	vld [tilespmem:$0x1FB30]  }
0x4c0: {  	[tilespmem:s26+$0xC310] =	vst v8;
	v45 =	vsub.f32 $7.998575460e-03, v61;
	v61 =	vmul.f32 v46, v46;
	v35 =	vmul.f32 $1.658384350e-01, v46  }
0x4c1: {  	v0 =	vmul.f32 v2, v0;
	[tilespmem:s26+$0xC2A0] =	vst v59;
	v59 =	vsub.f32 $9.999710910e-01, v4  }
0x4c2: {  	[tilespmem:s26+$0xC2E0] =	vst v9;
	v41 =	vld [tilespmem:s26+$0x47F0];
	v6 =	vsub.f32 v6, v11;
	v4 =	vsub.f32 $9.994501470e-01, v35;
	v35 =	vmul.f32 v45, v61  }
0x4c3: {  	v9 =	vmul.f32 v5, v63;
	[tilespmem:s26+$0xC2D0] =	vst v43;
	v43 =	vld [tilespmem:$0x1FAF0];
	v59 =	vadd.f32 v44, v59  }
0x4c4: {  	v8 =	vmul.f32 v0, v42;
	v0 =	vadd.f32 v35, v4;
	v4 =	vmul.f32 v6, v6;
	[tilespmem:s26+$0xC350] =	vst v12;
	v12 =	vld [tilespmem:$0x1FB50]  }
0x4c5: {  	v45 =	vld [tilespmem:$0x1FB10];
	v7 =	vmul.f32 v59, v42;
	v59 =	vmul.f32 $1.344106860e-03, v46  }
0x4c6: {  	v44 =	vmul.f32 v4, v4;
	v5 =	vmul.f32 $1.344106860e-03, v4  }
0x4c7: {  	v41 =	vmul.f32 v41, v22;
	v35 =	vmul.f32 $1.906521540e-05, v61;
	v11 =	vsub.f32 $4.152230550e-02, v59  }
0x4c8: {  	[tilespmem:s26+$0xC2F0] =	vst v43;
	v59 =	vld [tilespmem:$0x1FB40];
	v42 =	vsub.f32 $4.152230550e-02, v5;
	v43 =	vmul.f32 $1.906521540e-05, v44  }
0x4c9: {  	v2 =	vmul.f32 v0, v1;
	v1 =	vadd.f32 v35, v11;
	v35 =	vmul.f32 $1.591549370e-01, v41;
	[tilespmem:s26+$0xC360] =	vst v12;
	v12 =	vld [tilespmem:$0x1FB60]  }
0x4ca: {  	[tilespmem:s26+$0xC340] =	vst v45;
	v45 =	vmul.f32 $1.477404440e-04, v4;
	v0 =	vadd.f32 v43, v42;
	v43 =	vmul.f32 $1.658384350e-01, v4  }
0x4cb: {  	v11 =	vadd.f32 $1.258291200e+07, v35;
	v35 =	vld [tilespmem:$0x1FB70]  }
0x4cc: {  	v42 =	vsub.f32 $7.998575460e-03, v45;
	v45 =	vsub.f32 $9.994501470e-01, v43;
	v43 =	vld [tilespmem:$0x1FBA0]  }
0x4cd: {  	[tilespmem:s26+$0xC320] =	vst v59;
	v59 =	vld [tilespmem:s26+$0x4840]  }
0x4ce: {  	v46 =	vmul.f32 $4.998376070e-01, v46;
	[tilespmem:s26+$0xC330] =	vst v12;
	v12 =	vld [tilespmem:$0x1FB80]  }
0x4cf: {  	v1 =	vmul.f32 v1, v61;
	v61 =	vld [tilespmem:s26+$0x4790]  }
0x4d0: {  	v46 =	vsub.f32 $9.999710910e-01, v46;
	[tilespmem:s26+$0xC370] =	vst v35;
	v35 =	vld [tilespmem:$0x1FB90]  }
0x4d1: {  	v63 =	vmul.f32 v3, v63;
	v11 =	vadd.f32 $-1.258291200e+07, v11  }
0x4d2: {  	v4 =	vmul.f32 $4.998376070e-01, v4;
	v42 =	vmul.f32 v42, v44;
	v1 =	vadd.f32 v1, v46;
	v46 =	vld [tilespmem:s26+$0x47A0];
	[tilespmem:s26+$0xC390] =	vst v43  }
0x4d3: {  	v43 =	vmul.f32 $6.281250000e+00, v11;
	v59 =	vmul.f32 v59, v22;
	[tilespmem:s26+$0xC380] =	vst v12;
	v12 =	vld [tilespmem:$0x1FBB0]  }
0x4d4: {  	v42 =	vadd.f32 v42, v45;
	v45 =	vld [tilespmem:$0x1FBD0];
	v11 =	vmul.f32 $1.935307170e-03, v11;
	v3 =	vmul.f32 v1, v61  }
0x4d5: {  	v5 =	vmul.f32 v2, v61;
	v61 =	vld [tilespmem:$0x1FC20];
	v41 =	vsub.f32 v41, v43;
	[tilespmem:s26+$0xC3C0] =	vst v35;
	v35 =	vmul.f32 $1.591549370e-01, v59  }
0x4d6: {  	v0 =	vmul.f32 v0, v44;
	v4 =	vsub.f32 $9.999710910e-01, v4;
	v43 =	vld [tilespmem:s26+$0x4850]  }
0x4d7: {  	v2 =	vsub.f32 v41, v11;
	v41 =	vld [tilespmem:$0x1FBF0];
	v35 =	vadd.f32 $1.258291200e+07, v35  }
0x4d8: {  	v4 =	vadd.f32 v0, v4;
	[tilespmem:s26+$0xC3D0] =	vst v12;
	v12 =	vld [tilespmem:$0x1FBE0]  }
0x4d9: {  	v42 =	vmul.f32 v42, v6;
	v35 =	vadd.f32 $-1.258291200e+07, v35  }
0x4da: {  	[tilespmem:s26+$0xC3E0] =	vst v45;
	v6 =	vmul.f32 v4, v46;
	v4 =	vmul.f32 v2, v2  }
0x4db: {  	v11 =	vmul.f32 v42, v46;
	[tilespmem:s26+$0xC410] =	vst v61;
	v45 =	vmul.f32 $6.281250000e+00, v35  }
0x4dc: {  	v42 =	vmul.f32 v43, v22;
	v43 =	vmul.f32 v4, v4;
	[tilespmem:s26+$0xC3F0] =	vst v41  }
0x4dd: {  	v61 =	vld [tilespmem:$0x1FC40];
	v35 =	vmul.f32 $1.935307170e-03, v35;
	v41 =	vsub.f32 v59, v45;
	[tilespmem:s26+$0xC3B0] =	vst v12;
	v12 =	vmul.f32 $1.344106860e-03, v4  }
0x4de: {  	v46 =	vld [tilespmem:$0x1FC10]  }
0x4df: {  	v59 =	vld [tilespmem:$0x1FC30];
	v35 =	vsub.f32 v41, v35;
	v41 =	vsub.f32 $4.152230550e-02, v12;
	v12 =	vmul.f32 $1.906521540e-05, v43  }
0x4e0: {  	v44 =	vld [tilespmem:$0x1FBC0]  }
0x4e1: {  	v41 =	vadd.f32 v12, v41;
	v12 =	vld [tilespmem:$0x1FC70]  }
0x4e2: {  	[tilespmem:s26+$0xC420] =	vst v61;
	v61 =	vld [tilespmem:$0x1FC60]  }
0x4e3: {  	[tilespmem:s26+$0xC440] =	vst v46  }
0x4e4: {  	v46 =	vmul.f32 $1.591549370e-01, v42;
	[tilespmem:s26+$0xC450] =	vst v59;
	v59 =	vld [tilespmem:$0x1FC50]  }
0x4e5: {  	[tilespmem:s26+$0xC3A0] =	vst v44;
	v44 =	vld [tilespmem:$0x1FC00]  }
0x4e6: {  	v46 =	vadd.f32 $1.258291200e+07, v46;
	[tilespmem:s26+$0xC470] =	vst v12;
	v12 =	vld [tilespmem:$0x1FC90]  }
0x4e7: {  	v45 =	vmul.f32 $1.477404440e-04, v4;
	[tilespmem:s26+$0xC430] =	vst v61;
	v61 =	vld [tilespmem:$0x1FC80]  }
0x4e8: {  	v46 =	vadd.f32 $-1.258291200e+07, v46  }
0x4e9: {  	v45 =	vsub.f32 $7.998575460e-03, v45;
	[tilespmem:s26+$0xC460] =	vst v59;
	v59 =	vmul.f32 $1.658384350e-01, v4  }
0x4ea: {  	[tilespmem:s26+$0xC400] =	vst v44;
	v1 =	vmul.f32 $6.281250000e+00, v46  }
0x4eb: {  	v45 =	vmul.f32 v45, v43;
	v4 =	vmul.f32 $4.998376070e-01, v4;
	v59 =	vsub.f32 $9.994501470e-01, v59;
	[tilespmem:s26+$0xC4C0] =	vst v12;
	v12 =	vld [tilespmem:$0x1FCA0]  }
0x4ec: {  	v46 =	vmul.f32 $1.935307170e-03, v46;
	v44 =	vmul.f32 v35, v35;
	[tilespmem:s26+$0xC480] =	vst v61;
	v61 =	vld [tilespmem:s26+$0x4860]  }
0x4ed: {  	v4 =	vsub.f32 $9.999710910e-01, v4;
	v45 =	vadd.f32 v45, v59;
	v59 =	vld [tilespmem:$0x1FCB0];
	v41 =	vmul.f32 v41, v43  }
0x4ee: {  	[tilespmem:s26+$0xC4A0] =	vst v58;
	v1 =	vsub.f32 v42, v1;
	v0 =	vmul.f32 $1.344106860e-03, v44;
	v43 =	vmul.f32 v44, v44  }
0x4ef: {  	[tilespmem:s26+$0xC4B0] =	vst v57;
	v42 =	vmul.f32 $1.658384350e-01, v44;
	v4 =	vadd.f32 v41, v4;
	v41 =	vmul.f32 $1.477404440e-04, v44  }
0x4f0: {  	v0 =	vsub.f32 $4.152230550e-02, v0;
	[tilespmem:s26+$0xC490] =	vst v12;
	v12 =	vmov v22;
	v22 =	vmul.f32 $1.906521540e-05, v43  }
0x4f1: {  	[tilespmem:s26+$0xC4F0] =	vst v60;
	v1 =	vsub.f32 v1, v46;
	v2 =	vmul.f32 v45, v2;
	v41 =	vsub.f32 $7.998575460e-03, v41  }
0x4f2: {  	[tilespmem:s26+$0xC4D0] =	vst v59;
	v59 =	vld [tilespmem:s26+$0x47B0];
	v58 =	vmul.f32 v61, v12;
	v0 =	vadd.f32 v22, v0;
	v22 =	vmul.f32 $4.998376070e-01, v44  }
0x4f3: {  	[tilespmem:s26+$0xC500] =	vst v55;
	v46 =	vld [tilespmem:s26+$0x4800];
	v42 =	vsub.f32 $9.994501470e-01, v42;
	v45 =	vmul.f32 v1, v1;
	v41 =	vmul.f32 v41, v43  }
0x4f4: {  	[tilespmem:s26+$0xC540] =	vst v56;
	v61 =	vld [tilespmem:$0x1FCC0];
	v57 =	vmul.f32 $1.591549370e-01, v58;
	v22 =	vsub.f32 $9.999710910e-01, v22;
	v0 =	vmul.f32 v0, v43  }
0x4f5: {  	[tilespmem:s26+$0xC510] =	vst v53;
	v60 =	vmul.f32 $1.477404440e-04, v45;
	v41 =	vadd.f32 v41, v42;
	v43 =	vld [tilespmem:s26+$0x4870]  }
0x4f6: {  	[tilespmem:s26+$0xC550] =	vst v52;
	v56 =	vmul.f32 $1.344106860e-03, v45;
	v0 =	vadd.f32 v0, v22;
	v22 =	vadd.f32 $1.258291200e+07, v57  }
0x4f7: {  	[tilespmem:s26+$0xC520] =	vst v51;
	v35 =	vmul.f32 v41, v35;
	v44 =	vmul.f32 v4, v59  }
0x4f8: {  	[tilespmem:s26+$0xC560] =	vst v50;
	v4 =	vmul.f32 v2, v59;
	v42 =	vmul.f32 v0, v46;
	v0 =	vadd.f32 $-1.258291200e+07, v22  }
0x4f9: {  	v2 =	vsub.f32 $7.998575460e-03, v60;
	[tilespmem:s26+$0xC4E0] =	vst v61;
	v61 =	vmul.f32 $1.658384350e-01, v45;
	v22 =	vmul.f32 v45, v45  }
0x4fa: {  	[tilespmem:s26+$0xC570] =	vst v48;
	v43 =	vmul.f32 v43, v12;
	v57 =	vmul.f32 $6.281250000e+00, v0  }
0x4fb: {  	[tilespmem:s26+$0xC530] =	vst v49;
	v59 =	vsub.f32 $4.152230550e-02, v56;
	v41 =	vsub.f32 $9.994501470e-01, v61;
	v50 =	vmul.f32 v2, v22  }
0x4fc: {  	[tilespmem:s26+$0xC580] =	vst v54;
	v61 =	vmul.f32 $1.906521540e-05, v22;
	v56 =	vmul.f32 $1.591549370e-01, v43;
	v60 =	vsub.f32 v58, v57;
	v57 =	vld [tilespmem:s26+$0x48C0]  }
0x4fd: {  	[tilespmem:s26+$0xC5C0] =	vst v40;
	v0 =	vmul.f32 $1.935307170e-03, v0;
	v58 =	vadd.f32 v50, v41  }
0x4fe: {  	[tilespmem:s26+$0xC5D0] =	vst v39;
	v59 =	vadd.f32 v61, v59;
	v61 =	vadd.f32 $1.258291200e+07, v56  }
0x4ff: {  	[tilespmem:s26+$0xC590] =	vst v38;
	v2 =	vmul.f32 v35, v46;
	v0 =	vsub.f32 v60, v0;
	v60 =	vmul.f32 $4.998376070e-01, v45  }
0x500: {  	[tilespmem:s26+$0xC5E0] =	vst v37;
	v1 =	vmul.f32 v58, v1;
	v22 =	vmul.f32 v59, v22;
	v50 =	vadd.f32 $-1.258291200e+07, v61  }
0x501: {  	[tilespmem:s26+$0xC5A0] =	vst v36;
	v48 =	vmul.f32 v0, v0;
	v40 =	vmul.f32 v57, v12  }
0x502: {  	v56 =	vld [tilespmem:s26+$0x4810];
	v49 =	vsub.f32 $9.999710910e-01, v60;
	v53 =	vmul.f32 $6.281250000e+00, v50;
	v39 =	vmul.f32 $1.935307170e-03, v50  }
0x503: {  	[tilespmem:s26+$0xC5B0] =	vst v33;
	v51 =	vmul.f32 $1.344106860e-03, v48;
	v52 =	vmul.f32 v48, v48  }
0x504: {  	[tilespmem:s26+$0xC5F0] =	vst v34;
	v46 =	vld [tilespmem:s26+$0x48D0];
	v22 =	vadd.f32 v22, v49;
	v54 =	vmul.f32 $1.477404440e-04, v48;
	v58 =	vmul.f32 $1.658384350e-01, v48  }
0x505: {  	[tilespmem:s26+$0xC600] =	vst v31;
	v35 =	vmul.f32 $4.998376070e-01, v48;
	v55 =	vmul.f32 $1.591549370e-01, v40;
	v38 =	vsub.f32 v43, v53  }
0x506: {  	v36 =	vsub.f32 $4.152230550e-02, v51;
	v57 =	vmul.f32 $1.906521540e-05, v52;
	v41 =	vsub.f32 $7.998575460e-03, v54  }
0x507: {  	[tilespmem:s26+$0xC620] =	vst v25;
	v25 =	vmul.f32 v1, v56;
	v34 =	vsub.f32 $9.994501470e-01, v58;
	v45 =	vadd.f32 $1.258291200e+07, v55  }
0x508: {  	[tilespmem:s26+$0xC640] =	vst v32;
	v22 =	vmul.f32 v22, v56;
	v59 =	vadd.f32 v57, v36;
	v36 =	vsub.f32 v38, v39  }
0x509: {  	[tilespmem:s26+$0xC610] =	vst v29;
	v56 =	vmul.f32 v46, v12;
	v60 =	vmul.f32 v41, v52;
	v61 =	vadd.f32 $-1.258291200e+07, v45  }
0x50a: {  	[tilespmem:s26+$0xC650] =	vst v30;
	v43 =	vsub.f32 $9.999710910e-01, v35;
	v31 =	vmul.f32 v59, v52;
	v45 =	vmul.f32 v36, v36  }
0x50b: {  	[tilespmem:s26+$0xC660] =	vst v28;
	v48 =	vadd.f32 v60, v34;
	v60 =	vmul.f32 $1.591549370e-01, v56;
	v49 =	vmul.f32 $6.281250000e+00, v61  }
0x50c: {  	[tilespmem:s26+$0xC630] =	vst v27;
	v53 =	vmul.f32 $1.935307170e-03, v61;
	v51 =	vmul.f32 $1.477404440e-04, v45  }
0x50d: {  	v32 =	vld [tilespmem:s26+$0x4820];
	[tilespmem:s26+$0xC670] =	vst v26;
	v50 =	vadd.f32 v31, v43;
	v55 =	vmul.f32 $1.658384350e-01, v45;
	v52 =	vsub.f32 v40, v49  }
0x50e: {  	[tilespmem:s26+$0xC680] =	vst v23;
	v54 =	vmul.f32 v45, v45;
	v57 =	vmul.f32 $1.344106860e-03, v45;
	v29 =	vsub.f32 $7.998575460e-03, v51  }
0x50f: {  	[tilespmem:s26+$0xC6C0] =	vst v24;
	v0 =	vmul.f32 v48, v0;
	v58 =	vsub.f32 $9.994501470e-01, v55;
	v28 =	vsub.f32 v52, v53  }
0x510: {  	[tilespmem:s26+$0xC690] =	vst v21;
	v21 =	vsub.f32 $4.152230550e-02, v57;
	v61 =	vmul.f32 $1.906521540e-05, v54;
	v23 =	vmul.f32 v29, v54  }
0x511: {  	[tilespmem:s26+$0xC6D0] =	vst v20;
	v34 =	vld [tilespmem:s26+$0x48E0];
	v33 =	vadd.f32 $1.258291200e+07, v60;
	v35 =	vmul.f32 $4.998376070e-01, v45;
	v59 =	vmul.f32 v28, v28  }
0x512: {  	[tilespmem:s26+$0xC6A0] =	vst v18;
	v1 =	vmul.f32 v50, v32;
	v21 =	vadd.f32 v61, v21;
	v20 =	vadd.f32 v23, v58  }
0x513: {  	[tilespmem:s26+$0xC6E0] =	vst v19;
	v0 =	vmul.f32 v0, v32;
	v24 =	vadd.f32 $-1.258291200e+07, v33;
	v23 =	vmul.f32 $1.477404440e-04, v59  }
0x514: {  	[tilespmem:s26+$0xC6B0] =	vst v16;
	v46 =	vld [tilespmem:s26+$0x48F0];
	v18 =	vsub.f32 $9.999710910e-01, v35;
	v39 =	vmul.f32 v20, v36;
	v20 =	vmul.f32 v21, v54  }
0x515: {  	[tilespmem:s26+$0xC6F0] =	vst v17;
	v37 =	vmul.f32 v59, v59;
	v38 =	vmul.f32 $1.658384350e-01, v59;
	v21 =	vld [tilespmem:s26+$0x4830];
	v23 =	vsub.f32 $7.998575460e-03, v23  }
0x516: {  	[tilespmem:s26+$0xC700] =	vst v14;
	v45 =	vmul.f32 $1.344106860e-03, v59;
	v43 =	vadd.f32 v20, v18;
	v20 =	vmul.f32 v34, v12  }
0x517: {  	[tilespmem:s26+$0xC740] =	vst v15;
	v41 =	vmul.f32 v23, v37;
	v23 =	vmul.f32 $6.281250000e+00, v24  }
0x518: {  	v50 =	vmul.f32 $1.935307170e-03, v24;
	v40 =	vsub.f32 $9.994501470e-01, v38;
	v18 =	vsub.f32 $4.152230550e-02, v45  }
0x519: {  	[tilespmem:s26+$0xC710] =	vst v13;
	v60 =	vld [tilespmem:s26+$0x4880];
	v51 =	vmul.f32 $1.591549370e-01, v20;
	v49 =	vsub.f32 v56, v23;
	v23 =	vmul.f32 $1.906521540e-05, v37  }
0x51a: {  	[tilespmem:s26+$0xC750] =	vst v47;
	v48 =	vadd.f32 v41, v40;
	v13 =	vmul.f32 v43, v21;
	v56 =	vmul.f32 v46, v12  }
0x51b: {  	[tilespmem:s26+$0xC720] =	vst v10;
	v14 =	vmul.f32 v39, v21;
	v54 =	vadd.f32 $1.258291200e+07, v51;
	v52 =	vsub.f32 v49, v50  }
0x51c: {  	[tilespmem:s26+$0xC760] =	vst v62;
	v28 =	vmul.f32 v48, v28;
	v53 =	vadd.f32 v23, v18;
	v21 =	vmul.f32 $1.591549370e-01, v56  }
0x51d: {  	[tilespmem:s26+$0xC730] =	vst v9;
	v57 =	vmul.f32 $4.998376070e-01, v59;
	v17 =	vadd.f32 $-1.258291200e+07, v54;
	v55 =	vmul.f32 v52, v52  }
0x51e: {  	[tilespmem:s26+$0xC770] =	vst v63;
	v15 =	vmul.f32 v53, v37;
	v21 =	vadd.f32 $1.258291200e+07, v21;
	v37 =	vmul.f32 v28, v60  }
0x51f: {  	[tilespmem:s26+$0xC780] =	vst v7;
	v19 =	vsub.f32 $9.999710910e-01, v57;
	v59 =	vmul.f32 $6.281250000e+00, v17;
	v24 =	vmul.f32 $1.935307170e-03, v17  }
0x520: {  	[tilespmem:s26+$0xC7C0] =	vst v8;
	v58 =	vmul.f32 $1.477404440e-04, v55;
	v23 =	vmul.f32 $1.658384350e-01, v55;
	v27 =	vadd.f32 $-1.258291200e+07, v21  }
0x521: {  	[tilespmem:s26+$0xC790] =	vst v3;
	v61 =	vmul.f32 v55, v55;
	v29 =	vadd.f32 v15, v19;
	v20 =	vsub.f32 v20, v59  }
0x522: {  	v10 =	vmul.f32 $4.998376070e-01, v55;
	v9 =	vsub.f32 $7.998575460e-03, v58;
	v62 =	vsub.f32 $9.994501470e-01, v23  }
0x523: {  	[tilespmem:s26+$0xC7D0] =	vst v5;
	v23 =	vmul.f32 $1.344106860e-03, v55;
	v31 =	vmul.f32 $1.906521540e-05, v61;
	v32 =	vsub.f32 v20, v24  }
0x524: {  	[tilespmem:s26+$0xC7A0] =	vst v6;
	v33 =	vmul.f32 $6.281250000e+00, v27;
	v63 =	vmul.f32 v9, v61  }
0x525: {  	[tilespmem:s26+$0xC7E0] =	vst v11;
	v5 =	vmul.f32 v29, v60;
	v30 =	vsub.f32 $4.152230550e-02, v23;
	v35 =	vmul.f32 v32, v32  }
0x526: {  	[tilespmem:s26+$0xC7B0] =	vst v44;
	v36 =	vmul.f32 $1.935307170e-03, v27;
	v8 =	vsub.f32 v56, v33;
	v3 =	vadd.f32 v63, v62  }
0x527: {  	[tilespmem:s26+$0xC7F0] =	vst v4;
	v34 =	vadd.f32 v31, v30;
	v39 =	vmul.f32 $1.477404440e-04, v35;
	v41 =	vmul.f32 v35, v35  }
0x528: {  	[tilespmem:s26+$0xC800] =	vst v42;
	v8 =	vsub.f32 v8, v36;
	v42 =	vmul.f32 $1.344106860e-03, v35;
	v43 =	vmul.f32 $1.658384350e-01, v35  }
0x529: {  	[tilespmem:s26+$0xC840] =	vst v2;
	v38 =	vsub.f32 $9.999710910e-01, v10;
	v11 =	vmul.f32 $4.998376070e-01, v35;
	v9 =	vmul.f32 v34, v61  }
0x52a: {  	v47 =	vld [tilespmem:s26+$0x4890];
	[tilespmem:s26+$0xC810] =	vst v22;
	v3 =	vmul.f32 v3, v52;
	v15 =	vmul.f32 v8, v8;
	v10 =	vsub.f32 $7.998575460e-03, v39  }
0x52b: {  	v22 =	vmovc v12;
	v44 =	vmul.f32 $1.906521540e-05, v41;
	v12 =	vsub.f32 $9.994501470e-01, v43;
	v11 =	vsub.f32 $9.999710910e-01, v11  }
0x52c: {  	[tilespmem:s26+$0xC850] =	vst v25;
	v40 =	vadd.f32 v9, v38;
	v45 =	vmul.f32 v15, v15;
	v46 =	vmul.f32 $1.344106860e-03, v15  }
0x52d: {  	v9 =	vsub.f32 $4.152230550e-02, v42;
	v48 =	vmul.f32 $1.477404440e-04, v15;
	v51 =	vmul.f32 $1.658384350e-01, v15  }
0x52e: {  	[tilespmem:s26+$0xC820] =	vst v1;
	v10 =	vmul.f32 v10, v41;
	v18 =	vsub.f32 $4.152230550e-02, v46;
	v49 =	vmul.f32 $1.906521540e-05, v45  }
0x52f: {  	[tilespmem:s26+$0xC860] =	vst v0;
	v50 =	vld [tilespmem:s26+$0x48A0];
	v53 =	vmul.f32 $4.998376070e-01, v15;
	v9 =	vadd.f32 v44, v9;
	v16 =	vsub.f32 $7.998575460e-03, v48  }
0x530: {  	[tilespmem:s26+$0xC830] =	vst v13;
	v1 =	vmul.f32 v3, v47;
	v10 =	vadd.f32 v10, v12;
	v52 =	vadd.f32 v49, v18  }
0x531: {  	[tilespmem:s26+$0xC870] =	vst v14;
	v54 =	vld [tilespmem:s26+$0x48B0];
	v7 =	vmul.f32 v9, v41;
	v9 =	vsub.f32 $9.994501470e-01, v51;
	v55 =	vmul.f32 v16, v45  }
0x532: {  	[tilespmem:s26+$0xC8C0] =	vst v37;
	v57 =	vsub.f32 $9.999710910e-01, v53;
	v58 =	vmul.f32 v10, v32;
	v56 =	vmul.f32 v52, v45  }
0x533: {  	[tilespmem:s26+$0xC880] =	vst v5;
	v2 =	vmul.f32 v40, v47;
	v7 =	vadd.f32 v7, v11;
	v59 =	vadd.f32 v55, v9  }
0x534: {  	p0 =	slt.u32 s24, $0x70;
	[tilespmem:s26+$0xC8D0] =	vst v1;
	v0 =	vmul.f32 v58, v50;
	v60 =	vadd.f32 v56, v57  }
.Ltmp4:
0x535: {  	[tilespmem:s26+$0xC890] =	vst v2;
	v61 =	vmul.f32 v7, v50;
	v62 =	vmul.f32 v59, v8;
	(pc) =	sbr.rel @p0 .LBB2_9-.Ltmp4, $4  }
0x536: {  	[tilespmem:s26+$0xC8E0] =	vst v0;
	v2 =	vmul.f32 v60, v54  }
0x537: {  	[tilespmem:s26+$0xC8A0] =	vst v61;
	v63 =	vmul.f32 v62, v54  }
0x538: {  	[tilespmem:s26+$0xC8B0] =	vst v2  }
0x539: {  	s24 =	sadd.s32 $0x10, s24;
	[tilespmem:s26+$0xC8F0] =	vst v63  }
0x53a: {  	s22 =	sadd.s32 $0x1, s22  }
0x53b: {  	s23 =	smul.u32 $0x6400, s23;
	p0 =	sne.s32 s22, $0x19  }
.Ltmp5:
0x53c: {  	_ = 	snop;
	(pc) =	sbr.rel @p0 .LBB2_2-.Ltmp5, $4  }
0x53d: {  	s23 =	sadd.s32 s25, s23  }
0x53e: {  	s23 =	sshrl.u32 s23, $0x3  }
0x53f: {  	s23 =	sadd.s32 s4, s23  }
0x540: {  	[hbm4b:s23+s11] =	stream.strided.scatter [tilespmem:s19], [sflag:$0x4], $0x4000, s15, s11, $0x38;
	[tilespmem:$0x10100] =	vst v63  }
0x541: {  	s21 =	sadd.s32 $0x1, s21  }
0x542: {  	_ =	swait.ge [sflag:s20], $0x4000;
	p0 =	sne.s32 s21, s9  }
.Ltmp6:
0x543: {  	[sflag:s20] =	ssyncset.done $0x0;
	(pc) =	sbr.rel @p0 .LBB2_1-.Ltmp6, $4  }
0x544: {  	[sflag:s20] =	ssyncadd.s32 $0xFFFFC000  }
0x545: {  	_ =	swait.ge [sflag:s18], $0x4000  }
0x546: {  	[sflag:s18] =	ssyncset.done $0x0  }
0x547: {  	[sflag:s18] =	ssyncadd.s32 $0xFFFFC000  }
0x548: {  	_ =	sfence.sel $0x180000  }
0x549: {  	[bflag:$0x0] =	sbarrier.arrive $0xFFFF  }
0x54a: {  	p0 =	sne.s32 s1, $0x0;
	_ =	strace $0x90000047  }
0x54b: {  	s0 =	sadd.s32 @!p0 $0x100000, s0;
	[bflag:$0x2] =	sbarrier.arrive $0xFFFF  }
0x54c: {  	[sflag:s0] =	ssyncadd.tile.s32 @!p0 $0x1;
	_ =	shalt  }
.Lfunc_end2:
_tile_overlayer_lowered:
.L_overlay_start_2:
0x54d: {  	(tag) =	ssettag $0x2  }
0x54e: {  	s0 =	rddreg [dreg:$0x0];
	s2 =	stileid.u32  }
0x54f: {  	s1 =	rddreg [dreg:$0x1];
	p0 =	sne.s32 s2, $0x0  }
0x550: {  	s3 =	rddreg [dreg:$0x2];
	[bflag:$0x3] =	sbarrier.arrive $0xFFFF;
	s2 =	simm.s32 @!p0 $0x1C05  }
0x551: {  	[timem:s3], [sflag:s2] =	dma.local @!p0 [hbm:s0], s1  }
0x552: {  	s0 =	simm.s32 @!p0 $0x5  }
0x553: {  	_ =	swait.ge @!p0 [sflag:s0], s1  }
0x554: {  	s1 =	ssub.s32 @!p0 $0x0, s1;
	[sflag:s0] =	ssyncset.done @!p0 $0x0  }
0x555: {  	[sflag:s0] =	ssyncadd.s32 @!p0 s1  }
0x556: {  	[bflag:$0x3] =	sbarrier.arrive $0xFFFF  }
0x557: {  	_ =	shalt  }

</sc_bundles>
